<compile_context>
chip_gen: v7x
topology: tpu7x:2x2x1
jax: 0.10.2.dev20260603
libtpu: 0.0.44.dev20260713+nightly
codegen_flags: <defaults>
</compile_context>

<pallas_src>
import functools

import jax
import jax.numpy as jnp
from jax import lax
from jax.experimental import pallas as pl
from jax.experimental.pallas import tpu as pltpu
from jax.experimental.pallas import tpu_sc as plsc

N = 10000
E = 320000
D = 128
HD = D // 2

NC = 2
NS = 16
NW = NC * NS

CH = 80
CHS = 128
NSLOT = 4

NPAD = 10240
DEG_PT = NPAD // NS
ROWS_PT = NPAD // NS
ZROWS = 64

EPT_DEG = E // NW
NCH_DEG = EPT_DEG // CH
NBODY_DEG = NCH_DEG // NSLOT
NTAIL_DEG = NCH_DEG - NBODY_DEG * NSLOT

EPT_SC = E // NS
NCH_SC = EPT_SC // CHS
NBODY_SC = NCH_SC // NSLOT
NTAIL_SC = NCH_SC - NBODY_SC * NSLOT
CHT = EPT_SC - NCH_SC * CHS

_mesh = plsc.VectorSubcoreMesh(core_axis_name="c", subcore_axis_name="s")


@functools.partial(
    pl.kernel,
    out_type=jax.ShapeDtypeStruct((NC, NPAD), jnp.float32),
    mesh=_mesh,
    scratch_types=(
        [pltpu.VMEM((CH,), jnp.int32)] * (2 * NSLOT)
        + [
            pltpu.VMEM((CH,), jnp.float32),
            pltpu.VMEM((DEG_PT,), jnp.float32),
            pltpu.VMEM_SHARED((NPAD,), jnp.float32),
        ]
        + [pltpu.SemaphoreType.DMA] * (NSLOT + 1)
    ),
)
def _deg_sc(row_hbm, col_hbm, out_hbm, *refs):
    ridx = refs[0:NSLOT]
    cidx = refs[NSLOT:2 * NSLOT]
    ones_v, zeros_v, deg_sh = refs[2 * NSLOT:2 * NSLOT + 3]
    semi = refs[2 * NSLOT + 3:3 * NSLOT + 3]
    sems = refs[3 * NSLOT + 3]

    c = lax.axis_index("c")
    s = lax.axis_index("s")
    wid = s * NC + c

    def fill(i, _):
        ones_v[pl.ds(i * 16, 16)] = jnp.ones((16,), jnp.float32)
        return 0

    lax.fori_loop(0, CH // 16, fill, 0)

    def zfill(i, _):
        zeros_v[pl.ds(i * 16, 16)] = jnp.zeros((16,), jnp.float32)
        return 0

    lax.fori_loop(0, DEG_PT // 16, zfill, 0)
    pltpu.sync_copy(zeros_v, deg_sh.at[pl.ds(s * DEG_PT, DEG_PT)])
    plsc.subcore_barrier()

    def chunk_base(i):
        return wid * EPT_DEG + i * CH

    def body(j, _):
        di = []
        for b in range(NSLOT):
            base = chunk_base(j * NSLOT + b)
            di.append(pltpu.async_copy(row_hbm.at[pl.ds(base, CH)],
                                       ridx[b], semi[b]))
            di.append(pltpu.async_copy(col_hbm.at[pl.ds(base, CH)],
                                       cidx[b], semi[b]))
        sc = []
        for b in range(NSLOT):
            di[2 * b].wait()
            di[2 * b + 1].wait()
            sc.append(pltpu.async_copy(ones_v, deg_sh.at[ridx[b]], sems,
                                       add=True))
            sc.append(pltpu.async_copy(ones_v, deg_sh.at[cidx[b]], sems,
                                       add=True))
        for d in sc:
            d.wait()
        return 0

    lax.fori_loop(0, NBODY_DEG, body, 0)

    for t in range(NTAIL_DEG):
        base = chunk_base(NBODY_DEG * NSLOT + t)
        pltpu.sync_copy(row_hbm.at[pl.ds(base, CH)], ridx[0])
        pltpu.sync_copy(col_hbm.at[pl.ds(base, CH)], cidx[0])
        pltpu.sync_copy(ones_v, deg_sh.at[ridx[0]], add=True)
        pltpu.sync_copy(ones_v, deg_sh.at[cidx[0]], add=True)

    plsc.subcore_barrier()
    pltpu.sync_copy(deg_sh.at[pl.ds(s * DEG_PT, DEG_PT)],
                    out_hbm.at[c, pl.ds(s * DEG_PT, DEG_PT)])


@functools.partial(
    pl.kernel,
    out_type=jax.ShapeDtypeStruct((NPAD, D), jnp.float32),
    mesh=_mesh,
    compiler_params=pltpu.CompilerParams(use_tc_tiling_on_sc=False),
    scratch_types=(
        [pltpu.VMEM((CHS,), jnp.int32)] * (6 * NSLOT)
        + [pltpu.VMEM((CHS, HD), jnp.float32)] * (2 * NSLOT)
        + [pltpu.VMEM((CHT,), jnp.int32)] * 4
        + [pltpu.VMEM((CHT, HD), jnp.float32)] * 2
        + [
            pltpu.VMEM((ZROWS, HD), jnp.float32),
            pltpu.VMEM_SHARED((NPAD, HD), jnp.float32),
        ]
        + [pltpu.SemaphoreType.DMA] * (3 * NSLOT + 1)
    ),
)
def _scat_sc(row_hbm, col_hbm, gflat_hbm, out_hbm, *refs):
    ridx = refs[0:NSLOT]
    cidx = refs[NSLOT:2 * NSLOT]
    radj = refs[2 * NSLOT:3 * NSLOT]
    cadj = refs[3 * NSLOT:4 * NSLOT]
    sridx = refs[4 * NSLOT:5 * NSLOT]
    scidx = refs[5 * NSLOT:6 * NSLOT]
    bufa = refs[6 * NSLOT:7 * NSLOT]
    bufb = refs[7 * NSLOT:8 * NSLOT]
    tidx = refs[8 * NSLOT:8 * NSLOT + 4]
    tbuf = refs[8 * NSLOT + 4:8 * NSLOT + 6]
    zbuf, acc_sh = refs[8 * NSLOT + 6:8 * NSLOT + 8]
    semi = refs[8 * NSLOT + 8:9 * NSLOT + 8]
    semg = refs[9 * NSLOT + 8:10 * NSLOT + 8]
    semh = refs[10 * NSLOT + 8:11 * NSLOT + 8]
    sems = refs[11 * NSLOT + 8]

    c = lax.axis_index("c")
    s = lax.axis_index("s")
    coff = c * HD
    goff = c * N

    def zfill(i, _):
        j = i // (HD // 16)
        k = i % (HD // 16)
        zbuf[j, pl.ds(k * 16, 16)] = jnp.zeros((16,), jnp.float32)
        return 0

    lax.fori_loop(0, ZROWS * (HD // 16), zfill, 0)

    def zinit(t, _):
        pltpu.sync_copy(zbuf, acc_sh.at[pl.ds(s * ROWS_PT + t * ZROWS, ZROWS)])
        return 0

    lax.fori_loop(0, ROWS_PT // ZROWS, zinit, 0)
    plsc.subcore_barrier()

    def chunk_base(i):
        return s * EPT_SC + i * CHS

    def adjust(b):
        def adj(k, _):
            sl = pl.ds(k * 16, 16)
            radj[b][sl] = ridx[b][sl] + goff
            cadj[b][sl] = cidx[b][sl] + goff
            return 0

        lax.fori_loop(0, CHS // 16, adj, 0)

    def drain_scatters(b):
        pltpu.make_async_copy(bufa[b], acc_sh.at[scidx[b]], sems).wait()
        pltpu.make_async_copy(bufb[b], acc_sh.at[sridx[b]], sems).wait()

    def body(j, _):
        di = []
        for b in range(NSLOT):
            base = chunk_base(j * NSLOT + b)
            di.append(pltpu.async_copy(row_hbm.at[pl.ds(base, CHS)],
                                       ridx[b], semi[b]))
            di.append(pltpu.async_copy(col_hbm.at[pl.ds(base, CHS)],
                                       cidx[b], semi[b]))
        dg = []
        for b in range(NSLOT):
            di[2 * b].wait()
            di[2 * b + 1].wait()
            adjust(b)

            @pl.when(j > 0)
            def _():
                drain_scatters(b)

            dg.append(pltpu.async_copy(gflat_hbm.at[radj[b]], bufa[b],
                                       semg[b]))
            dg.append(pltpu.async_copy(gflat_hbm.at[cadj[b]], bufb[b],
                                       semh[b]))
        for b in range(NSLOT):
            def cp(k, _):
                sl = pl.ds(k * 16, 16)
                sridx[b][sl] = ridx[b][sl]
                scidx[b][sl] = cidx[b][sl]
                return 0

            lax.fori_loop(0, CHS // 16, cp, 0)
            dg[2 * b].wait()
            pltpu.async_copy(bufa[b], acc_sh.at[scidx[b]], sems, add=True)
            dg[2 * b + 1].wait()
            pltpu.async_copy(bufb[b], acc_sh.at[sridx[b]], sems, add=True)
        return 0

    lax.fori_loop(0, NBODY_SC, body, 0)
    for b in range(NSLOT):
        drain_scatters(b)

    tbase = s * EPT_SC + NCH_SC * CHS
    pltpu.sync_copy(row_hbm.at[pl.ds(tbase, CHT)], tidx[0])
    pltpu.sync_copy(col_hbm.at[pl.ds(tbase, CHT)], tidx[1])

    def tadj(k, _):
        sl = pl.ds(k * 16, 16)
        tidx[2][sl] = tidx[0][sl] + goff
        tidx[3][sl] = tidx[1][sl] + goff
        return 0

    lax.fori_loop(0, CHT // 16, tadj, 0)
    cpa = pltpu.async_copy(gflat_hbm.at[tidx[2]], tbuf[0], semg[0])
    cpb = pltpu.async_copy(gflat_hbm.at[tidx[3]], tbuf[1], semg[1])
    cpa.wait()
    cpb.wait()
    pltpu.sync_copy(tbuf[0], acc_sh.at[tidx[1]], add=True)
    pltpu.sync_copy(tbuf[1], acc_sh.at[tidx[0]], add=True)

    plsc.subcore_barrier()
    pltpu.sync_copy(acc_sh.at[pl.ds(s * ROWS_PT, ROWS_PT)],
                    out_hbm.at[pl.ds(s * ROWS_PT, ROWS_PT), pl.ds(coff, HD)])


BR = 2000


def _mm_body(x_ref, wt_ref, b_ref, h_ref):
    h_ref[...] = jnp.dot(x_ref[...], wt_ref[...],
                         preferred_element_type=jnp.float32) + b_ref[...]


def _mm(x, wt, b2):
    return pl.pallas_call(
        _mm_body,
        grid=(N // BR,),
        in_specs=[
            pl.BlockSpec((BR, D), lambda i: (i, 0)),
            pl.BlockSpec((D, D), lambda i: (0, 0)),
            pl.BlockSpec((1, D), lambda i: (0, 0)),
        ],
        out_specs=pl.BlockSpec((BR, D), lambda i: (i, 0)),
        out_shape=jax.ShapeDtypeStruct((N, D), jnp.float32),
    )(x, wt, b2)


def _scale_body(h_ref, degp_ref, gg_ref, dis_ref):
    deg = degp_ref[0] + degp_ref[1] + 1.0
    dis = lax.rsqrt(deg)
    dis_ref[...] = dis
    g = h_ref[...] * dis
    gg_ref[0] = g[:, :HD]
    gg_ref[1] = g[:, HD:]


def _scale(h, degp3):
    return pl.pallas_call(
        _scale_body,
        grid=(N // BR,),
        in_specs=[
            pl.BlockSpec((BR, D), lambda i: (i, 0)),
            pl.BlockSpec((NC, BR, 1), lambda i: (0, i, 0)),
        ],
        out_specs=[
            pl.BlockSpec((NC, BR, HD), lambda i: (0, i, 0)),
            pl.BlockSpec((BR, 1), lambda i: (i, 0)),
        ],
        out_shape=[
            jax.ShapeDtypeStruct((NC, N, HD), jnp.float32),
            jax.ShapeDtypeStruct((N, 1), jnp.float32),
        ],
    )(h, degp3)


def _final_body(acc_ref, gg_ref, dis_ref, o_ref):
    g = jnp.concatenate([gg_ref[0], gg_ref[1]], axis=1)
    tot = (acc_ref[...] + g) * dis_ref[...]
    o_ref[...] = jnp.maximum(tot, 0.0)


def _finalize(accv, gg, dis):
    return pl.pallas_call(
        _final_body,
        grid=(N // BR,),
        in_specs=[
            pl.BlockSpec((BR, D), lambda i: (i, 0)),
            pl.BlockSpec((NC, BR, HD), lambda i: (0, i, 0)),
            pl.BlockSpec((BR, 1), lambda i: (i, 0)),
        ],
        out_specs=pl.BlockSpec((BR, D), lambda i: (i, 0)),
        out_shape=jax.ShapeDtypeStruct((N, D), jnp.float32),
    )(accv, gg, dis)


def kernel(x, edge_index, W, b):
    ei = edge_index.astype(jnp.int32)
    row = ei[0]
    col = ei[1]

    h = _mm(x, W.T, b.reshape(1, D))
    degp = _deg_sc(row, col)

    gg, dis = _scale(h, degp.reshape(NC, NPAD, 1))
    gflat = gg.reshape(NC * N, HD)
    accv = _scat_sc(row, col, gflat)
    return _finalize(accv, gg, dis)

# --- scband reference (transcript-rebuilt; emitter-appended) ---
"""Pipeline reference for scband-gcnlayer-20134806684030 (READ-ONLY COPY).

The authoritative reference and input builder live on the scoring server;
editing this copy changes nothing except your own understanding.
"""

import jax, jax.numpy as jnp
import numpy as np

N_NODES = 10000
N_EDGES = 320000
D_IN = 128
D_OUT = 128

def setup_inputs(seed: int = 0) -> dict:
    key = jax.random.key(seed)
    k1, k2, k3, k4 = jax.random.split(key, 4)
    x = jax.random.normal(k1, (N_NODES, D_IN), dtype=jnp.float32)
    edge_index = jax.random.randint(k2, (2, N_EDGES), 0, N_NODES, dtype=jnp.int64)
    bound = 1.0 / np.sqrt(D_IN)
    W = jax.random.uniform(k3, (D_OUT, D_IN), dtype=jnp.float32, minval=-bound, maxval=bound)
    b = jax.random.uniform(k4, (D_OUT,), dtype=jnp.float32, minval=-bound, maxval=bound)
    return {"x": x, "edge_index": edge_index, "W": W, "b": b}

def reference(x, edge_index, W, b):
    num_nodes = x.shape[0]
    row = edge_index[0]
    col = edge_index[1]
    loop = jnp.arange(num_nodes, dtype=edge_index.dtype)
    # symmetrize + self loops, matching gcn_norm
    rows = jnp.concatenate([row, col, loop])
    cols = jnp.concatenate([col, row, loop])
    deg = jnp.zeros((num_nodes,), dtype=jnp.float32).at[rows].add(jnp.ones_like(rows, dtype=jnp.float32))
    deg_inv_sqrt = jnp.power(deg, -0.5)
    deg_inv_sqrt = jnp.where(jnp.isinf(deg_inv_sqrt), 0.0, deg_inv_sqrt)
    norm = deg_inv_sqrt[rows] * deg_inv_sqrt[cols]
    h = x @ W.T + b
    msg = jnp.take(h, rows, axis=0) * norm[:, None]
    out = jnp.zeros_like(h).at[cols].add(msg)
    return jax.nn.relu(out)

if __name__ == "__main__":
    import jax
    _d = setup_inputs()
    print(jax.jit(kernel)(*tuple(_d.values())))

</pallas_src>

<mosaic_0001>
#map = affine_map<(d0, d1) -> (0)>
#map1 = affine_map<(d0, d1) -> (0, 0)>
module attributes {stable_mosaic.version = 14 : i64} {
  func.func @_scat_sc(%arg0: i32, %arg1: i32, %arg2: memref<320000xi32, #tpu.memory_space<hbm>>, %arg3: memref<320000xi32, #tpu.memory_space<hbm>>, %arg4: memref<20000x64xf32, #tpu.memory_space<hbm>>, %arg5: memref<10240x128xf32, #tpu.memory_space<hbm>>, %arg6: memref<128xi32, #tpu.memory_space<vmem>>, %arg7: memref<128xi32, #tpu.memory_space<vmem>>, %arg8: memref<128xi32, #tpu.memory_space<vmem>>, %arg9: memref<128xi32, #tpu.memory_space<vmem>>, %arg10: memref<128xi32, #tpu.memory_space<vmem>>, %arg11: memref<128xi32, #tpu.memory_space<vmem>>, %arg12: memref<128xi32, #tpu.memory_space<vmem>>, %arg13: memref<128xi32, #tpu.memory_space<vmem>>, %arg14: memref<128xi32, #tpu.memory_space<vmem>>, %arg15: memref<128xi32, #tpu.memory_space<vmem>>, %arg16: memref<128xi32, #tpu.memory_space<vmem>>, %arg17: memref<128xi32, #tpu.memory_space<vmem>>, %arg18: memref<128xi32, #tpu.memory_space<vmem>>, %arg19: memref<128xi32, #tpu.memory_space<vmem>>, %arg20: memref<128xi32, #tpu.memory_space<vmem>>, %arg21: memref<128xi32, #tpu.memory_space<vmem>>, %arg22: memref<128xi32, #tpu.memory_space<vmem>>, %arg23: memref<128xi32, #tpu.memory_space<vmem>>, %arg24: memref<128xi32, #tpu.memory_space<vmem>>, %arg25: memref<128xi32, #tpu.memory_space<vmem>>, %arg26: memref<128xi32, #tpu.memory_space<vmem>>, %arg27: memref<128xi32, #tpu.memory_space<vmem>>, %arg28: memref<128xi32, #tpu.memory_space<vmem>>, %arg29: memref<128xi32, #tpu.memory_space<vmem>>, %arg30: memref<128x64xf32, #tpu.memory_space<vmem>>, %arg31: memref<128x64xf32, #tpu.memory_space<vmem>>, %arg32: memref<128x64xf32, #tpu.memory_space<vmem>>, %arg33: memref<128x64xf32, #tpu.memory_space<vmem>>, %arg34: memref<128x64xf32, #tpu.memory_space<vmem>>, %arg35: memref<128x64xf32, #tpu.memory_space<vmem>>, %arg36: memref<128x64xf32, #tpu.memory_space<vmem>>, %arg37: memref<128x64xf32, #tpu.memory_space<vmem>>, %arg38: memref<32xi32, #tpu.memory_space<vmem>>, %arg39: memref<32xi32, #tpu.memory_space<vmem>>, %arg40: memref<32xi32, #tpu.memory_space<vmem>>, %arg41: memref<32xi32, #tpu.memory_space<vmem>>, %arg42: memref<32x64xf32, #tpu.memory_space<vmem>>, %arg43: memref<32x64xf32, #tpu.memory_space<vmem>>, %arg44: memref<64x64xf32, #tpu.memory_space<vmem>>, %arg45: memref<10240x64xf32, #tpu.memory_space<vmem_shared>>, %arg46: memref<!tpu.dma_semaphore, #tpu.memory_space<semaphore_mem>>, %arg47: memref<!tpu.dma_semaphore, #tpu.memory_space<semaphore_mem>>, %arg48: memref<!tpu.dma_semaphore, #tpu.memory_space<semaphore_mem>>, %arg49: memref<!tpu.dma_semaphore, #tpu.memory_space<semaphore_mem>>, %arg50: memref<!tpu.dma_semaphore, #tpu.memory_space<semaphore_mem>>, %arg51: memref<!tpu.dma_semaphore, #tpu.memory_space<semaphore_mem>>, %arg52: memref<!tpu.dma_semaphore, #tpu.memory_space<semaphore_mem>>, %arg53: memref<!tpu.dma_semaphore, #tpu.memory_space<semaphore_mem>>, %arg54: memref<!tpu.dma_semaphore, #tpu.memory_space<semaphore_mem>>, %arg55: memref<!tpu.dma_semaphore, #tpu.memory_space<semaphore_mem>>, %arg56: memref<!tpu.dma_semaphore, #tpu.memory_space<semaphore_mem>>, %arg57: memref<!tpu.dma_semaphore, #tpu.memory_space<semaphore_mem>>, %arg58: memref<!tpu.dma_semaphore, #tpu.memory_space<semaphore_mem>>) attributes {dimension_semantics = [#tpu.dimension_semantics<core_parallel>, #tpu.dimension_semantics<subcore_parallel>], iteration_bounds = array<i64: 2, 16>, scalar_prefetch = 0 : i64, scratch_operands = 53 : i64, tpu.core_type = #tpu.core_type<sc_vector_subcore>, window_params = [{transform_indices = #map}, {transform_indices = #map}, {transform_indices = #map1}, {transform_indices = #map1}]} {
    %mul3A = arith.constant 64 : i32
    %mul3A_0 = arith.muli %arg0, %mul3A : i32
    %mul3A_1 = arith.constant 10000 : i32
    %mul3A_2 = arith.muli %arg0, %mul3A_1 : i32
    %scan3A = arith.constant 0 : i32
    %scan3A_3 = arith.constant 0 : i32
    %scan3A_4 = arith.constant 256 : i32
    %scan3A_5 = arith.addi %scan3A_3, %scan3A_4 : i32
    %scan3A_6 = arith.constant 1 : i32
    %scan3A_7 = scf.for %scan3A_72 = %scan3A_3 to %scan3A_5 step %scan3A_6 iter_args(%scan3A_73 = %scan3A) -> (i32)  : i32 {
      %jit3A = arith.constant 4 : i32
      %div3A = arith.divsi %scan3A_72, %jit3A : i32
      %sign3A = arith.constant 0 : i32
      %sign3A_74 = arith.cmpi sgt, %scan3A_72, %sign3A : i32
      %sign3A_75 = arith.extui %sign3A_74 : i1 to i32
      %sign3A_76 = arith.constant 0 : i32
      %sign3A_77 = arith.cmpi slt, %scan3A_72, %sign3A_76 : i32
      %sign3A_78 = arith.extui %sign3A_77 : i1 to i32
      %sign3A_79 = arith.subi %sign3A_75, %sign3A_78 : i32
      %sign3A_80 = arith.constant 0 : i32
      %sign3A_81 = arith.cmpi sgt, %jit3A, %sign3A_80 : i32
      %sign3A_82 = arith.extui %sign3A_81 : i1 to i32
      %sign3A_83 = arith.constant 0 : i32
      %sign3A_84 = arith.cmpi slt, %jit3A, %sign3A_83 : i32
      %sign3A_85 = arith.extui %sign3A_84 : i1 to i32
      %sign3A_86 = arith.subi %sign3A_82, %sign3A_85 : i32
      %ne3A = arith.cmpi ne, %sign3A_79, %sign3A_86 : i32
      %rem3A = arith.remsi %scan3A_72, %jit3A : i32
      %ne3A_87 = arith.constant 0 : i32
      %ne3A_88 = arith.cmpi ne, %rem3A, %ne3A_87 : i32
      %and3A = arith.andi %ne3A, %ne3A_88 : i1
      %sub3A = arith.constant 1 : i32
      %sub3A_89 = arith.subi %div3A, %sub3A : i32
      %select_n3A = arith.select %and3A, %sub3A_89, %div3A : i32
      %jit3A_90 = arith.constant 4 : i32
      %eq3A = arith.constant 0 : i32
      %eq3A_91 = arith.cmpi eq, %jit3A_90, %eq3A : i32
      %jit3A_92 = arith.constant 1 : i32
      %select_n3A_93 = arith.select %eq3A_91, %jit3A_92, %jit3A_90 : i32
      %rem3A_94 = arith.remsi %scan3A_72, %select_n3A_93 : i32
      %ne3A_95 = arith.constant 0 : i32
      %ne3A_96 = arith.cmpi ne, %rem3A_94, %ne3A_95 : i32
      %lt3A = arith.constant 0 : i32
      %lt3A_97 = arith.cmpi slt, %rem3A_94, %lt3A : i32
      %lt3A_98 = arith.constant 0 : i32
      %lt3A_99 = arith.cmpi slt, %select_n3A_93, %lt3A_98 : i32
      %ne3A_100 = arith.xori %lt3A_97, %lt3A_99 : i1
      %and3A_101 = arith.andi %ne3A_100, %ne3A_96 : i1
      %add3A_102 = arith.addi %rem3A_94, %select_n3A_93 : i32
      %select_n3A_103 = arith.select %and3A_101, %add3A_102, %rem3A_94 : i32
      %broadcast_in_dim3A = arith.constant 0.000000e+00 : f32
      %broadcast_in_dim3A_104 = vector.broadcast %broadcast_in_dim3A : f32 to vector<16xf32>
      %mul3A_105 = arith.constant 16 : i32
      %mul3A_106 = arith.muli %select_n3A_103, %mul3A_105 : i32
      %swap3A = arith.index_cast %select_n3A : i32 to index
      %swap3A_107 = arith.index_cast %mul3A_106 : i32 to index
      %swap3A_108 = tpu.vector_load %arg44[%swap3A, %swap3A_107] {strides = array<i32>} : memref<64x64xf32, #tpu.memory_space<vmem>>, vector<1x16xf32>,
      %swap3A_109 = vector.shape_cast %swap3A_108 : vector<1x16xf32> to vector<16xf32>
      %swap3A_110 = vector.shape_cast %broadcast_in_dim3A_104 : vector<16xf32> to vector<1x16xf32>
      tpu.vector_store %arg44[%swap3A, %swap3A_107], %swap3A_110 {strides = array<i32>} : memref<64x64xf32, #tpu.memory_space<vmem>>, vector<1x16xf32>,
      %scan3A_111 = arith.constant 0 : i32
      scf.yield %scan3A_111 : i32
    }
    %scan3A_8 = arith.constant 256 : i32
    %scan3A_9 = arith.constant 0 : i32
    %scan3A_10 = arith.constant 0 : i32
    %scan3A_11 = arith.constant 10 : i32
    %scan3A_12 = arith.addi %scan3A_10, %scan3A_11 : i32
    %scan3A_13 = arith.constant 1 : i32
    %scan3A_14 = scf.for %scan3A_72 = %scan3A_10 to %scan3A_12 step %scan3A_13 iter_args(%scan3A_73 = %scan3A_9) -> (i32)  : i32 {
      %mul3A_74 = arith.constant 640 : i32
      %mul3A_75 = arith.muli %arg1, %mul3A_74 : i32
      %mul3A_76 = arith.constant 64 : i32
      %mul3A_77 = arith.muli %scan3A_72, %mul3A_76 : i32
      %add3A_78 = arith.addi %mul3A_75, %mul3A_77 : i32
      "tpu.region"() ({
        %run_scoped3A = tpu.sem_alloc : memref<!tpu.dma_semaphore, #tpu.memory_space<semaphore_mem>>
        %dma_start3A_80 = arith.constant 0 : i32
        %dma_start3A_81 = tpu.memref_slice %arg45[%add3A_78, %dma_start3A_80] : memref<10240x64xf32, #tpu.memory_space<vmem_shared>> -> memref<64x64xf32, #tpu.memory_space<vmem_shared>>
        %dma_start3A_82 = arith.constant 0 : i32
        %dma_start3A_83 = tpu.memref_slice %arg45[%add3A_78, %dma_start3A_82] : memref<10240x64xf32, #tpu.memory_space<vmem_shared>> -> memref<64x64xf32, #tpu.memory_space<vmem_shared>>
        tpu.enqueue_dma source(%arg44 : memref<64x64xf32, #tpu.memory_space<vmem>>) target(%dma_start3A_83 : memref<64x64xf32, #tpu.memory_space<vmem_shared>>) target_semaphore(%run_scoped3A : memref<!tpu.dma_semaphore, #tpu.memory_space<semaphore_mem>>)
        %dma_wait3A_84 = arith.constant 0 : i32
        %dma_wait3A_85 = tpu.memref_slice %arg45[%add3A_78, %dma_wait3A_84] : memref<10240x64xf32, #tpu.memory_space<vmem_shared>> -> memref<64x64xf32, #tpu.memory_space<vmem_shared>>
        %dma_wait3A_86 = arith.constant 0 : i32
        %dma_wait3A_87 = tpu.memref_slice %arg45[%add3A_78, %dma_wait3A_86] : memref<10240x64xf32, #tpu.memory_space<vmem_shared>> -> memref<64x64xf32, #tpu.memory_space<vmem_shared>>
        tpu.wait_dma2 semaphore(%run_scoped3A : memref<!tpu.dma_semaphore, #tpu.memory_space<semaphore_mem>>) src(%arg44 : memref<64x64xf32, #tpu.memory_space<vmem>>) dst(%dma_wait3A_87 : memref<64x64xf32, #tpu.memory_space<vmem_shared>>)
        tpu.yield
      }) : () -> ()
      %scan3A_79 = arith.constant 0 : i32
      scf.yield %scan3A_79 : i32
    }
    %scan3A_15 = arith.constant 10 : i32
    %barrier3A = arith.constant 0 : index
    tpu.barrier barrier_id(%barrier3A)
    %scan3A_16 = arith.constant 0 : i32
    %scan3A_17 = arith.constant 0 : i32
    %scan3A_18 = arith.constant 39 : i32
    %scan3A_19 = arith.addi %scan3A_17, %scan3A_18 : i32
    %scan3A_20 = arith.constant 1 : i32
    %scan3A_21 = scf.for %scan3A_72 = %scan3A_17 to %scan3A_19 step %scan3A_20 iter_args(%scan3A_73 = %scan3A_16) -> (i32)  : i32 {
      %mul3A_74 = arith.constant 4 : i32
      %mul3A_75 = arith.muli %scan3A_72, %mul3A_74 : i32
      %add3A_76 = arith.constant 0 : i32
      %add3A_77 = arith.addi %mul3A_75, %add3A_76 : i32
      %mul3A_78 = arith.constant 20000 : i32
      %mul3A_79 = arith.muli %arg1, %mul3A_78 : i32
      %mul3A_80 = arith.constant 128 : i32
      %mul3A_81 = arith.muli %add3A_77, %mul3A_80 : i32
      %add3A_82 = arith.addi %mul3A_79, %mul3A_81 : i32
      %dma_start3A_83 = tpu.memref_slice %arg2[%add3A_82] : memref<320000xi32, #tpu.memory_space<hbm>> -> memref<128xi32, #tpu.memory_space<hbm>>
      %dma_start3A_84 = tpu.memref_slice %arg2[%add3A_82] : memref<320000xi32, #tpu.memory_space<hbm>> -> memref<128xi32, #tpu.memory_space<hbm>>
      tpu.enqueue_dma source(%dma_start3A_84 : memref<128xi32, #tpu.memory_space<hbm>>) target(%arg6 : memref<128xi32, #tpu.memory_space<vmem>>) target_semaphore(%arg46 : memref<!tpu.dma_semaphore, #tpu.memory_space<semaphore_mem>>)
      %dma_start3A_85 = tpu.memref_slice %arg3[%add3A_82] : memref<320000xi32, #tpu.memory_space<hbm>> -> memref<128xi32, #tpu.memory_space<hbm>>
      %dma_start3A_86 = tpu.memref_slice %arg3[%add3A_82] : memref<320000xi32, #tpu.memory_space<hbm>> -> memref<128xi32, #tpu.memory_space<hbm>>
      tpu.enqueue_dma source(%dma_start3A_86 : memref<128xi32, #tpu.memory_space<hbm>>) target(%arg10 : memref<128xi32, #tpu.memory_space<vmem>>) target_semaphore(%arg46 : memref<!tpu.dma_semaphore, #tpu.memory_space<semaphore_mem>>)
      %mul3A_87 = arith.constant 4 : i32
      %mul3A_88 = arith.muli %scan3A_72, %mul3A_87 : i32
      %add3A_89 = arith.constant 1 : i32
      %add3A_90 = arith.addi %mul3A_88, %add3A_89 : i32
      %mul3A_91 = arith.constant 20000 : i32
      %mul3A_92 = arith.muli %arg1, %mul3A_91 : i32
      %mul3A_93 = arith.constant 128 : i32
      %mul3A_94 = arith.muli %add3A_90, %mul3A_93 : i32
      %add3A_95 = arith.addi %mul3A_92, %mul3A_94 : i32
      %dma_start3A_96 = tpu.memref_slice %arg2[%add3A_95] : memref<320000xi32, #tpu.memory_space<hbm>> -> memref<128xi32, #tpu.memory_space<hbm>>
      %dma_start3A_97 = tpu.memref_slice %arg2[%add3A_95] : memref<320000xi32, #tpu.memory_space<hbm>> -> memref<128xi32, #tpu.memory_space<hbm>>
      tpu.enqueue_dma source(%dma_start3A_97 : memref<128xi32, #tpu.memory_space<hbm>>) target(%arg7 : memref<128xi32, #tpu.memory_space<vmem>>) target_semaphore(%arg47 : memref<!tpu.dma_semaphore, #tpu.memory_space<semaphore_mem>>)
      %dma_start3A_98 = tpu.memref_slice %arg3[%add3A_95] : memref<320000xi32, #tpu.memory_space<hbm>> -> memref<128xi32, #tpu.memory_space<hbm>>
      %dma_start3A_99 = tpu.memref_slice %arg3[%add3A_95] : memref<320000xi32, #tpu.memory_space<hbm>> -> memref<128xi32, #tpu.memory_space<hbm>>
      tpu.enqueue_dma source(%dma_start3A_99 : memref<128xi32, #tpu.memory_space<hbm>>) target(%arg11 : memref<128xi32, #tpu.memory_space<vmem>>) target_semaphore(%arg47 : memref<!tpu.dma_semaphore, #tpu.memory_space<semaphore_mem>>)
      %mul3A_100 = arith.constant 4 : i32
      %mul3A_101 = arith.muli %scan3A_72, %mul3A_100 : i32
      %add3A_102 = arith.constant 2 : i32
      %add3A_103 = arith.addi %mul3A_101, %add3A_102 : i32
      %mul3A_104 = arith.constant 20000 : i32
      %mul3A_105 = arith.muli %arg1, %mul3A_104 : i32
      %mul3A_106 = arith.constant 128 : i32
      %mul3A_107 = arith.muli %add3A_103, %mul3A_106 : i32
      %add3A_108 = arith.addi %mul3A_105, %mul3A_107 : i32
      %dma_start3A_109 = tpu.memref_slice %arg2[%add3A_108] : memref<320000xi32, #tpu.memory_space<hbm>> -> memref<128xi32, #tpu.memory_space<hbm>>
      %dma_start3A_110 = tpu.memref_slice %arg2[%add3A_108] : memref<320000xi32, #tpu.memory_space<hbm>> -> memref<128xi32, #tpu.memory_space<hbm>>
      tpu.enqueue_dma source(%dma_start3A_110 : memref<128xi32, #tpu.memory_space<hbm>>) target(%arg8 : memref<128xi32, #tpu.memory_space<vmem>>) target_semaphore(%arg48 : memref<!tpu.dma_semaphore, #tpu.memory_space<semaphore_mem>>)
      %dma_start3A_111 = tpu.memref_slice %arg3[%add3A_108] : memref<320000xi32, #tpu.memory_space<hbm>> -> memref<128xi32, #tpu.memory_space<hbm>>
      %dma_start3A_112 = tpu.memref_slice %arg3[%add3A_108] : memref<320000xi32, #tpu.memory_space<hbm>> -> memref<128xi32, #tpu.memory_space<hbm>>
      tpu.enqueue_dma source(%dma_start3A_112 : memref<128xi32, #tpu.memory_space<hbm>>) target(%arg12 : memref<128xi32, #tpu.memory_space<vmem>>) target_semaphore(%arg48 : memref<!tpu.dma_semaphore, #tpu.memory_space<semaphore_mem>>)
      %mul3A_113 = arith.constant 4 : i32
      %mul3A_114 = arith.muli %scan3A_72, %mul3A_113 : i32
      %add3A_115 = arith.constant 3 : i32
      %add3A_116 = arith.addi %mul3A_114, %add3A_115 : i32
      %mul3A_117 = arith.constant 20000 : i32
      %mul3A_118 = arith.muli %arg1, %mul3A_117 : i32
      %mul3A_119 = arith.constant 128 : i32
      %mul3A_120 = arith.muli %add3A_116, %mul3A_119 : i32
      %add3A_121 = arith.addi %mul3A_118, %mul3A_120 : i32
      %dma_start3A_122 = tpu.memref_slice %arg2[%add3A_121] : memref<320000xi32, #tpu.memory_space<hbm>> -> memref<128xi32, #tpu.memory_space<hbm>>
      %dma_start3A_123 = tpu.memref_slice %arg2[%add3A_121] : memref<320000xi32, #tpu.memory_space<hbm>> -> memref<128xi32, #tpu.memory_space<hbm>>
      tpu.enqueue_dma source(%dma_start3A_123 : memref<128xi32, #tpu.memory_space<hbm>>) target(%arg9 : memref<128xi32, #tpu.memory_space<vmem>>) target_semaphore(%arg49 : memref<!tpu.dma_semaphore, #tpu.memory_space<semaphore_mem>>)
      %dma_start3A_124 = tpu.memref_slice %arg3[%add3A_121] : memref<320000xi32, #tpu.memory_space<hbm>> -> memref<128xi32, #tpu.memory_space<hbm>>
      %dma_start3A_125 = tpu.memref_slice %arg3[%add3A_121] : memref<320000xi32, #tpu.memory_space<hbm>> -> memref<128xi32, #tpu.memory_space<hbm>>
      tpu.enqueue_dma source(%dma_start3A_125 : memref<128xi32, #tpu.memory_space<hbm>>) target(%arg13 : memref<128xi32, #tpu.memory_space<vmem>>) target_semaphore(%arg49 : memref<!tpu.dma_semaphore, #tpu.memory_space<semaphore_mem>>)
      %dma_wait3A_126 = tpu.memref_slice %arg2[%add3A_82] : memref<320000xi32, #tpu.memory_space<hbm>> -> memref<128xi32, #tpu.memory_space<hbm>>
      %dma_wait3A_127 = tpu.memref_slice %arg2[%add3A_82] : memref<320000xi32, #tpu.memory_space<hbm>> -> memref<128xi32, #tpu.memory_space<hbm>>
      tpu.wait_dma2 semaphore(%arg46 : memref<!tpu.dma_semaphore, #tpu.memory_space<semaphore_mem>>) src(%dma_wait3A_127 : memref<128xi32, #tpu.memory_space<hbm>>) dst(%arg6 : memref<128xi32, #tpu.memory_space<vmem>>)
      %dma_wait3A_128 = tpu.memref_slice %arg3[%add3A_82] : memref<320000xi32, #tpu.memory_space<hbm>> -> memref<128xi32, #tpu.memory_space<hbm>>
      %dma_wait3A_129 = tpu.memref_slice %arg3[%add3A_82] : memref<320000xi32, #tpu.memory_space<hbm>> -> memref<128xi32, #tpu.memory_space<hbm>>
      tpu.wait_dma2 semaphore(%arg46 : memref<!tpu.dma_semaphore, #tpu.memory_space<semaphore_mem>>) src(%dma_wait3A_129 : memref<128xi32, #tpu.memory_space<hbm>>) dst(%arg10 : memref<128xi32, #tpu.memory_space<vmem>>)
      %scan3A_130 = arith.constant 0 : i32
      %scan3A_131 = arith.constant 0 : i32
      %scan3A_132 = arith.constant 8 : i32
      %scan3A_133 = arith.addi %scan3A_131, %scan3A_132 : i32
      %scan3A_134 = arith.constant 1 : i32
      %scan3A_135 = scf.for %scan3A_288 = %scan3A_131 to %scan3A_133 step %scan3A_134 iter_args(%scan3A_289 = %scan3A_130) -> (i32)  : i32 {
        %mul3A_290 = arith.constant 16 : i32
        %mul3A_291 = arith.muli %scan3A_288, %mul3A_290 : i32
        %get3A = arith.index_cast %mul3A_291 : i32 to index
        %get3A_292 = tpu.vector_load %arg6[%get3A] {strides = array<i32>} : memref<128xi32, #tpu.memory_space<vmem>>, vector<16xi32>,
        %get3A_293 = vector.shape_cast %get3A_292 : vector<16xi32> to vector<16xi32>
        %add3A_294 = vector.broadcast %mul3A_2 : i32 to vector<16xi32>
        %add3A_295 = arith.addi %get3A_293, %add3A_294 : vector<16xi32>
        %swap3A = arith.index_cast %mul3A_291 : i32 to index
        %swap3A_296 = tpu.vector_load %arg14[%swap3A] {strides = array<i32>} : memref<128xi32, #tpu.memory_space<vmem>>, vector<16xi32>,
        %swap3A_297 = vector.shape_cast %swap3A_296 : vector<16xi32> to vector<16xi32>
        %swap3A_298 = vector.shape_cast %add3A_295 : vector<16xi32> to vector<16xi32>
        tpu.vector_store %arg14[%swap3A], %swap3A_298 {strides = array<i32>} : memref<128xi32, #tpu.memory_space<vmem>>, vector<16xi32>,
        %get3A_299 = arith.index_cast %mul3A_291 : i32 to index
        %get3A_300 = tpu.vector_load %arg10[%get3A_299] {strides = array<i32>} : memref<128xi32, #tpu.memory_space<vmem>>, vector<16xi32>,
        %get3A_301 = vector.shape_cast %get3A_300 : vector<16xi32> to vector<16xi32>
        %add3A_302 = vector.broadcast %mul3A_2 : i32 to vector<16xi32>
        %add3A_303 = arith.addi %get3A_301, %add3A_302 : vector<16xi32>
        %swap3A_304 = arith.index_cast %mul3A_291 : i32 to index
        %swap3A_305 = tpu.vector_load %arg18[%swap3A_304] {strides = array<i32>} : memref<128xi32, #tpu.memory_space<vmem>>, vector<16xi32>,
        %swap3A_306 = vector.shape_cast %swap3A_305 : vector<16xi32> to vector<16xi32>
        %swap3A_307 = vector.shape_cast %add3A_303 : vector<16xi32> to vector<16xi32>
        tpu.vector_store %arg18[%swap3A_304], %swap3A_307 {strides = array<i32>} : memref<128xi32, #tpu.memory_space<vmem>>, vector<16xi32>,
        %scan3A_308 = arith.constant 0 : i32
        scf.yield %scan3A_308 : i32
      }
      %scan3A_136 = arith.constant 8 : i32
      %gt3A = arith.constant 0 : i32
      %gt3A_137 = arith.cmpi sgt, %scan3A_72, %gt3A : i32
      %convert_element_type3A = arith.extui %gt3A_137 : i1 to i32
      %cond3A = arith.constant 0 : i32
      %cond3A_138 = arith.cmpi ne, %convert_element_type3A, %cond3A : i32
      scf.if %cond3A_138 {
        %dma_wait3A_288 = arith.constant 0 : i32
        %dma_wait3A_289 = arith.constant 0 : i32
        %dma_wait3A_290 = tpu.memref_slice %arg45[%dma_wait3A_288, %dma_wait3A_289] : memref<10240x64xf32, #tpu.memory_space<vmem_shared>> -> memref<10240x64xf32, #tpu.memory_space<vmem_shared>>
        tpu.wait_indirect_dma semaphore(%arg58 : memref<!tpu.dma_semaphore, #tpu.memory_space<semaphore_mem>>) src(%arg30 : memref<128x64xf32, #tpu.memory_space<vmem>>) dst(%dma_wait3A_290 : memref<10240x64xf32, #tpu.memory_space<vmem_shared>>)
        %dma_wait3A_291 = arith.constant 0 : i32
        %dma_wait3A_292 = arith.constant 0 : i32
        %dma_wait3A_293 = tpu.memref_slice %arg45[%dma_wait3A_291, %dma_wait3A_292] : memref<10240x64xf32, #tpu.memory_space<vmem_shared>> -> memref<10240x64xf32, #tpu.memory_space<vmem_shared>>
        tpu.wait_indirect_dma semaphore(%arg58 : memref<!tpu.dma_semaphore, #tpu.memory_space<semaphore_mem>>) src(%arg34 : memref<128x64xf32, #tpu.memory_space<vmem>>) dst(%dma_wait3A_293 : memref<10240x64xf32, #tpu.memory_space<vmem_shared>>)
      } else {
      }
      %dma_start3A_139 = arith.constant 0 : i32
      %dma_start3A_140 = arith.constant 0 : i32
      %dma_start3A_141 = tpu.memref_slice %arg4[%dma_start3A_139, %dma_start3A_140] : memref<20000x64xf32, #tpu.memory_space<hbm>> -> memref<20000x64xf32, #tpu.memory_space<hbm>>
      tpu.enqueue_indirect_dma source(%dma_start3A_141 : memref<20000x64xf32, #tpu.memory_space<hbm>>) target(%arg30 : memref<128x64xf32, #tpu.memory_space<vmem>>) offsets(%arg14 : memref<128xi32, #tpu.memory_space<vmem>>) semaphore(%arg50 : memref<!tpu.dma_semaphore, #tpu.memory_space<semaphore_mem>>)
      %dma_start3A_142 = arith.constant 0 : i32
      %dma_start3A_143 = arith.constant 0 : i32
      %dma_start3A_144 = tpu.memref_slice %arg4[%dma_start3A_142, %dma_start3A_143] : memref<20000x64xf32, #tpu.memory_space<hbm>> -> memref<20000x64xf32, #tpu.memory_space<hbm>>
      tpu.enqueue_indirect_dma source(%dma_start3A_144 : memref<20000x64xf32, #tpu.memory_space<hbm>>) target(%arg34 : memref<128x64xf32, #tpu.memory_space<vmem>>) offsets(%arg18 : memref<128xi32, #tpu.memory_space<vmem>>) semaphore(%arg54 : memref<!tpu.dma_semaphore, #tpu.memory_space<semaphore_mem>>)
      %dma_wait3A_145 = tpu.memref_slice %arg2[%add3A_95] : memref<320000xi32, #tpu.memory_space<hbm>> -> memref<128xi32, #tpu.memory_space<hbm>>
      %dma_wait3A_146 = tpu.memref_slice %arg2[%add3A_95] : memref<320000xi32, #tpu.memory_space<hbm>> -> memref<128xi32, #tpu.memory_space<hbm>>
      tpu.wait_dma2 semaphore(%arg47 : memref<!tpu.dma_semaphore, #tpu.memory_space<semaphore_mem>>) src(%dma_wait3A_146 : memref<128xi32, #tpu.memory_space<hbm>>) dst(%arg7 : memref<128xi32, #tpu.memory_space<vmem>>)
      %dma_wait3A_147 = tpu.memref_slice %arg3[%add3A_95] : memref<320000xi32, #tpu.memory_space<hbm>> -> memref<128xi32, #tpu.memory_space<hbm>>
      %dma_wait3A_148 = tpu.memref_slice %arg3[%add3A_95] : memref<320000xi32, #tpu.memory_space<hbm>> -> memref<128xi32, #tpu.memory_space<hbm>>
      tpu.wait_dma2 semaphore(%arg47 : memref<!tpu.dma_semaphore, #tpu.memory_space<semaphore_mem>>) src(%dma_wait3A_148 : memref<128xi32, #tpu.memory_space<hbm>>) dst(%arg11 : memref<128xi32, #tpu.memory_space<vmem>>)
      %scan3A_149 = arith.constant 0 : i32
      %scan3A_150 = arith.constant 0 : i32
      %scan3A_151 = arith.constant 8 : i32
      %scan3A_152 = arith.addi %scan3A_150, %scan3A_151 : i32
      %scan3A_153 = arith.constant 1 : i32
      %scan3A_154 = scf.for %scan3A_288 = %scan3A_150 to %scan3A_152 step %scan3A_153 iter_args(%scan3A_289 = %scan3A_149) -> (i32)  : i32 {
        %mul3A_290 = arith.constant 16 : i32
        %mul3A_291 = arith.muli %scan3A_288, %mul3A_290 : i32
        %get3A = arith.index_cast %mul3A_291 : i32 to index
        %get3A_292 = tpu.vector_load %arg7[%get3A] {strides = array<i32>} : memref<128xi32, #tpu.memory_space<vmem>>, vector<16xi32>,
        %get3A_293 = vector.shape_cast %get3A_292 : vector<16xi32> to vector<16xi32>
        %add3A_294 = vector.broadcast %mul3A_2 : i32 to vector<16xi32>
        %add3A_295 = arith.addi %get3A_293, %add3A_294 : vector<16xi32>
        %swap3A = arith.index_cast %mul3A_291 : i32 to index
        %swap3A_296 = tpu.vector_load %arg15[%swap3A] {strides = array<i32>} : memref<128xi32, #tpu.memory_space<vmem>>, vector<16xi32>,
        %swap3A_297 = vector.shape_cast %swap3A_296 : vector<16xi32> to vector<16xi32>
        %swap3A_298 = vector.shape_cast %add3A_295 : vector<16xi32> to vector<16xi32>
        tpu.vector_store %arg15[%swap3A], %swap3A_298 {strides = array<i32>} : memref<128xi32, #tpu.memory_space<vmem>>, vector<16xi32>,
        %get3A_299 = arith.index_cast %mul3A_291 : i32 to index
        %get3A_300 = tpu.vector_load %arg11[%get3A_299] {strides = array<i32>} : memref<128xi32, #tpu.memory_space<vmem>>, vector<16xi32>,
        %get3A_301 = vector.shape_cast %get3A_300 : vector<16xi32> to vector<16xi32>
        %add3A_302 = vector.broadcast %mul3A_2 : i32 to vector<16xi32>
        %add3A_303 = arith.addi %get3A_301, %add3A_302 : vector<16xi32>
        %swap3A_304 = arith.index_cast %mul3A_291 : i32 to index
        %swap3A_305 = tpu.vector_load %arg19[%swap3A_304] {strides = array<i32>} : memref<128xi32, #tpu.memory_space<vmem>>, vector<16xi32>,
        %swap3A_306 = vector.shape_cast %swap3A_305 : vector<16xi32> to vector<16xi32>
        %swap3A_307 = vector.shape_cast %add3A_303 : vector<16xi32> to vector<16xi32>
        tpu.vector_store %arg19[%swap3A_304], %swap3A_307 {strides = array<i32>} : memref<128xi32, #tpu.memory_space<vmem>>, vector<16xi32>,
        %scan3A_308 = arith.constant 0 : i32
        scf.yield %scan3A_308 : i32
      }
      %scan3A_155 = arith.constant 8 : i32
      %gt3A_156 = arith.constant 0 : i32
      %gt3A_157 = arith.cmpi sgt, %scan3A_72, %gt3A_156 : i32
      %convert_element_type3A_158 = arith.extui %gt3A_157 : i1 to i32
      %cond3A_159 = arith.constant 0 : i32
      %cond3A_160 = arith.cmpi ne, %convert_element_type3A_158, %cond3A_159 : i32
      scf.if %cond3A_160 {
        %dma_wait3A_288 = arith.constant 0 : i32
        %dma_wait3A_289 = arith.constant 0 : i32
        %dma_wait3A_290 = tpu.memref_slice %arg45[%dma_wait3A_288, %dma_wait3A_289] : memref<10240x64xf32, #tpu.memory_space<vmem_shared>> -> memref<10240x64xf32, #tpu.memory_space<vmem_shared>>
        tpu.wait_indirect_dma semaphore(%arg58 : memref<!tpu.dma_semaphore, #tpu.memory_space<semaphore_mem>>) src(%arg31 : memref<128x64xf32, #tpu.memory_space<vmem>>) dst(%dma_wait3A_290 : memref<10240x64xf32, #tpu.memory_space<vmem_shared>>)
        %dma_wait3A_291 = arith.constant 0 : i32
        %dma_wait3A_292 = arith.constant 0 : i32
        %dma_wait3A_293 = tpu.memref_slice %arg45[%dma_wait3A_291, %dma_wait3A_292] : memref<10240x64xf32, #tpu.memory_space<vmem_shared>> -> memref<10240x64xf32, #tpu.memory_space<vmem_shared>>
        tpu.wait_indirect_dma semaphore(%arg58 : memref<!tpu.dma_semaphore, #tpu.memory_space<semaphore_mem>>) src(%arg35 : memref<128x64xf32, #tpu.memory_space<vmem>>) dst(%dma_wait3A_293 : memref<10240x64xf32, #tpu.memory_space<vmem_shared>>)
      } else {
      }
      %dma_start3A_161 = arith.constant 0 : i32
      %dma_start3A_162 = arith.constant 0 : i32
      %dma_start3A_163 = tpu.memref_slice %arg4[%dma_start3A_161, %dma_start3A_162] : memref<20000x64xf32, #tpu.memory_space<hbm>> -> memref<20000x64xf32, #tpu.memory_space<hbm>>
      tpu.enqueue_indirect_dma source(%dma_start3A_163 : memref<20000x64xf32, #tpu.memory_space<hbm>>) target(%arg31 : memref<128x64xf32, #tpu.memory_space<vmem>>) offsets(%arg15 : memref<128xi32, #tpu.memory_space<vmem>>) semaphore(%arg51 : memref<!tpu.dma_semaphore, #tpu.memory_space<semaphore_mem>>)
      %dma_start3A_164 = arith.constant 0 : i32
      %dma_start3A_165 = arith.constant 0 : i32
      %dma_start3A_166 = tpu.memref_slice %arg4[%dma_start3A_164, %dma_start3A_165] : memref<20000x64xf32, #tpu.memory_space<hbm>> -> memref<20000x64xf32, #tpu.memory_space<hbm>>
      tpu.enqueue_indirect_dma source(%dma_start3A_166 : memref<20000x64xf32, #tpu.memory_space<hbm>>) target(%arg35 : memref<128x64xf32, #tpu.memory_space<vmem>>) offsets(%arg19 : memref<128xi32, #tpu.memory_space<vmem>>) semaphore(%arg55 : memref<!tpu.dma_semaphore, #tpu.memory_space<semaphore_mem>>)
      %dma_wait3A_167 = tpu.memref_slice %arg2[%add3A_108] : memref<320000xi32, #tpu.memory_space<hbm>> -> memref<128xi32, #tpu.memory_space<hbm>>
      %dma_wait3A_168 = tpu.memref_slice %arg2[%add3A_108] : memref<320000xi32, #tpu.memory_space<hbm>> -> memref<128xi32, #tpu.memory_space<hbm>>
      tpu.wait_dma2 semaphore(%arg48 : memref<!tpu.dma_semaphore, #tpu.memory_space<semaphore_mem>>) src(%dma_wait3A_168 : memref<128xi32, #tpu.memory_space<hbm>>) dst(%arg8 : memref<128xi32, #tpu.memory_space<vmem>>)
      %dma_wait3A_169 = tpu.memref_slice %arg3[%add3A_108] : memref<320000xi32, #tpu.memory_space<hbm>> -> memref<128xi32, #tpu.memory_space<hbm>>
      %dma_wait3A_170 = tpu.memref_slice %arg3[%add3A_108] : memref<320000xi32, #tpu.memory_space<hbm>> -> memref<128xi32, #tpu.memory_space<hbm>>
      tpu.wait_dma2 semaphore(%arg48 : memref<!tpu.dma_semaphore, #tpu.memory_space<semaphore_mem>>) src(%dma_wait3A_170 : memref<128xi32, #tpu.memory_space<hbm>>) dst(%arg12 : memref<128xi32, #tpu.memory_space<vmem>>)
      %scan3A_171 = arith.constant 0 : i32
      %scan3A_172 = arith.constant 0 : i32
      %scan3A_173 = arith.constant 8 : i32
      %scan3A_174 = arith.addi %scan3A_172, %scan3A_173 : i32
      %scan3A_175 = arith.constant 1 : i32
      %scan3A_176 = scf.for %scan3A_288 = %scan3A_172 to %scan3A_174 step %scan3A_175 iter_args(%scan3A_289 = %scan3A_171) -> (i32)  : i32 {
        %mul3A_290 = arith.constant 16 : i32
        %mul3A_291 = arith.muli %scan3A_288, %mul3A_290 : i32
        %get3A = arith.index_cast %mul3A_291 : i32 to index
        %get3A_292 = tpu.vector_load %arg8[%get3A] {strides = array<i32>} : memref<128xi32, #tpu.memory_space<vmem>>, vector<16xi32>,
        %get3A_293 = vector.shape_cast %get3A_292 : vector<16xi32> to vector<16xi32>
        %add3A_294 = vector.broadcast %mul3A_2 : i32 to vector<16xi32>
        %add3A_295 = arith.addi %get3A_293, %add3A_294 : vector<16xi32>
        %swap3A = arith.index_cast %mul3A_291 : i32 to index
        %swap3A_296 = tpu.vector_load %arg16[%swap3A] {strides = array<i32>} : memref<128xi32, #tpu.memory_space<vmem>>, vector<16xi32>,
        %swap3A_297 = vector.shape_cast %swap3A_296 : vector<16xi32> to vector<16xi32>
        %swap3A_298 = vector.shape_cast %add3A_295 : vector<16xi32> to vector<16xi32>
        tpu.vector_store %arg16[%swap3A], %swap3A_298 {strides = array<i32>} : memref<128xi32, #tpu.memory_space<vmem>>, vector<16xi32>,
        %get3A_299 = arith.index_cast %mul3A_291 : i32 to index
        %get3A_300 = tpu.vector_load %arg12[%get3A_299] {strides = array<i32>} : memref<128xi32, #tpu.memory_space<vmem>>, vector<16xi32>,
        %get3A_301 = vector.shape_cast %get3A_300 : vector<16xi32> to vector<16xi32>
        %add3A_302 = vector.broadcast %mul3A_2 : i32 to vector<16xi32>
        %add3A_303 = arith.addi %get3A_301, %add3A_302 : vector<16xi32>
        %swap3A_304 = arith.index_cast %mul3A_291 : i32 to index
        %swap3A_305 = tpu.vector_load %arg20[%swap3A_304] {strides = array<i32>} : memref<128xi32, #tpu.memory_space<vmem>>, vector<16xi32>,
        %swap3A_306 = vector.shape_cast %swap3A_305 : vector<16xi32> to vector<16xi32>
        %swap3A_307 = vector.shape_cast %add3A_303 : vector<16xi32> to vector<16xi32>
        tpu.vector_store %arg20[%swap3A_304], %swap3A_307 {strides = array<i32>} : memref<128xi32, #tpu.memory_space<vmem>>, vector<16xi32>,
        %scan3A_308 = arith.constant 0 : i32
        scf.yield %scan3A_308 : i32
      }
      %scan3A_177 = arith.constant 8 : i32
      %gt3A_178 = arith.constant 0 : i32
      %gt3A_179 = arith.cmpi sgt, %scan3A_72, %gt3A_178 : i32
      %convert_element_type3A_180 = arith.extui %gt3A_179 : i1 to i32
      %cond3A_181 = arith.constant 0 : i32
      %cond3A_182 = arith.cmpi ne, %convert_element_type3A_180, %cond3A_181 : i32
      scf.if %cond3A_182 {
        %dma_wait3A_288 = arith.constant 0 : i32
        %dma_wait3A_289 = arith.constant 0 : i32
        %dma_wait3A_290 = tpu.memref_slice %arg45[%dma_wait3A_288, %dma_wait3A_289] : memref<10240x64xf32, #tpu.memory_space<vmem_shared>> -> memref<10240x64xf32, #tpu.memory_space<vmem_shared>>
        tpu.wait_indirect_dma semaphore(%arg58 : memref<!tpu.dma_semaphore, #tpu.memory_space<semaphore_mem>>) src(%arg32 : memref<128x64xf32, #tpu.memory_space<vmem>>) dst(%dma_wait3A_290 : memref<10240x64xf32, #tpu.memory_space<vmem_shared>>)
        %dma_wait3A_291 = arith.constant 0 : i32
        %dma_wait3A_292 = arith.constant 0 : i32
        %dma_wait3A_293 = tpu.memref_slice %arg45[%dma_wait3A_291, %dma_wait3A_292] : memref<10240x64xf32, #tpu.memory_space<vmem_shared>> -> memref<10240x64xf32, #tpu.memory_space<vmem_shared>>
        tpu.wait_indirect_dma semaphore(%arg58 : memref<!tpu.dma_semaphore, #tpu.memory_space<semaphore_mem>>) src(%arg36 : memref<128x64xf32, #tpu.memory_space<vmem>>) dst(%dma_wait3A_293 : memref<10240x64xf32, #tpu.memory_space<vmem_shared>>)
      } else {
      }
      %dma_start3A_183 = arith.constant 0 : i32
      %dma_start3A_184 = arith.constant 0 : i32
      %dma_start3A_185 = tpu.memref_slice %arg4[%dma_start3A_183, %dma_start3A_184] : memref<20000x64xf32, #tpu.memory_space<hbm>> -> memref<20000x64xf32, #tpu.memory_space<hbm>>
      tpu.enqueue_indirect_dma source(%dma_start3A_185 : memref<20000x64xf32, #tpu.memory_space<hbm>>) target(%arg32 : memref<128x64xf32, #tpu.memory_space<vmem>>) offsets(%arg16 : memref<128xi32, #tpu.memory_space<vmem>>) semaphore(%arg52 : memref<!tpu.dma_semaphore, #tpu.memory_space<semaphore_mem>>)
      %dma_start3A_186 = arith.constant 0 : i32
      %dma_start3A_187 = arith.constant 0 : i32
      %dma_start3A_188 = tpu.memref_slice %arg4[%dma_start3A_186, %dma_start3A_187] : memref<20000x64xf32, #tpu.memory_space<hbm>> -> memref<20000x64xf32, #tpu.memory_space<hbm>>
      tpu.enqueue_indirect_dma source(%dma_start3A_188 : memref<20000x64xf32, #tpu.memory_space<hbm>>) target(%arg36 : memref<128x64xf32, #tpu.memory_space<vmem>>) offsets(%arg20 : memref<128xi32, #tpu.memory_space<vmem>>) semaphore(%arg56 : memref<!tpu.dma_semaphore, #tpu.memory_space<semaphore_mem>>)
      %dma_wait3A_189 = tpu.memref_slice %arg2[%add3A_121] : memref<320000xi32, #tpu.memory_space<hbm>> -> memref<128xi32, #tpu.memory_space<hbm>>
      %dma_wait3A_190 = tpu.memref_slice %arg2[%add3A_121] : memref<320000xi32, #tpu.memory_space<hbm>> -> memref<128xi32, #tpu.memory_space<hbm>>
      tpu.wait_dma2 semaphore(%arg49 : memref<!tpu.dma_semaphore, #tpu.memory_space<semaphore_mem>>) src(%dma_wait3A_190 : memref<128xi32, #tpu.memory_space<hbm>>) dst(%arg9 : memref<128xi32, #tpu.memory_space<vmem>>)
      %dma_wait3A_191 = tpu.memref_slice %arg3[%add3A_121] : memref<320000xi32, #tpu.memory_space<hbm>> -> memref<128xi32, #tpu.memory_space<hbm>>
      %dma_wait3A_192 = tpu.memref_slice %arg3[%add3A_121] : memref<320000xi32, #tpu.memory_space<hbm>> -> memref<128xi32, #tpu.memory_space<hbm>>
      tpu.wait_dma2 semaphore(%arg49 : memref<!tpu.dma_semaphore, #tpu.memory_space<semaphore_mem>>) src(%dma_wait3A_192 : memref<128xi32, #tpu.memory_space<hbm>>) dst(%arg13 : memref<128xi32, #tpu.memory_space<vmem>>)
      %scan3A_193 = arith.constant 0 : i32
      %scan3A_194 = arith.constant 0 : i32
      %scan3A_195 = arith.constant 8 : i32
      %scan3A_196 = arith.addi %scan3A_194, %scan3A_195 : i32
      %scan3A_197 = arith.constant 1 : i32
      %scan3A_198 = scf.for %scan3A_288 = %scan3A_194 to %scan3A_196 step %scan3A_197 iter_args(%scan3A_289 = %scan3A_193) -> (i32)  : i32 {
        %mul3A_290 = arith.constant 16 : i32
        %mul3A_291 = arith.muli %scan3A_288, %mul3A_290 : i32
        %get3A = arith.index_cast %mul3A_291 : i32 to index
        %get3A_292 = tpu.vector_load %arg9[%get3A] {strides = array<i32>} : memref<128xi32, #tpu.memory_space<vmem>>, vector<16xi32>,
        %get3A_293 = vector.shape_cast %get3A_292 : vector<16xi32> to vector<16xi32>
        %add3A_294 = vector.broadcast %mul3A_2 : i32 to vector<16xi32>
        %add3A_295 = arith.addi %get3A_293, %add3A_294 : vector<16xi32>
        %swap3A = arith.index_cast %mul3A_291 : i32 to index
        %swap3A_296 = tpu.vector_load %arg17[%swap3A] {strides = array<i32>} : memref<128xi32, #tpu.memory_space<vmem>>, vector<16xi32>,
        %swap3A_297 = vector.shape_cast %swap3A_296 : vector<16xi32> to vector<16xi32>
        %swap3A_298 = vector.shape_cast %add3A_295 : vector<16xi32> to vector<16xi32>
        tpu.vector_store %arg17[%swap3A], %swap3A_298 {strides = array<i32>} : memref<128xi32, #tpu.memory_space<vmem>>, vector<16xi32>,
        %get3A_299 = arith.index_cast %mul3A_291 : i32 to index
        %get3A_300 = tpu.vector_load %arg13[%get3A_299] {strides = array<i32>} : memref<128xi32, #tpu.memory_space<vmem>>, vector<16xi32>,
        %get3A_301 = vector.shape_cast %get3A_300 : vector<16xi32> to vector<16xi32>
        %add3A_302 = vector.broadcast %mul3A_2 : i32 to vector<16xi32>
        %add3A_303 = arith.addi %get3A_301, %add3A_302 : vector<16xi32>
        %swap3A_304 = arith.index_cast %mul3A_291 : i32 to index
        %swap3A_305 = tpu.vector_load %arg21[%swap3A_304] {strides = array<i32>} : memref<128xi32, #tpu.memory_space<vmem>>, vector<16xi32>,
        %swap3A_306 = vector.shape_cast %swap3A_305 : vector<16xi32> to vector<16xi32>
        %swap3A_307 = vector.shape_cast %add3A_303 : vector<16xi32> to vector<16xi32>
        tpu.vector_store %arg21[%swap3A_304], %swap3A_307 {strides = array<i32>} : memref<128xi32, #tpu.memory_space<vmem>>, vector<16xi32>,
        %scan3A_308 = arith.constant 0 : i32
        scf.yield %scan3A_308 : i32
      }
      %scan3A_199 = arith.constant 8 : i32
      %gt3A_200 = arith.constant 0 : i32
      %gt3A_201 = arith.cmpi sgt, %scan3A_72, %gt3A_200 : i32
      %convert_element_type3A_202 = arith.extui %gt3A_201 : i1 to i32
      %cond3A_203 = arith.constant 0 : i32
      %cond3A_204 = arith.cmpi ne, %convert_element_type3A_202, %cond3A_203 : i32
      scf.if %cond3A_204 {
        %dma_wait3A_288 = arith.constant 0 : i32
        %dma_wait3A_289 = arith.constant 0 : i32
        %dma_wait3A_290 = tpu.memref_slice %arg45[%dma_wait3A_288, %dma_wait3A_289] : memref<10240x64xf32, #tpu.memory_space<vmem_shared>> -> memref<10240x64xf32, #tpu.memory_space<vmem_shared>>
        tpu.wait_indirect_dma semaphore(%arg58 : memref<!tpu.dma_semaphore, #tpu.memory_space<semaphore_mem>>) src(%arg33 : memref<128x64xf32, #tpu.memory_space<vmem>>) dst(%dma_wait3A_290 : memref<10240x64xf32, #tpu.memory_space<vmem_shared>>)
        %dma_wait3A_291 = arith.constant 0 : i32
        %dma_wait3A_292 = arith.constant 0 : i32
        %dma_wait3A_293 = tpu.memref_slice %arg45[%dma_wait3A_291, %dma_wait3A_292] : memref<10240x64xf32, #tpu.memory_space<vmem_shared>> -> memref<10240x64xf32, #tpu.memory_space<vmem_shared>>
        tpu.wait_indirect_dma semaphore(%arg58 : memref<!tpu.dma_semaphore, #tpu.memory_space<semaphore_mem>>) src(%arg37 : memref<128x64xf32, #tpu.memory_space<vmem>>) dst(%dma_wait3A_293 : memref<10240x64xf32, #tpu.memory_space<vmem_shared>>)
      } else {
      }
      %dma_start3A_205 = arith.constant 0 : i32
      %dma_start3A_206 = arith.constant 0 : i32
      %dma_start3A_207 = tpu.memref_slice %arg4[%dma_start3A_205, %dma_start3A_206] : memref<20000x64xf32, #tpu.memory_space<hbm>> -> memref<20000x64xf32, #tpu.memory_space<hbm>>
      tpu.enqueue_indirect_dma source(%dma_start3A_207 : memref<20000x64xf32, #tpu.memory_space<hbm>>) target(%arg33 : memref<128x64xf32, #tpu.memory_space<vmem>>) offsets(%arg17 : memref<128xi32, #tpu.memory_space<vmem>>) semaphore(%arg53 : memref<!tpu.dma_semaphore, #tpu.memory_space<semaphore_mem>>)
      %dma_start3A_208 = arith.constant 0 : i32
      %dma_start3A_209 = arith.constant 0 : i32
      %dma_start3A_210 = tpu.memref_slice %arg4[%dma_start3A_208, %dma_start3A_209] : memref<20000x64xf32, #tpu.memory_space<hbm>> -> memref<20000x64xf32, #tpu.memory_space<hbm>>
      tpu.enqueue_indirect_dma source(%dma_start3A_210 : memref<20000x64xf32, #tpu.memory_space<hbm>>) target(%arg37 : memref<128x64xf32, #tpu.memory_space<vmem>>) offsets(%arg21 : memref<128xi32, #tpu.memory_space<vmem>>) semaphore(%arg57 : memref<!tpu.dma_semaphore, #tpu.memory_space<semaphore_mem>>)
      %scan3A_211 = arith.constant 0 : i32
      %scan3A_212 = arith.constant 0 : i32
      %scan3A_213 = arith.constant 8 : i32
      %scan3A_214 = arith.addi %scan3A_212, %scan3A_213 : i32
      %scan3A_215 = arith.constant 1 : i32
      %scan3A_216 = scf.for %scan3A_288 = %scan3A_212 to %scan3A_214 step %scan3A_215 iter_args(%scan3A_289 = %scan3A_211) -> (i32)  : i32 {
        %mul3A_290 = arith.constant 16 : i32
        %mul3A_291 = arith.muli %scan3A_288, %mul3A_290 : i32
        %get3A = arith.index_cast %mul3A_291 : i32 to index
        %get3A_292 = tpu.vector_load %arg6[%get3A] {strides = array<i32>} : memref<128xi32, #tpu.memory_space<vmem>>, vector<16xi32>,
        %get3A_293 = vector.shape_cast %get3A_292 : vector<16xi32> to vector<16xi32>
        %swap3A = arith.index_cast %mul3A_291 : i32 to index
        %swap3A_294 = tpu.vector_load %arg22[%swap3A] {strides = array<i32>} : memref<128xi32, #tpu.memory_space<vmem>>, vector<16xi32>,
        %swap3A_295 = vector.shape_cast %swap3A_294 : vector<16xi32> to vector<16xi32>
        %swap3A_296 = vector.shape_cast %get3A_293 : vector<16xi32> to vector<16xi32>
        tpu.vector_store %arg22[%swap3A], %swap3A_296 {strides = array<i32>} : memref<128xi32, #tpu.memory_space<vmem>>, vector<16xi32>,
        %get3A_297 = arith.index_cast %mul3A_291 : i32 to index
        %get3A_298 = tpu.vector_load %arg10[%get3A_297] {strides = array<i32>} : memref<128xi32, #tpu.memory_space<vmem>>, vector<16xi32>,
        %get3A_299 = vector.shape_cast %get3A_298 : vector<16xi32> to vector<16xi32>
        %swap3A_300 = arith.index_cast %mul3A_291 : i32 to index
        %swap3A_301 = tpu.vector_load %arg26[%swap3A_300] {strides = array<i32>} : memref<128xi32, #tpu.memory_space<vmem>>, vector<16xi32>,
        %swap3A_302 = vector.shape_cast %swap3A_301 : vector<16xi32> to vector<16xi32>
        %swap3A_303 = vector.shape_cast %get3A_299 : vector<16xi32> to vector<16xi32>
        tpu.vector_store %arg26[%swap3A_300], %swap3A_303 {strides = array<i32>} : memref<128xi32, #tpu.memory_space<vmem>>, vector<16xi32>,
        %scan3A_304 = arith.constant 0 : i32
        scf.yield %scan3A_304 : i32
      }
      %scan3A_217 = arith.constant 8 : i32
      %dma_wait3A_218 = arith.constant 0 : i32
      %dma_wait3A_219 = arith.constant 0 : i32
      %dma_wait3A_220 = tpu.memref_slice %arg4[%dma_wait3A_218, %dma_wait3A_219] : memref<20000x64xf32, #tpu.memory_space<hbm>> -> memref<20000x64xf32, #tpu.memory_space<hbm>>
      tpu.wait_indirect_dma semaphore(%arg50 : memref<!tpu.dma_semaphore, #tpu.memory_space<semaphore_mem>>) src(%dma_wait3A_220 : memref<20000x64xf32, #tpu.memory_space<hbm>>) dst(%arg30 : memref<128x64xf32, #tpu.memory_space<vmem>>)
      %dma_start3A_221 = arith.constant 0 : i32
      %dma_start3A_222 = arith.constant 0 : i32
      %dma_start3A_223 = tpu.memref_slice %arg45[%dma_start3A_221, %dma_start3A_222] : memref<10240x64xf32, #tpu.memory_space<vmem_shared>> -> memref<10240x64xf32, #tpu.memory_space<vmem_shared>>
      tpu.enqueue_indirect_dma source(%arg30 : memref<128x64xf32, #tpu.memory_space<vmem>>) target(%dma_start3A_223 : memref<10240x64xf32, #tpu.memory_space<vmem_shared>>) offsets(%arg26 : memref<128xi32, #tpu.memory_space<vmem>>) semaphore(%arg58 : memref<!tpu.dma_semaphore, #tpu.memory_space<semaphore_mem>>) {add = true}
      %dma_wait3A_224 = arith.constant 0 : i32
      %dma_wait3A_225 = arith.constant 0 : i32
      %dma_wait3A_226 = tpu.memref_slice %arg4[%dma_wait3A_224, %dma_wait3A_225] : memref<20000x64xf32, #tpu.memory_space<hbm>> -> memref<20000x64xf32, #tpu.memory_space<hbm>>
      tpu.wait_indirect_dma semaphore(%arg54 : memref<!tpu.dma_semaphore, #tpu.memory_space<semaphore_mem>>) src(%dma_wait3A_226 : memref<20000x64xf32, #tpu.memory_space<hbm>>) dst(%arg34 : memref<128x64xf32, #tpu.memory_space<vmem>>)
      %dma_start3A_227 = arith.constant 0 : i32
      %dma_start3A_228 = arith.constant 0 : i32
      %dma_start3A_229 = tpu.memref_slice %arg45[%dma_start3A_227, %dma_start3A_228] : memref<10240x64xf32, #tpu.memory_space<vmem_shared>> -> memref<10240x64xf32, #tpu.memory_space<vmem_shared>>
      tpu.enqueue_indirect_dma source(%arg34 : memref<128x64xf32, #tpu.memory_space<vmem>>) target(%dma_start3A_229 : memref<10240x64xf32, #tpu.memory_space<vmem_shared>>) offsets(%arg22 : memref<128xi32, #tpu.memory_space<vmem>>) semaphore(%arg58 : memref<!tpu.dma_semaphore, #tpu.memory_space<semaphore_mem>>) {add = true}
      %scan3A_230 = arith.constant 0 : i32
      %scan3A_231 = arith.constant 0 : i32
      %scan3A_232 = arith.constant 8 : i32
      %scan3A_233 = arith.addi %scan3A_231, %scan3A_232 : i32
      %scan3A_234 = arith.constant 1 : i32
      %scan3A_235 = scf.for %scan3A_288 = %scan3A_231 to %scan3A_233 step %scan3A_234 iter_args(%scan3A_289 = %scan3A_230) -> (i32)  : i32 {
        %mul3A_290 = arith.constant 16 : i32
        %mul3A_291 = arith.muli %scan3A_288, %mul3A_290 : i32
        %get3A = arith.index_cast %mul3A_291 : i32 to index
        %get3A_292 = tpu.vector_load %arg7[%get3A] {strides = array<i32>} : memref<128xi32, #tpu.memory_space<vmem>>, vector<16xi32>,
        %get3A_293 = vector.shape_cast %get3A_292 : vector<16xi32> to vector<16xi32>
        %swap3A = arith.index_cast %mul3A_291 : i32 to index
        %swap3A_294 = tpu.vector_load %arg23[%swap3A] {strides = array<i32>} : memref<128xi32, #tpu.memory_space<vmem>>, vector<16xi32>,
        %swap3A_295 = vector.shape_cast %swap3A_294 : vector<16xi32> to vector<16xi32>
        %swap3A_296 = vector.shape_cast %get3A_293 : vector<16xi32> to vector<16xi32>
        tpu.vector_store %arg23[%swap3A], %swap3A_296 {strides = array<i32>} : memref<128xi32, #tpu.memory_space<vmem>>, vector<16xi32>,
        %get3A_297 = arith.index_cast %mul3A_291 : i32 to index
        %get3A_298 = tpu.vector_load %arg11[%get3A_297] {strides = array<i32>} : memref<128xi32, #tpu.memory_space<vmem>>, vector<16xi32>,
        %get3A_299 = vector.shape_cast %get3A_298 : vector<16xi32> to vector<16xi32>
        %swap3A_300 = arith.index_cast %mul3A_291 : i32 to index
        %swap3A_301 = tpu.vector_load %arg27[%swap3A_300] {strides = array<i32>} : memref<128xi32, #tpu.memory_space<vmem>>, vector<16xi32>,
        %swap3A_302 = vector.shape_cast %swap3A_301 : vector<16xi32> to vector<16xi32>
        %swap3A_303 = vector.shape_cast %get3A_299 : vector<16xi32> to vector<16xi32>
        tpu.vector_store %arg27[%swap3A_300], %swap3A_303 {strides = array<i32>} : memref<128xi32, #tpu.memory_space<vmem>>, vector<16xi32>,
        %scan3A_304 = arith.constant 0 : i32
        scf.yield %scan3A_304 : i32
      }
      %scan3A_236 = arith.constant 8 : i32
      %dma_wait3A_237 = arith.constant 0 : i32
      %dma_wait3A_238 = arith.constant 0 : i32
      %dma_wait3A_239 = tpu.memref_slice %arg4[%dma_wait3A_237, %dma_wait3A_238] : memref<20000x64xf32, #tpu.memory_space<hbm>> -> memref<20000x64xf32, #tpu.memory_space<hbm>>
      tpu.wait_indirect_dma semaphore(%arg51 : memref<!tpu.dma_semaphore, #tpu.memory_space<semaphore_mem>>) src(%dma_wait3A_239 : memref<20000x64xf32, #tpu.memory_space<hbm>>) dst(%arg31 : memref<128x64xf32, #tpu.memory_space<vmem>>)
      %dma_start3A_240 = arith.constant 0 : i32
      %dma_start3A_241 = arith.constant 0 : i32
      %dma_start3A_242 = tpu.memref_slice %arg45[%dma_start3A_240, %dma_start3A_241] : memref<10240x64xf32, #tpu.memory_space<vmem_shared>> -> memref<10240x64xf32, #tpu.memory_space<vmem_shared>>
      tpu.enqueue_indirect_dma source(%arg31 : memref<128x64xf32, #tpu.memory_space<vmem>>) target(%dma_start3A_242 : memref<10240x64xf32, #tpu.memory_space<vmem_shared>>) offsets(%arg27 : memref<128xi32, #tpu.memory_space<vmem>>) semaphore(%arg58 : memref<!tpu.dma_semaphore, #tpu.memory_space<semaphore_mem>>) {add = true}
      %dma_wait3A_243 = arith.constant 0 : i32
      %dma_wait3A_244 = arith.constant 0 : i32
      %dma_wait3A_245 = tpu.memref_slice %arg4[%dma_wait3A_243, %dma_wait3A_244] : memref<20000x64xf32, #tpu.memory_space<hbm>> -> memref<20000x64xf32, #tpu.memory_space<hbm>>
      tpu.wait_indirect_dma semaphore(%arg55 : memref<!tpu.dma_semaphore, #tpu.memory_space<semaphore_mem>>) src(%dma_wait3A_245 : memref<20000x64xf32, #tpu.memory_space<hbm>>) dst(%arg35 : memref<128x64xf32, #tpu.memory_space<vmem>>)
      %dma_start3A_246 = arith.constant 0 : i32
      %dma_start3A_247 = arith.constant 0 : i32
      %dma_start3A_248 = tpu.memref_slice %arg45[%dma_start3A_246, %dma_start3A_247] : memref<10240x64xf32, #tpu.memory_space<vmem_shared>> -> memref<10240x64xf32, #tpu.memory_space<vmem_shared>>
      tpu.enqueue_indirect_dma source(%arg35 : memref<128x64xf32, #tpu.memory_space<vmem>>) target(%dma_start3A_248 : memref<10240x64xf32, #tpu.memory_space<vmem_shared>>) offsets(%arg23 : memref<128xi32, #tpu.memory_space<vmem>>) semaphore(%arg58 : memref<!tpu.dma_semaphore, #tpu.memory_space<semaphore_mem>>) {add = true}
      %scan3A_249 = arith.constant 0 : i32
      %scan3A_250 = arith.constant 0 : i32
      %scan3A_251 = arith.constant 8 : i32
      %scan3A_252 = arith.addi %scan3A_250, %scan3A_251 : i32
      %scan3A_253 = arith.constant 1 : i32
      %scan3A_254 = scf.for %scan3A_288 = %scan3A_250 to %scan3A_252 step %scan3A_253 iter_args(%scan3A_289 = %scan3A_249) -> (i32)  : i32 {
        %mul3A_290 = arith.constant 16 : i32
        %mul3A_291 = arith.muli %scan3A_288, %mul3A_290 : i32
        %get3A = arith.index_cast %mul3A_291 : i32 to index
        %get3A_292 = tpu.vector_load %arg8[%get3A] {strides = array<i32>} : memref<128xi32, #tpu.memory_space<vmem>>, vector<16xi32>,
        %get3A_293 = vector.shape_cast %get3A_292 : vector<16xi32> to vector<16xi32>
        %swap3A = arith.index_cast %mul3A_291 : i32 to index
        %swap3A_294 = tpu.vector_load %arg24[%swap3A] {strides = array<i32>} : memref<128xi32, #tpu.memory_space<vmem>>, vector<16xi32>,
        %swap3A_295 = vector.shape_cast %swap3A_294 : vector<16xi32> to vector<16xi32>
        %swap3A_296 = vector.shape_cast %get3A_293 : vector<16xi32> to vector<16xi32>
        tpu.vector_store %arg24[%swap3A], %swap3A_296 {strides = array<i32>} : memref<128xi32, #tpu.memory_space<vmem>>, vector<16xi32>,
        %get3A_297 = arith.index_cast %mul3A_291 : i32 to index
        %get3A_298 = tpu.vector_load %arg12[%get3A_297] {strides = array<i32>} : memref<128xi32, #tpu.memory_space<vmem>>, vector<16xi32>,
        %get3A_299 = vector.shape_cast %get3A_298 : vector<16xi32> to vector<16xi32>
        %swap3A_300 = arith.index_cast %mul3A_291 : i32 to index
        %swap3A_301 = tpu.vector_load %arg28[%swap3A_300] {strides = array<i32>} : memref<128xi32, #tpu.memory_space<vmem>>, vector<16xi32>,
        %swap3A_302 = vector.shape_cast %swap3A_301 : vector<16xi32> to vector<16xi32>
        %swap3A_303 = vector.shape_cast %get3A_299 : vector<16xi32> to vector<16xi32>
        tpu.vector_store %arg28[%swap3A_300], %swap3A_303 {strides = array<i32>} : memref<128xi32, #tpu.memory_space<vmem>>, vector<16xi32>,
        %scan3A_304 = arith.constant 0 : i32
        scf.yield %scan3A_304 : i32
      }
      %scan3A_255 = arith.constant 8 : i32
      %dma_wait3A_256 = arith.constant 0 : i32
      %dma_wait3A_257 = arith.constant 0 : i32
      %dma_wait3A_258 = tpu.memref_slice %arg4[%dma_wait3A_256, %dma_wait3A_257] : memref<20000x64xf32, #tpu.memory_space<hbm>> -> memref<20000x64xf32, #tpu.memory_space<hbm>>
      tpu.wait_indirect_dma semaphore(%arg52 : memref<!tpu.dma_semaphore, #tpu.memory_space<semaphore_mem>>) src(%dma_wait3A_258 : memref<20000x64xf32, #tpu.memory_space<hbm>>) dst(%arg32 : memref<128x64xf32, #tpu.memory_space<vmem>>)
      %dma_start3A_259 = arith.constant 0 : i32
      %dma_start3A_260 = arith.constant 0 : i32
      %dma_start3A_261 = tpu.memref_slice %arg45[%dma_start3A_259, %dma_start3A_260] : memref<10240x64xf32, #tpu.memory_space<vmem_shared>> -> memref<10240x64xf32, #tpu.memory_space<vmem_shared>>
      tpu.enqueue_indirect_dma source(%arg32 : memref<128x64xf32, #tpu.memory_space<vmem>>) target(%dma_start3A_261 : memref<10240x64xf32, #tpu.memory_space<vmem_shared>>) offsets(%arg28 : memref<128xi32, #tpu.memory_space<vmem>>) semaphore(%arg58 : memref<!tpu.dma_semaphore, #tpu.memory_space<semaphore_mem>>) {add = true}
      %dma_wait3A_262 = arith.constant 0 : i32
      %dma_wait3A_263 = arith.constant 0 : i32
      %dma_wait3A_264 = tpu.memref_slice %arg4[%dma_wait3A_262, %dma_wait3A_263] : memref<20000x64xf32, #tpu.memory_space<hbm>> -> memref<20000x64xf32, #tpu.memory_space<hbm>>
      tpu.wait_indirect_dma semaphore(%arg56 : memref<!tpu.dma_semaphore, #tpu.memory_space<semaphore_mem>>) src(%dma_wait3A_264 : memref<20000x64xf32, #tpu.memory_space<hbm>>) dst(%arg36 : memref<128x64xf32, #tpu.memory_space<vmem>>)
      %dma_start3A_265 = arith.constant 0 : i32
      %dma_start3A_266 = arith.constant 0 : i32
      %dma_start3A_267 = tpu.memref_slice %arg45[%dma_start3A_265, %dma_start3A_266] : memref<10240x64xf32, #tpu.memory_space<vmem_shared>> -> memref<10240x64xf32, #tpu.memory_space<vmem_shared>>
      tpu.enqueue_indirect_dma source(%arg36 : memref<128x64xf32, #tpu.memory_space<vmem>>) target(%dma_start3A_267 : memref<10240x64xf32, #tpu.memory_space<vmem_shared>>) offsets(%arg24 : memref<128xi32, #tpu.memory_space<vmem>>) semaphore(%arg58 : memref<!tpu.dma_semaphore, #tpu.memory_space<semaphore_mem>>) {add = true}
      %scan3A_268 = arith.constant 0 : i32
      %scan3A_269 = arith.constant 0 : i32
      %scan3A_270 = arith.constant 8 : i32
      %scan3A_271 = arith.addi %scan3A_269, %scan3A_270 : i32
      %scan3A_272 = arith.constant 1 : i32
      %scan3A_273 = scf.for %scan3A_288 = %scan3A_269 to %scan3A_271 step %scan3A_272 iter_args(%scan3A_289 = %scan3A_268) -> (i32)  : i32 {
        %mul3A_290 = arith.constant 16 : i32
        %mul3A_291 = arith.muli %scan3A_288, %mul3A_290 : i32
        %get3A = arith.index_cast %mul3A_291 : i32 to index
        %get3A_292 = tpu.vector_load %arg9[%get3A] {strides = array<i32>} : memref<128xi32, #tpu.memory_space<vmem>>, vector<16xi32>,
        %get3A_293 = vector.shape_cast %get3A_292 : vector<16xi32> to vector<16xi32>
        %swap3A = arith.index_cast %mul3A_291 : i32 to index
        %swap3A_294 = tpu.vector_load %arg25[%swap3A] {strides = array<i32>} : memref<128xi32, #tpu.memory_space<vmem>>, vector<16xi32>,
        %swap3A_295 = vector.shape_cast %swap3A_294 : vector<16xi32> to vector<16xi32>
        %swap3A_296 = vector.shape_cast %get3A_293 : vector<16xi32> to vector<16xi32>
        tpu.vector_store %arg25[%swap3A], %swap3A_296 {strides = array<i32>} : memref<128xi32, #tpu.memory_space<vmem>>, vector<16xi32>,
        %get3A_297 = arith.index_cast %mul3A_291 : i32 to index
        %get3A_298 = tpu.vector_load %arg13[%get3A_297] {strides = array<i32>} : memref<128xi32, #tpu.memory_space<vmem>>, vector<16xi32>,
        %get3A_299 = vector.shape_cast %get3A_298 : vector<16xi32> to vector<16xi32>
        %swap3A_300 = arith.index_cast %mul3A_291 : i32 to index
        %swap3A_301 = tpu.vector_load %arg29[%swap3A_300] {strides = array<i32>} : memref<128xi32, #tpu.memory_space<vmem>>, vector<16xi32>,
        %swap3A_302 = vector.shape_cast %swap3A_301 : vector<16xi32> to vector<16xi32>
        %swap3A_303 = vector.shape_cast %get3A_299 : vector<16xi32> to vector<16xi32>
        tpu.vector_store %arg29[%swap3A_300], %swap3A_303 {strides = array<i32>} : memref<128xi32, #tpu.memory_space<vmem>>, vector<16xi32>,
        %scan3A_304 = arith.constant 0 : i32
        scf.yield %scan3A_304 : i32
      }
      %scan3A_274 = arith.constant 8 : i32
      %dma_wait3A_275 = arith.constant 0 : i32
      %dma_wait3A_276 = arith.constant 0 : i32
      %dma_wait3A_277 = tpu.memref_slice %arg4[%dma_wait3A_275, %dma_wait3A_276] : memref<20000x64xf32, #tpu.memory_space<hbm>> -> memref<20000x64xf32, #tpu.memory_space<hbm>>
      tpu.wait_indirect_dma semaphore(%arg53 : memref<!tpu.dma_semaphore, #tpu.memory_space<semaphore_mem>>) src(%dma_wait3A_277 : memref<20000x64xf32, #tpu.memory_space<hbm>>) dst(%arg33 : memref<128x64xf32, #tpu.memory_space<vmem>>)
      %dma_start3A_278 = arith.constant 0 : i32
      %dma_start3A_279 = arith.constant 0 : i32
      %dma_start3A_280 = tpu.memref_slice %arg45[%dma_start3A_278, %dma_start3A_279] : memref<10240x64xf32, #tpu.memory_space<vmem_shared>> -> memref<10240x64xf32, #tpu.memory_space<vmem_shared>>
      tpu.enqueue_indirect_dma source(%arg33 : memref<128x64xf32, #tpu.memory_space<vmem>>) target(%dma_start3A_280 : memref<10240x64xf32, #tpu.memory_space<vmem_shared>>) offsets(%arg29 : memref<128xi32, #tpu.memory_space<vmem>>) semaphore(%arg58 : memref<!tpu.dma_semaphore, #tpu.memory_space<semaphore_mem>>) {add = true}
      %dma_wait3A_281 = arith.constant 0 : i32
      %dma_wait3A_282 = arith.constant 0 : i32
      %dma_wait3A_283 = tpu.memref_slice %arg4[%dma_wait3A_281, %dma_wait3A_282] : memref<20000x64xf32, #tpu.memory_space<hbm>> -> memref<20000x64xf32, #tpu.memory_space<hbm>>
      tpu.wait_indirect_dma semaphore(%arg57 : memref<!tpu.dma_semaphore, #tpu.memory_space<semaphore_mem>>) src(%dma_wait3A_283 : memref<20000x64xf32, #tpu.memory_space<hbm>>) dst(%arg37 : memref<128x64xf32, #tpu.memory_space<vmem>>)
      %dma_start3A_284 = arith.constant 0 : i32
      %dma_start3A_285 = arith.constant 0 : i32
      %dma_start3A_286 = tpu.memref_slice %arg45[%dma_start3A_284, %dma_start3A_285] : memref<10240x64xf32, #tpu.memory_space<vmem_shared>> -> memref<10240x64xf32, #tpu.memory_space<vmem_shared>>
      tpu.enqueue_indirect_dma source(%arg37 : memref<128x64xf32, #tpu.memory_space<vmem>>) target(%dma_start3A_286 : memref<10240x64xf32, #tpu.memory_space<vmem_shared>>) offsets(%arg25 : memref<128xi32, #tpu.memory_space<vmem>>) semaphore(%arg58 : memref<!tpu.dma_semaphore, #tpu.memory_space<semaphore_mem>>) {add = true}
      %scan3A_287 = arith.constant 0 : i32
      scf.yield %scan3A_287 : i32
    }
    %scan3A_22 = arith.constant 39 : i32
    %dma_wait3A = arith.constant 0 : i32
    %dma_wait3A_23 = arith.constant 0 : i32
    %dma_wait3A_24 = tpu.memref_slice %arg45[%dma_wait3A, %dma_wait3A_23] : memref<10240x64xf32, #tpu.memory_space<vmem_shared>> -> memref<10240x64xf32, #tpu.memory_space<vmem_shared>>
    tpu.wait_indirect_dma semaphore(%arg58 : memref<!tpu.dma_semaphore, #tpu.memory_space<semaphore_mem>>) src(%arg30 : memref<128x64xf32, #tpu.memory_space<vmem>>) dst(%dma_wait3A_24 : memref<10240x64xf32, #tpu.memory_space<vmem_shared>>)
    %dma_wait3A_25 = arith.constant 0 : i32
    %dma_wait3A_26 = arith.constant 0 : i32
    %dma_wait3A_27 = tpu.memref_slice %arg45[%dma_wait3A_25, %dma_wait3A_26] : memref<10240x64xf32, #tpu.memory_space<vmem_shared>> -> memref<10240x64xf32, #tpu.memory_space<vmem_shared>>
    tpu.wait_indirect_dma semaphore(%arg58 : memref<!tpu.dma_semaphore, #tpu.memory_space<semaphore_mem>>) src(%arg34 : memref<128x64xf32, #tpu.memory_space<vmem>>) dst(%dma_wait3A_27 : memref<10240x64xf32, #tpu.memory_space<vmem_shared>>)
    %dma_wait3A_28 = arith.constant 0 : i32
    %dma_wait3A_29 = arith.constant 0 : i32
    %dma_wait3A_30 = tpu.memref_slice %arg45[%dma_wait3A_28, %dma_wait3A_29] : memref<10240x64xf32, #tpu.memory_space<vmem_shared>> -> memref<10240x64xf32, #tpu.memory_space<vmem_shared>>
    tpu.wait_indirect_dma semaphore(%arg58 : memref<!tpu.dma_semaphore, #tpu.memory_space<semaphore_mem>>) src(%arg31 : memref<128x64xf32, #tpu.memory_space<vmem>>) dst(%dma_wait3A_30 : memref<10240x64xf32, #tpu.memory_space<vmem_shared>>)
    %dma_wait3A_31 = arith.constant 0 : i32
    %dma_wait3A_32 = arith.constant 0 : i32
    %dma_wait3A_33 = tpu.memref_slice %arg45[%dma_wait3A_31, %dma_wait3A_32] : memref<10240x64xf32, #tpu.memory_space<vmem_shared>> -> memref<10240x64xf32, #tpu.memory_space<vmem_shared>>
    tpu.wait_indirect_dma semaphore(%arg58 : memref<!tpu.dma_semaphore, #tpu.memory_space<semaphore_mem>>) src(%arg35 : memref<128x64xf32, #tpu.memory_space<vmem>>) dst(%dma_wait3A_33 : memref<10240x64xf32, #tpu.memory_space<vmem_shared>>)
    %dma_wait3A_34 = arith.constant 0 : i32
    %dma_wait3A_35 = arith.constant 0 : i32
    %dma_wait3A_36 = tpu.memref_slice %arg45[%dma_wait3A_34, %dma_wait3A_35] : memref<10240x64xf32, #tpu.memory_space<vmem_shared>> -> memref<10240x64xf32, #tpu.memory_space<vmem_shared>>
    tpu.wait_indirect_dma semaphore(%arg58 : memref<!tpu.dma_semaphore, #tpu.memory_space<semaphore_mem>>) src(%arg32 : memref<128x64xf32, #tpu.memory_space<vmem>>) dst(%dma_wait3A_36 : memref<10240x64xf32, #tpu.memory_space<vmem_shared>>)
    %dma_wait3A_37 = arith.constant 0 : i32
    %dma_wait3A_38 = arith.constant 0 : i32
    %dma_wait3A_39 = tpu.memref_slice %arg45[%dma_wait3A_37, %dma_wait3A_38] : memref<10240x64xf32, #tpu.memory_space<vmem_shared>> -> memref<10240x64xf32, #tpu.memory_space<vmem_shared>>
    tpu.wait_indirect_dma semaphore(%arg58 : memref<!tpu.dma_semaphore, #tpu.memory_space<semaphore_mem>>) src(%arg36 : memref<128x64xf32, #tpu.memory_space<vmem>>) dst(%dma_wait3A_39 : memref<10240x64xf32, #tpu.memory_space<vmem_shared>>)
    %dma_wait3A_40 = arith.constant 0 : i32
    %dma_wait3A_41 = arith.constant 0 : i32
    %dma_wait3A_42 = tpu.memref_slice %arg45[%dma_wait3A_40, %dma_wait3A_41] : memref<10240x64xf32, #tpu.memory_space<vmem_shared>> -> memref<10240x64xf32, #tpu.memory_space<vmem_shared>>
    tpu.wait_indirect_dma semaphore(%arg58 : memref<!tpu.dma_semaphore, #tpu.memory_space<semaphore_mem>>) src(%arg33 : memref<128x64xf32, #tpu.memory_space<vmem>>) dst(%dma_wait3A_42 : memref<10240x64xf32, #tpu.memory_space<vmem_shared>>)
    %dma_wait3A_43 = arith.constant 0 : i32
    %dma_wait3A_44 = arith.constant 0 : i32
    %dma_wait3A_45 = tpu.memref_slice %arg45[%dma_wait3A_43, %dma_wait3A_44] : memref<10240x64xf32, #tpu.memory_space<vmem_shared>> -> memref<10240x64xf32, #tpu.memory_space<vmem_shared>>
    tpu.wait_indirect_dma semaphore(%arg58 : memref<!tpu.dma_semaphore, #tpu.memory_space<semaphore_mem>>) src(%arg37 : memref<128x64xf32, #tpu.memory_space<vmem>>) dst(%dma_wait3A_45 : memref<10240x64xf32, #tpu.memory_space<vmem_shared>>)
    %mul3A_46 = arith.constant 20000 : i32
    %mul3A_47 = arith.muli %arg1, %mul3A_46 : i32
    %add3A = arith.constant 19968 : i32
    %add3A_48 = arith.addi %mul3A_47, %add3A : i32
    "tpu.region"() ({
      %run_scoped3A = tpu.sem_alloc : memref<!tpu.dma_semaphore, #tpu.memory_space<semaphore_mem>>
      %dma_start3A_72 = tpu.memref_slice %arg2[%add3A_48] : memref<320000xi32, #tpu.memory_space<hbm>> -> memref<32xi32, #tpu.memory_space<hbm>>
      %dma_start3A_73 = tpu.memref_slice %arg2[%add3A_48] : memref<320000xi32, #tpu.memory_space<hbm>> -> memref<32xi32, #tpu.memory_space<hbm>>
      tpu.enqueue_dma source(%dma_start3A_73 : memref<32xi32, #tpu.memory_space<hbm>>) target(%arg38 : memref<32xi32, #tpu.memory_space<vmem>>) target_semaphore(%run_scoped3A : memref<!tpu.dma_semaphore, #tpu.memory_space<semaphore_mem>>)
      %dma_wait3A_74 = tpu.memref_slice %arg2[%add3A_48] : memref<320000xi32, #tpu.memory_space<hbm>> -> memref<32xi32, #tpu.memory_space<hbm>>
      %dma_wait3A_75 = tpu.memref_slice %arg2[%add3A_48] : memref<320000xi32, #tpu.memory_space<hbm>> -> memref<32xi32, #tpu.memory_space<hbm>>
      tpu.wait_dma2 semaphore(%run_scoped3A : memref<!tpu.dma_semaphore, #tpu.memory_space<semaphore_mem>>) src(%dma_wait3A_75 : memref<32xi32, #tpu.memory_space<hbm>>) dst(%arg38 : memref<32xi32, #tpu.memory_space<vmem>>)
      tpu.yield
    }) : () -> ()
    "tpu.region"() ({
      %run_scoped3A = tpu.sem_alloc : memref<!tpu.dma_semaphore, #tpu.memory_space<semaphore_mem>>
      %dma_start3A_72 = tpu.memref_slice %arg3[%add3A_48] : memref<320000xi32, #tpu.memory_space<hbm>> -> memref<32xi32, #tpu.memory_space<hbm>>
      %dma_start3A_73 = tpu.memref_slice %arg3[%add3A_48] : memref<320000xi32, #tpu.memory_space<hbm>> -> memref<32xi32, #tpu.memory_space<hbm>>
      tpu.enqueue_dma source(%dma_start3A_73 : memref<32xi32, #tpu.memory_space<hbm>>) target(%arg39 : memref<32xi32, #tpu.memory_space<vmem>>) target_semaphore(%run_scoped3A : memref<!tpu.dma_semaphore, #tpu.memory_space<semaphore_mem>>)
      %dma_wait3A_74 = tpu.memref_slice %arg3[%add3A_48] : memref<320000xi32, #tpu.memory_space<hbm>> -> memref<32xi32, #tpu.memory_space<hbm>>
      %dma_wait3A_75 = tpu.memref_slice %arg3[%add3A_48] : memref<320000xi32, #tpu.memory_space<hbm>> -> memref<32xi32, #tpu.memory_space<hbm>>
      tpu.wait_dma2 semaphore(%run_scoped3A : memref<!tpu.dma_semaphore, #tpu.memory_space<semaphore_mem>>) src(%dma_wait3A_75 : memref<32xi32, #tpu.memory_space<hbm>>) dst(%arg39 : memref<32xi32, #tpu.memory_space<vmem>>)
      tpu.yield
    }) : () -> ()
    %scan3A_49 = arith.constant 0 : i32
    %scan3A_50 = arith.constant 0 : i32
    %scan3A_51 = arith.constant 2 : i32
    %scan3A_52 = arith.addi %scan3A_50, %scan3A_51 : i32
    %scan3A_53 = arith.constant 1 : i32
    %scan3A_54 = scf.for %scan3A_72 = %scan3A_50 to %scan3A_52 step %scan3A_53 iter_args(%scan3A_73 = %scan3A_49) -> (i32)  : i32 {
      %mul3A_74 = arith.constant 16 : i32
      %mul3A_75 = arith.muli %scan3A_72, %mul3A_74 : i32
      %get3A = arith.index_cast %mul3A_75 : i32 to index
      %get3A_76 = tpu.vector_load %arg38[%get3A] {strides = array<i32>} : memref<32xi32, #tpu.memory_space<vmem>>, vector<16xi32>,
      %get3A_77 = vector.shape_cast %get3A_76 : vector<16xi32> to vector<16xi32>
      %add3A_78 = vector.broadcast %mul3A_2 : i32 to vector<16xi32>
      %add3A_79 = arith.addi %get3A_77, %add3A_78 : vector<16xi32>
      %swap3A = arith.index_cast %mul3A_75 : i32 to index
      %swap3A_80 = tpu.vector_load %arg40[%swap3A] {strides = array<i32>} : memref<32xi32, #tpu.memory_space<vmem>>, vector<16xi32>,
      %swap3A_81 = vector.shape_cast %swap3A_80 : vector<16xi32> to vector<16xi32>
      %swap3A_82 = vector.shape_cast %add3A_79 : vector<16xi32> to vector<16xi32>
      tpu.vector_store %arg40[%swap3A], %swap3A_82 {strides = array<i32>} : memref<32xi32, #tpu.memory_space<vmem>>, vector<16xi32>,
      %get3A_83 = arith.index_cast %mul3A_75 : i32 to index
      %get3A_84 = tpu.vector_load %arg39[%get3A_83] {strides = array<i32>} : memref<32xi32, #tpu.memory_space<vmem>>, vector<16xi32>,
      %get3A_85 = vector.shape_cast %get3A_84 : vector<16xi32> to vector<16xi32>
      %add3A_86 = vector.broadcast %mul3A_2 : i32 to vector<16xi32>
      %add3A_87 = arith.addi %get3A_85, %add3A_86 : vector<16xi32>
      %swap3A_88 = arith.index_cast %mul3A_75 : i32 to index
      %swap3A_89 = tpu.vector_load %arg41[%swap3A_88] {strides = array<i32>} : memref<32xi32, #tpu.memory_space<vmem>>, vector<16xi32>,
      %swap3A_90 = vector.shape_cast %swap3A_89 : vector<16xi32> to vector<16xi32>
      %swap3A_91 = vector.shape_cast %add3A_87 : vector<16xi32> to vector<16xi32>
      tpu.vector_store %arg41[%swap3A_88], %swap3A_91 {strides = array<i32>} : memref<32xi32, #tpu.memory_space<vmem>>, vector<16xi32>,
      %scan3A_92 = arith.constant 0 : i32
      scf.yield %scan3A_92 : i32
    }
    %scan3A_55 = arith.constant 2 : i32
    %dma_start3A = arith.constant 0 : i32
    %dma_start3A_56 = arith.constant 0 : i32
    %dma_start3A_57 = tpu.memref_slice %arg4[%dma_start3A, %dma_start3A_56] : memref<20000x64xf32, #tpu.memory_space<hbm>> -> memref<20000x64xf32, #tpu.memory_space<hbm>>
    tpu.enqueue_indirect_dma source(%dma_start3A_57 : memref<20000x64xf32, #tpu.memory_space<hbm>>) target(%arg42 : memref<32x64xf32, #tpu.memory_space<vmem>>) offsets(%arg40 : memref<32xi32, #tpu.memory_space<vmem>>) semaphore(%arg50 : memref<!tpu.dma_semaphore, #tpu.memory_space<semaphore_mem>>)
    %dma_start3A_58 = arith.constant 0 : i32
    %dma_start3A_59 = arith.constant 0 : i32
    %dma_start3A_60 = tpu.memref_slice %arg4[%dma_start3A_58, %dma_start3A_59] : memref<20000x64xf32, #tpu.memory_space<hbm>> -> memref<20000x64xf32, #tpu.memory_space<hbm>>
    tpu.enqueue_indirect_dma source(%dma_start3A_60 : memref<20000x64xf32, #tpu.memory_space<hbm>>) target(%arg43 : memref<32x64xf32, #tpu.memory_space<vmem>>) offsets(%arg41 : memref<32xi32, #tpu.memory_space<vmem>>) semaphore(%arg51 : memref<!tpu.dma_semaphore, #tpu.memory_space<semaphore_mem>>)
    %dma_wait3A_61 = arith.constant 0 : i32
    %dma_wait3A_62 = arith.constant 0 : i32
    %dma_wait3A_63 = tpu.memref_slice %arg4[%dma_wait3A_61, %dma_wait3A_62] : memref<20000x64xf32, #tpu.memory_space<hbm>> -> memref<20000x64xf32, #tpu.memory_space<hbm>>
    tpu.wait_indirect_dma semaphore(%arg50 : memref<!tpu.dma_semaphore, #tpu.memory_space<semaphore_mem>>) src(%dma_wait3A_63 : memref<20000x64xf32, #tpu.memory_space<hbm>>) dst(%arg42 : memref<32x64xf32, #tpu.memory_space<vmem>>)
    %dma_wait3A_64 = arith.constant 0 : i32
    %dma_wait3A_65 = arith.constant 0 : i32
    %dma_wait3A_66 = tpu.memref_slice %arg4[%dma_wait3A_64, %dma_wait3A_65] : memref<20000x64xf32, #tpu.memory_space<hbm>> -> memref<20000x64xf32, #tpu.memory_space<hbm>>
    tpu.wait_indirect_dma semaphore(%arg51 : memref<!tpu.dma_semaphore, #tpu.memory_space<semaphore_mem>>) src(%dma_wait3A_66 : memref<20000x64xf32, #tpu.memory_space<hbm>>) dst(%arg43 : memref<32x64xf32, #tpu.memory_space<vmem>>)
    "tpu.region"() ({
      %run_scoped3A = tpu.sem_alloc : memref<!tpu.dma_semaphore, #tpu.memory_space<semaphore_mem>>
      %dma_start3A_72 = arith.constant 0 : i32
      %dma_start3A_73 = arith.constant 0 : i32
      %dma_start3A_74 = tpu.memref_slice %arg45[%dma_start3A_72, %dma_start3A_73] : memref<10240x64xf32, #tpu.memory_space<vmem_shared>> -> memref<10240x64xf32, #tpu.memory_space<vmem_shared>>
      tpu.enqueue_indirect_dma source(%arg42 : memref<32x64xf32, #tpu.memory_space<vmem>>) target(%dma_start3A_74 : memref<10240x64xf32, #tpu.memory_space<vmem_shared>>) offsets(%arg39 : memref<32xi32, #tpu.memory_space<vmem>>) semaphore(%run_scoped3A : memref<!tpu.dma_semaphore, #tpu.memory_space<semaphore_mem>>) {add = true}
      %dma_wait3A_75 = arith.constant 0 : i32
      %dma_wait3A_76 = arith.constant 0 : i32
      %dma_wait3A_77 = tpu.memref_slice %arg45[%dma_wait3A_75, %dma_wait3A_76] : memref<10240x64xf32, #tpu.memory_space<vmem_shared>> -> memref<10240x64xf32, #tpu.memory_space<vmem_shared>>
      tpu.wait_indirect_dma semaphore(%run_scoped3A : memref<!tpu.dma_semaphore, #tpu.memory_space<semaphore_mem>>) src(%arg42 : memref<32x64xf32, #tpu.memory_space<vmem>>) dst(%dma_wait3A_77 : memref<10240x64xf32, #tpu.memory_space<vmem_shared>>)
      tpu.yield
    }) : () -> ()
    "tpu.region"() ({
      %run_scoped3A = tpu.sem_alloc : memref<!tpu.dma_semaphore, #tpu.memory_space<semaphore_mem>>
      %dma_start3A_72 = arith.constant 0 : i32
      %dma_start3A_73 = arith.constant 0 : i32
      %dma_start3A_74 = tpu.memref_slice %arg45[%dma_start3A_72, %dma_start3A_73] : memref<10240x64xf32, #tpu.memory_space<vmem_shared>> -> memref<10240x64xf32, #tpu.memory_space<vmem_shared>>
      tpu.enqueue_indirect_dma source(%arg43 : memref<32x64xf32, #tpu.memory_space<vmem>>) target(%dma_start3A_74 : memref<10240x64xf32, #tpu.memory_space<vmem_shared>>) offsets(%arg38 : memref<32xi32, #tpu.memory_space<vmem>>) semaphore(%run_scoped3A : memref<!tpu.dma_semaphore, #tpu.memory_space<semaphore_mem>>) {add = true}
      %dma_wait3A_75 = arith.constant 0 : i32
      %dma_wait3A_76 = arith.constant 0 : i32
      %dma_wait3A_77 = tpu.memref_slice %arg45[%dma_wait3A_75, %dma_wait3A_76] : memref<10240x64xf32, #tpu.memory_space<vmem_shared>> -> memref<10240x64xf32, #tpu.memory_space<vmem_shared>>
      tpu.wait_indirect_dma semaphore(%run_scoped3A : memref<!tpu.dma_semaphore, #tpu.memory_space<semaphore_mem>>) src(%arg43 : memref<32x64xf32, #tpu.memory_space<vmem>>) dst(%dma_wait3A_77 : memref<10240x64xf32, #tpu.memory_space<vmem_shared>>)
      tpu.yield
    }) : () -> ()
    %barrier3A_67 = arith.constant 0 : index
    tpu.barrier barrier_id(%barrier3A_67)
    %mul3A_68 = arith.constant 640 : i32
    %mul3A_69 = arith.muli %arg1, %mul3A_68 : i32
    %mul3A_70 = arith.constant 640 : i32
    %mul3A_71 = arith.muli %arg1, %mul3A_70 : i32
    "tpu.region"() ({
      %run_scoped3A = tpu.sem_alloc : memref<!tpu.dma_semaphore, #tpu.memory_space<semaphore_mem>>
      %dma_start3A_72 = tpu.memref_slice %arg5[%mul3A_71, %mul3A_0] : memref<10240x128xf32, #tpu.memory_space<hbm>> -> memref<640x64xf32, #tpu.memory_space<hbm>>
      %dma_start3A_73 = arith.constant 0 : i32
      %dma_start3A_74 = tpu.memref_slice %arg45[%mul3A_69, %dma_start3A_73] : memref<10240x64xf32, #tpu.memory_space<vmem_shared>> -> memref<640x64xf32, #tpu.memory_space<vmem_shared>>
      tpu.enqueue_dma source(%dma_start3A_74 : memref<640x64xf32, #tpu.memory_space<vmem_shared>>) target(%dma_start3A_72 : memref<640x64xf32, #tpu.memory_space<hbm>>) target_semaphore(%run_scoped3A : memref<!tpu.dma_semaphore, #tpu.memory_space<semaphore_mem>>)
      %dma_wait3A_75 = tpu.memref_slice %arg5[%mul3A_71, %mul3A_0] : memref<10240x128xf32, #tpu.memory_space<hbm>> -> memref<640x64xf32, #tpu.memory_space<hbm>>
      %dma_wait3A_76 = arith.constant 0 : i32
      %dma_wait3A_77 = tpu.memref_slice %arg45[%mul3A_69, %dma_wait3A_76] : memref<10240x64xf32, #tpu.memory_space<vmem_shared>> -> memref<640x64xf32, #tpu.memory_space<vmem_shared>>
      tpu.wait_dma2 semaphore(%run_scoped3A : memref<!tpu.dma_semaphore, #tpu.memory_space<semaphore_mem>>) src(%dma_wait3A_77 : memref<640x64xf32, #tpu.memory_space<vmem_shared>>) dst(%dma_wait3A_75 : memref<640x64xf32, #tpu.memory_space<hbm>>)
      tpu.yield
    }) : () -> ()
    return
  }
}

#map = affine_map<(d0, d1) -> (0)>
#map1 = affine_map<(d0, d1) -> (0, 0)>
module attributes {stable_mosaic.version = 14 : i64} {
  func.func @_deg_sc(%arg0: i32, %arg1: i32, %arg2: memref<320000xi32, #tpu.memory_space<hbm>>, %arg3: memref<320000xi32, #tpu.memory_space<hbm>>, %arg4: memref<2x10240xf32, #tpu.memory_space<hbm>>, %arg5: memref<80xi32, #tpu.memory_space<vmem>>, %arg6: memref<80xi32, #tpu.memory_space<vmem>>, %arg7: memref<80xi32, #tpu.memory_space<vmem>>, %arg8: memref<80xi32, #tpu.memory_space<vmem>>, %arg9: memref<80xi32, #tpu.memory_space<vmem>>, %arg10: memref<80xi32, #tpu.memory_space<vmem>>, %arg11: memref<80xi32, #tpu.memory_space<vmem>>, %arg12: memref<80xi32, #tpu.memory_space<vmem>>, %arg13: memref<80xf32, #tpu.memory_space<vmem>>, %arg14: memref<640xf32, #tpu.memory_space<vmem>>, %arg15: memref<10240xf32, #tpu.memory_space<vmem_shared>>, %arg16: memref<!tpu.dma_semaphore, #tpu.memory_space<semaphore_mem>>, %arg17: memref<!tpu.dma_semaphore, #tpu.memory_space<semaphore_mem>>, %arg18: memref<!tpu.dma_semaphore, #tpu.memory_space<semaphore_mem>>, %arg19: memref<!tpu.dma_semaphore, #tpu.memory_space<semaphore_mem>>, %arg20: memref<!tpu.dma_semaphore, #tpu.memory_space<semaphore_mem>>) attributes {dimension_semantics = [#tpu.dimension_semantics<core_parallel>, #tpu.dimension_semantics<subcore_parallel>], iteration_bounds = array<i64: 2, 16>, scalar_prefetch = 0 : i64, scratch_operands = 16 : i64, tpu.core_type = #tpu.core_type<sc_vector_subcore>, window_params = [{transform_indices = #map}, {transform_indices = #map}, {transform_indices = #map1}]} {
    %mul3A = arith.constant 2 : i32
    %mul3A_0 = arith.muli %arg1, %mul3A : i32
    %add3A = arith.addi %mul3A_0, %arg0 : i32
    %scan3A = arith.constant 0 : i32
    %scan3A_1 = arith.constant 0 : i32
    %scan3A_2 = arith.constant 5 : i32
    %scan3A_3 = arith.addi %scan3A_1, %scan3A_2 : i32
    %scan3A_4 = arith.constant 1 : i32
    %scan3A_5 = scf.for %scan3A_32 = %scan3A_1 to %scan3A_3 step %scan3A_4 iter_args(%scan3A_33 = %scan3A) -> (i32)  : i32 {
      %broadcast_in_dim3A = arith.constant 1.000000e+00 : f32
      %broadcast_in_dim3A_34 = vector.broadcast %broadcast_in_dim3A : f32 to vector<16xf32>
      %mul3A_35 = arith.constant 16 : i32
      %mul3A_36 = arith.muli %scan3A_32, %mul3A_35 : i32
      %swap3A = arith.index_cast %mul3A_36 : i32 to index
      %swap3A_37 = tpu.vector_load %arg13[%swap3A] {strides = array<i32>} : memref<80xf32, #tpu.memory_space<vmem>>, vector<16xf32>,
      %swap3A_38 = vector.shape_cast %swap3A_37 : vector<16xf32> to vector<16xf32>
      %swap3A_39 = vector.shape_cast %broadcast_in_dim3A_34 : vector<16xf32> to vector<16xf32>
      tpu.vector_store %arg13[%swap3A], %swap3A_39 {strides = array<i32>} : memref<80xf32, #tpu.memory_space<vmem>>, vector<16xf32>,
      %scan3A_40 = arith.constant 0 : i32
      scf.yield %scan3A_40 : i32
    }
    %scan3A_6 = arith.constant 5 : i32
    %scan3A_7 = arith.constant 0 : i32
    %scan3A_8 = arith.constant 0 : i32
    %scan3A_9 = arith.constant 40 : i32
    %scan3A_10 = arith.addi %scan3A_8, %scan3A_9 : i32
    %scan3A_11 = arith.constant 1 : i32
    %scan3A_12 = scf.for %scan3A_32 = %scan3A_8 to %scan3A_10 step %scan3A_11 iter_args(%scan3A_33 = %scan3A_7) -> (i32)  : i32 {
      %broadcast_in_dim3A = arith.constant 0.000000e+00 : f32
      %broadcast_in_dim3A_34 = vector.broadcast %broadcast_in_dim3A : f32 to vector<16xf32>
      %mul3A_35 = arith.constant 16 : i32
      %mul3A_36 = arith.muli %scan3A_32, %mul3A_35 : i32
      %swap3A = arith.index_cast %mul3A_36 : i32 to index
      %swap3A_37 = tpu.vector_load %arg14[%swap3A] {strides = array<i32>} : memref<640xf32, #tpu.memory_space<vmem>>, vector<16xf32>,
      %swap3A_38 = vector.shape_cast %swap3A_37 : vector<16xf32> to vector<16xf32>
      %swap3A_39 = vector.shape_cast %broadcast_in_dim3A_34 : vector<16xf32> to vector<16xf32>
      tpu.vector_store %arg14[%swap3A], %swap3A_39 {strides = array<i32>} : memref<640xf32, #tpu.memory_space<vmem>>, vector<16xf32>,
      %scan3A_40 = arith.constant 0 : i32
      scf.yield %scan3A_40 : i32
    }
    %scan3A_13 = arith.constant 40 : i32
    %mul3A_14 = arith.constant 640 : i32
    %mul3A_15 = arith.muli %arg1, %mul3A_14 : i32
    "tpu.region"() ({
      %run_scoped3A = tpu.sem_alloc : memref<!tpu.dma_semaphore, #tpu.memory_space<semaphore_mem>>
      %dma_start3A = tpu.memref_slice %arg15[%mul3A_15] : memref<10240xf32, #tpu.memory_space<vmem_shared>> -> memref<640xf32, #tpu.memory_space<vmem_shared>>
      %dma_start3A_32 = tpu.memref_slice %arg15[%mul3A_15] : memref<10240xf32, #tpu.memory_space<vmem_shared>> -> memref<640xf32, #tpu.memory_space<vmem_shared>>
      tpu.enqueue_dma source(%arg14 : memref<640xf32, #tpu.memory_space<vmem>>) target(%dma_start3A_32 : memref<640xf32, #tpu.memory_space<vmem_shared>>) target_semaphore(%run_scoped3A : memref<!tpu.dma_semaphore, #tpu.memory_space<semaphore_mem>>)
      %dma_wait3A = tpu.memref_slice %arg15[%mul3A_15] : memref<10240xf32, #tpu.memory_space<vmem_shared>> -> memref<640xf32, #tpu.memory_space<vmem_shared>>
      %dma_wait3A_33 = tpu.memref_slice %arg15[%mul3A_15] : memref<10240xf32, #tpu.memory_space<vmem_shared>> -> memref<640xf32, #tpu.memory_space<vmem_shared>>
      tpu.wait_dma2 semaphore(%run_scoped3A : memref<!tpu.dma_semaphore, #tpu.memory_space<semaphore_mem>>) src(%arg14 : memref<640xf32, #tpu.memory_space<vmem>>) dst(%dma_wait3A_33 : memref<640xf32, #tpu.memory_space<vmem_shared>>)
      tpu.yield
    }) : () -> ()
    %barrier3A = arith.constant 0 : index
    tpu.barrier barrier_id(%barrier3A)
    %scan3A_16 = arith.constant 0 : i32
    %scan3A_17 = arith.constant 0 : i32
    %scan3A_18 = arith.constant 31 : i32
    %scan3A_19 = arith.addi %scan3A_17, %scan3A_18 : i32
    %scan3A_20 = arith.constant 1 : i32
    %scan3A_21 = scf.for %scan3A_32 = %scan3A_17 to %scan3A_19 step %scan3A_20 iter_args(%scan3A_33 = %scan3A_16) -> (i32)  : i32 {
      %mul3A_34 = arith.constant 4 : i32
      %mul3A_35 = arith.muli %scan3A_32, %mul3A_34 : i32
      %add3A_36 = arith.constant 0 : i32
      %add3A_37 = arith.addi %mul3A_35, %add3A_36 : i32
      %mul3A_38 = arith.constant 10000 : i32
      %mul3A_39 = arith.muli %add3A, %mul3A_38 : i32
      %mul3A_40 = arith.constant 80 : i32
      %mul3A_41 = arith.muli %add3A_37, %mul3A_40 : i32
      %add3A_42 = arith.addi %mul3A_39, %mul3A_41 : i32
      %dma_start3A = tpu.memref_slice %arg2[%add3A_42] : memref<320000xi32, #tpu.memory_space<hbm>> -> memref<80xi32, #tpu.memory_space<hbm>>
      %dma_start3A_43 = tpu.memref_slice %arg2[%add3A_42] : memref<320000xi32, #tpu.memory_space<hbm>> -> memref<80xi32, #tpu.memory_space<hbm>>
      tpu.enqueue_dma source(%dma_start3A_43 : memref<80xi32, #tpu.memory_space<hbm>>) target(%arg5 : memref<80xi32, #tpu.memory_space<vmem>>) target_semaphore(%arg16 : memref<!tpu.dma_semaphore, #tpu.memory_space<semaphore_mem>>)
      %dma_start3A_44 = tpu.memref_slice %arg3[%add3A_42] : memref<320000xi32, #tpu.memory_space<hbm>> -> memref<80xi32, #tpu.memory_space<hbm>>
      %dma_start3A_45 = tpu.memref_slice %arg3[%add3A_42] : memref<320000xi32, #tpu.memory_space<hbm>> -> memref<80xi32, #tpu.memory_space<hbm>>
      tpu.enqueue_dma source(%dma_start3A_45 : memref<80xi32, #tpu.memory_space<hbm>>) target(%arg9 : memref<80xi32, #tpu.memory_space<vmem>>) target_semaphore(%arg16 : memref<!tpu.dma_semaphore, #tpu.memory_space<semaphore_mem>>)
      %mul3A_46 = arith.constant 4 : i32
      %mul3A_47 = arith.muli %scan3A_32, %mul3A_46 : i32
      %add3A_48 = arith.constant 1 : i32
      %add3A_49 = arith.addi %mul3A_47, %add3A_48 : i32
      %mul3A_50 = arith.constant 10000 : i32
      %mul3A_51 = arith.muli %add3A, %mul3A_50 : i32
      %mul3A_52 = arith.constant 80 : i32
      %mul3A_53 = arith.muli %add3A_49, %mul3A_52 : i32
      %add3A_54 = arith.addi %mul3A_51, %mul3A_53 : i32
      %dma_start3A_55 = tpu.memref_slice %arg2[%add3A_54] : memref<320000xi32, #tpu.memory_space<hbm>> -> memref<80xi32, #tpu.memory_space<hbm>>
      %dma_start3A_56 = tpu.memref_slice %arg2[%add3A_54] : memref<320000xi32, #tpu.memory_space<hbm>> -> memref<80xi32, #tpu.memory_space<hbm>>
      tpu.enqueue_dma source(%dma_start3A_56 : memref<80xi32, #tpu.memory_space<hbm>>) target(%arg6 : memref<80xi32, #tpu.memory_space<vmem>>) target_semaphore(%arg17 : memref<!tpu.dma_semaphore, #tpu.memory_space<semaphore_mem>>)
      %dma_start3A_57 = tpu.memref_slice %arg3[%add3A_54] : memref<320000xi32, #tpu.memory_space<hbm>> -> memref<80xi32, #tpu.memory_space<hbm>>
      %dma_start3A_58 = tpu.memref_slice %arg3[%add3A_54] : memref<320000xi32, #tpu.memory_space<hbm>> -> memref<80xi32, #tpu.memory_space<hbm>>
      tpu.enqueue_dma source(%dma_start3A_58 : memref<80xi32, #tpu.memory_space<hbm>>) target(%arg10 : memref<80xi32, #tpu.memory_space<vmem>>) target_semaphore(%arg17 : memref<!tpu.dma_semaphore, #tpu.memory_space<semaphore_mem>>)
      %mul3A_59 = arith.constant 4 : i32
      %mul3A_60 = arith.muli %scan3A_32, %mul3A_59 : i32
      %add3A_61 = arith.constant 2 : i32
      %add3A_62 = arith.addi %mul3A_60, %add3A_61 : i32
      %mul3A_63 = arith.constant 10000 : i32
      %mul3A_64 = arith.muli %add3A, %mul3A_63 : i32
      %mul3A_65 = arith.constant 80 : i32
      %mul3A_66 = arith.muli %add3A_62, %mul3A_65 : i32
      %add3A_67 = arith.addi %mul3A_64, %mul3A_66 : i32
      %dma_start3A_68 = tpu.memref_slice %arg2[%add3A_67] : memref<320000xi32, #tpu.memory_space<hbm>> -> memref<80xi32, #tpu.memory_space<hbm>>
      %dma_start3A_69 = tpu.memref_slice %arg2[%add3A_67] : memref<320000xi32, #tpu.memory_space<hbm>> -> memref<80xi32, #tpu.memory_space<hbm>>
      tpu.enqueue_dma source(%dma_start3A_69 : memref<80xi32, #tpu.memory_space<hbm>>) target(%arg7 : memref<80xi32, #tpu.memory_space<vmem>>) target_semaphore(%arg18 : memref<!tpu.dma_semaphore, #tpu.memory_space<semaphore_mem>>)
      %dma_start3A_70 = tpu.memref_slice %arg3[%add3A_67] : memref<320000xi32, #tpu.memory_space<hbm>> -> memref<80xi32, #tpu.memory_space<hbm>>
      %dma_start3A_71 = tpu.memref_slice %arg3[%add3A_67] : memref<320000xi32, #tpu.memory_space<hbm>> -> memref<80xi32, #tpu.memory_space<hbm>>
      tpu.enqueue_dma source(%dma_start3A_71 : memref<80xi32, #tpu.memory_space<hbm>>) target(%arg11 : memref<80xi32, #tpu.memory_space<vmem>>) target_semaphore(%arg18 : memref<!tpu.dma_semaphore, #tpu.memory_space<semaphore_mem>>)
      %mul3A_72 = arith.constant 4 : i32
      %mul3A_73 = arith.muli %scan3A_32, %mul3A_72 : i32
      %add3A_74 = arith.constant 3 : i32
      %add3A_75 = arith.addi %mul3A_73, %add3A_74 : i32
      %mul3A_76 = arith.constant 10000 : i32
      %mul3A_77 = arith.muli %add3A, %mul3A_76 : i32
      %mul3A_78 = arith.constant 80 : i32
      %mul3A_79 = arith.muli %add3A_75, %mul3A_78 : i32
      %add3A_80 = arith.addi %mul3A_77, %mul3A_79 : i32
      %dma_start3A_81 = tpu.memref_slice %arg2[%add3A_80] : memref<320000xi32, #tpu.memory_space<hbm>> -> memref<80xi32, #tpu.memory_space<hbm>>
      %dma_start3A_82 = tpu.memref_slice %arg2[%add3A_80] : memref<320000xi32, #tpu.memory_space<hbm>> -> memref<80xi32, #tpu.memory_space<hbm>>
      tpu.enqueue_dma source(%dma_start3A_82 : memref<80xi32, #tpu.memory_space<hbm>>) target(%arg8 : memref<80xi32, #tpu.memory_space<vmem>>) target_semaphore(%arg19 : memref<!tpu.dma_semaphore, #tpu.memory_space<semaphore_mem>>)
      %dma_start3A_83 = tpu.memref_slice %arg3[%add3A_80] : memref<320000xi32, #tpu.memory_space<hbm>> -> memref<80xi32, #tpu.memory_space<hbm>>
      %dma_start3A_84 = tpu.memref_slice %arg3[%add3A_80] : memref<320000xi32, #tpu.memory_space<hbm>> -> memref<80xi32, #tpu.memory_space<hbm>>
      tpu.enqueue_dma source(%dma_start3A_84 : memref<80xi32, #tpu.memory_space<hbm>>) target(%arg12 : memref<80xi32, #tpu.memory_space<vmem>>) target_semaphore(%arg19 : memref<!tpu.dma_semaphore, #tpu.memory_space<semaphore_mem>>)
      %dma_wait3A = tpu.memref_slice %arg2[%add3A_42] : memref<320000xi32, #tpu.memory_space<hbm>> -> memref<80xi32, #tpu.memory_space<hbm>>
      %dma_wait3A_85 = tpu.memref_slice %arg2[%add3A_42] : memref<320000xi32, #tpu.memory_space<hbm>> -> memref<80xi32, #tpu.memory_space<hbm>>
      tpu.wait_dma2 semaphore(%arg16 : memref<!tpu.dma_semaphore, #tpu.memory_space<semaphore_mem>>) src(%dma_wait3A_85 : memref<80xi32, #tpu.memory_space<hbm>>) dst(%arg5 : memref<80xi32, #tpu.memory_space<vmem>>)
      %dma_wait3A_86 = tpu.memref_slice %arg3[%add3A_42] : memref<320000xi32, #tpu.memory_space<hbm>> -> memref<80xi32, #tpu.memory_space<hbm>>
      %dma_wait3A_87 = tpu.memref_slice %arg3[%add3A_42] : memref<320000xi32, #tpu.memory_space<hbm>> -> memref<80xi32, #tpu.memory_space<hbm>>
      tpu.wait_dma2 semaphore(%arg16 : memref<!tpu.dma_semaphore, #tpu.memory_space<semaphore_mem>>) src(%dma_wait3A_87 : memref<80xi32, #tpu.memory_space<hbm>>) dst(%arg9 : memref<80xi32, #tpu.memory_space<vmem>>)
      %dma_start3A_88 = arith.constant 0 : i32
      %dma_start3A_89 = tpu.memref_slice %arg15[%dma_start3A_88] : memref<10240xf32, #tpu.memory_space<vmem_shared>> -> memref<10240xf32, #tpu.memory_space<vmem_shared>>
      tpu.enqueue_indirect_dma source(%arg13 : memref<80xf32, #tpu.memory_space<vmem>>) target(%dma_start3A_89 : memref<10240xf32, #tpu.memory_space<vmem_shared>>) offsets(%arg5 : memref<80xi32, #tpu.memory_space<vmem>>) semaphore(%arg20 : memref<!tpu.dma_semaphore, #tpu.memory_space<semaphore_mem>>) {add = true}
      %dma_start3A_90 = arith.constant 0 : i32
      %dma_start3A_91 = tpu.memref_slice %arg15[%dma_start3A_90] : memref<10240xf32, #tpu.memory_space<vmem_shared>> -> memref<10240xf32, #tpu.memory_space<vmem_shared>>
      tpu.enqueue_indirect_dma source(%arg13 : memref<80xf32, #tpu.memory_space<vmem>>) target(%dma_start3A_91 : memref<10240xf32, #tpu.memory_space<vmem_shared>>) offsets(%arg9 : memref<80xi32, #tpu.memory_space<vmem>>) semaphore(%arg20 : memref<!tpu.dma_semaphore, #tpu.memory_space<semaphore_mem>>) {add = true}
      %dma_wait3A_92 = tpu.memref_slice %arg2[%add3A_54] : memref<320000xi32, #tpu.memory_space<hbm>> -> memref<80xi32, #tpu.memory_space<hbm>>
      %dma_wait3A_93 = tpu.memref_slice %arg2[%add3A_54] : memref<320000xi32, #tpu.memory_space<hbm>> -> memref<80xi32, #tpu.memory_space<hbm>>
      tpu.wait_dma2 semaphore(%arg17 : memref<!tpu.dma_semaphore, #tpu.memory_space<semaphore_mem>>) src(%dma_wait3A_93 : memref<80xi32, #tpu.memory_space<hbm>>) dst(%arg6 : memref<80xi32, #tpu.memory_space<vmem>>)
      %dma_wait3A_94 = tpu.memref_slice %arg3[%add3A_54] : memref<320000xi32, #tpu.memory_space<hbm>> -> memref<80xi32, #tpu.memory_space<hbm>>
      %dma_wait3A_95 = tpu.memref_slice %arg3[%add3A_54] : memref<320000xi32, #tpu.memory_space<hbm>> -> memref<80xi32, #tpu.memory_space<hbm>>
      tpu.wait_dma2 semaphore(%arg17 : memref<!tpu.dma_semaphore, #tpu.memory_space<semaphore_mem>>) src(%dma_wait3A_95 : memref<80xi32, #tpu.memory_space<hbm>>) dst(%arg10 : memref<80xi32, #tpu.memory_space<vmem>>)
      %dma_start3A_96 = arith.constant 0 : i32
      %dma_start3A_97 = tpu.memref_slice %arg15[%dma_start3A_96] : memref<10240xf32, #tpu.memory_space<vmem_shared>> -> memref<10240xf32, #tpu.memory_space<vmem_shared>>
      tpu.enqueue_indirect_dma source(%arg13 : memref<80xf32, #tpu.memory_space<vmem>>) target(%dma_start3A_97 : memref<10240xf32, #tpu.memory_space<vmem_shared>>) offsets(%arg6 : memref<80xi32, #tpu.memory_space<vmem>>) semaphore(%arg20 : memref<!tpu.dma_semaphore, #tpu.memory_space<semaphore_mem>>) {add = true}
      %dma_start3A_98 = arith.constant 0 : i32
      %dma_start3A_99 = tpu.memref_slice %arg15[%dma_start3A_98] : memref<10240xf32, #tpu.memory_space<vmem_shared>> -> memref<10240xf32, #tpu.memory_space<vmem_shared>>
      tpu.enqueue_indirect_dma source(%arg13 : memref<80xf32, #tpu.memory_space<vmem>>) target(%dma_start3A_99 : memref<10240xf32, #tpu.memory_space<vmem_shared>>) offsets(%arg10 : memref<80xi32, #tpu.memory_space<vmem>>) semaphore(%arg20 : memref<!tpu.dma_semaphore, #tpu.memory_space<semaphore_mem>>) {add = true}
      %dma_wait3A_100 = tpu.memref_slice %arg2[%add3A_67] : memref<320000xi32, #tpu.memory_space<hbm>> -> memref<80xi32, #tpu.memory_space<hbm>>
      %dma_wait3A_101 = tpu.memref_slice %arg2[%add3A_67] : memref<320000xi32, #tpu.memory_space<hbm>> -> memref<80xi32, #tpu.memory_space<hbm>>
      tpu.wait_dma2 semaphore(%arg18 : memref<!tpu.dma_semaphore, #tpu.memory_space<semaphore_mem>>) src(%dma_wait3A_101 : memref<80xi32, #tpu.memory_space<hbm>>) dst(%arg7 : memref<80xi32, #tpu.memory_space<vmem>>)
      %dma_wait3A_102 = tpu.memref_slice %arg3[%add3A_67] : memref<320000xi32, #tpu.memory_space<hbm>> -> memref<80xi32, #tpu.memory_space<hbm>>
      %dma_wait3A_103 = tpu.memref_slice %arg3[%add3A_67] : memref<320000xi32, #tpu.memory_space<hbm>> -> memref<80xi32, #tpu.memory_space<hbm>>
      tpu.wait_dma2 semaphore(%arg18 : memref<!tpu.dma_semaphore, #tpu.memory_space<semaphore_mem>>) src(%dma_wait3A_103 : memref<80xi32, #tpu.memory_space<hbm>>) dst(%arg11 : memref<80xi32, #tpu.memory_space<vmem>>)
      %dma_start3A_104 = arith.constant 0 : i32
      %dma_start3A_105 = tpu.memref_slice %arg15[%dma_start3A_104] : memref<10240xf32, #tpu.memory_space<vmem_shared>> -> memref<10240xf32, #tpu.memory_space<vmem_shared>>
      tpu.enqueue_indirect_dma source(%arg13 : memref<80xf32, #tpu.memory_space<vmem>>) target(%dma_start3A_105 : memref<10240xf32, #tpu.memory_space<vmem_shared>>) offsets(%arg7 : memref<80xi32, #tpu.memory_space<vmem>>) semaphore(%arg20 : memref<!tpu.dma_semaphore, #tpu.memory_space<semaphore_mem>>) {add = true}
      %dma_start3A_106 = arith.constant 0 : i32
      %dma_start3A_107 = tpu.memref_slice %arg15[%dma_start3A_106] : memref<10240xf32, #tpu.memory_space<vmem_shared>> -> memref<10240xf32, #tpu.memory_space<vmem_shared>>
      tpu.enqueue_indirect_dma source(%arg13 : memref<80xf32, #tpu.memory_space<vmem>>) target(%dma_start3A_107 : memref<10240xf32, #tpu.memory_space<vmem_shared>>) offsets(%arg11 : memref<80xi32, #tpu.memory_space<vmem>>) semaphore(%arg20 : memref<!tpu.dma_semaphore, #tpu.memory_space<semaphore_mem>>) {add = true}
      %dma_wait3A_108 = tpu.memref_slice %arg2[%add3A_80] : memref<320000xi32, #tpu.memory_space<hbm>> -> memref<80xi32, #tpu.memory_space<hbm>>
      %dma_wait3A_109 = tpu.memref_slice %arg2[%add3A_80] : memref<320000xi32, #tpu.memory_space<hbm>> -> memref<80xi32, #tpu.memory_space<hbm>>
      tpu.wait_dma2 semaphore(%arg19 : memref<!tpu.dma_semaphore, #tpu.memory_space<semaphore_mem>>) src(%dma_wait3A_109 : memref<80xi32, #tpu.memory_space<hbm>>) dst(%arg8 : memref<80xi32, #tpu.memory_space<vmem>>)
      %dma_wait3A_110 = tpu.memref_slice %arg3[%add3A_80] : memref<320000xi32, #tpu.memory_space<hbm>> -> memref<80xi32, #tpu.memory_space<hbm>>
      %dma_wait3A_111 = tpu.memref_slice %arg3[%add3A_80] : memref<320000xi32, #tpu.memory_space<hbm>> -> memref<80xi32, #tpu.memory_space<hbm>>
      tpu.wait_dma2 semaphore(%arg19 : memref<!tpu.dma_semaphore, #tpu.memory_space<semaphore_mem>>) src(%dma_wait3A_111 : memref<80xi32, #tpu.memory_space<hbm>>) dst(%arg12 : memref<80xi32, #tpu.memory_space<vmem>>)
      %dma_start3A_112 = arith.constant 0 : i32
      %dma_start3A_113 = tpu.memref_slice %arg15[%dma_start3A_112] : memref<10240xf32, #tpu.memory_space<vmem_shared>> -> memref<10240xf32, #tpu.memory_space<vmem_shared>>
      tpu.enqueue_indirect_dma source(%arg13 : memref<80xf32, #tpu.memory_space<vmem>>) target(%dma_start3A_113 : memref<10240xf32, #tpu.memory_space<vmem_shared>>) offsets(%arg8 : memref<80xi32, #tpu.memory_space<vmem>>) semaphore(%arg20 : memref<!tpu.dma_semaphore, #tpu.memory_space<semaphore_mem>>) {add = true}
      %dma_start3A_114 = arith.constant 0 : i32
      %dma_start3A_115 = tpu.memref_slice %arg15[%dma_start3A_114] : memref<10240xf32, #tpu.memory_space<vmem_shared>> -> memref<10240xf32, #tpu.memory_space<vmem_shared>>
      tpu.enqueue_indirect_dma source(%arg13 : memref<80xf32, #tpu.memory_space<vmem>>) target(%dma_start3A_115 : memref<10240xf32, #tpu.memory_space<vmem_shared>>) offsets(%arg12 : memref<80xi32, #tpu.memory_space<vmem>>) semaphore(%arg20 : memref<!tpu.dma_semaphore, #tpu.memory_space<semaphore_mem>>) {add = true}
      %dma_wait3A_116 = arith.constant 0 : i32
      %dma_wait3A_117 = tpu.memref_slice %arg15[%dma_wait3A_116] : memref<10240xf32, #tpu.memory_space<vmem_shared>> -> memref<10240xf32, #tpu.memory_space<vmem_shared>>
      tpu.wait_indirect_dma semaphore(%arg20 : memref<!tpu.dma_semaphore, #tpu.memory_space<semaphore_mem>>) src(%arg13 : memref<80xf32, #tpu.memory_space<vmem>>) dst(%dma_wait3A_117 : memref<10240xf32, #tpu.memory_space<vmem_shared>>)
      %dma_wait3A_118 = arith.constant 0 : i32
      %dma_wait3A_119 = tpu.memref_slice %arg15[%dma_wait3A_118] : memref<10240xf32, #tpu.memory_space<vmem_shared>> -> memref<10240xf32, #tpu.memory_space<vmem_shared>>
      tpu.wait_indirect_dma semaphore(%arg20 : memref<!tpu.dma_semaphore, #tpu.memory_space<semaphore_mem>>) src(%arg13 : memref<80xf32, #tpu.memory_space<vmem>>) dst(%dma_wait3A_119 : memref<10240xf32, #tpu.memory_space<vmem_shared>>)
      %dma_wait3A_120 = arith.constant 0 : i32
      %dma_wait3A_121 = tpu.memref_slice %arg15[%dma_wait3A_120] : memref<10240xf32, #tpu.memory_space<vmem_shared>> -> memref<10240xf32, #tpu.memory_space<vmem_shared>>
      tpu.wait_indirect_dma semaphore(%arg20 : memref<!tpu.dma_semaphore, #tpu.memory_space<semaphore_mem>>) src(%arg13 : memref<80xf32, #tpu.memory_space<vmem>>) dst(%dma_wait3A_121 : memref<10240xf32, #tpu.memory_space<vmem_shared>>)
      %dma_wait3A_122 = arith.constant 0 : i32
      %dma_wait3A_123 = tpu.memref_slice %arg15[%dma_wait3A_122] : memref<10240xf32, #tpu.memory_space<vmem_shared>> -> memref<10240xf32, #tpu.memory_space<vmem_shared>>
      tpu.wait_indirect_dma semaphore(%arg20 : memref<!tpu.dma_semaphore, #tpu.memory_space<semaphore_mem>>) src(%arg13 : memref<80xf32, #tpu.memory_space<vmem>>) dst(%dma_wait3A_123 : memref<10240xf32, #tpu.memory_space<vmem_shared>>)
      %dma_wait3A_124 = arith.constant 0 : i32
      %dma_wait3A_125 = tpu.memref_slice %arg15[%dma_wait3A_124] : memref<10240xf32, #tpu.memory_space<vmem_shared>> -> memref<10240xf32, #tpu.memory_space<vmem_shared>>
      tpu.wait_indirect_dma semaphore(%arg20 : memref<!tpu.dma_semaphore, #tpu.memory_space<semaphore_mem>>) src(%arg13 : memref<80xf32, #tpu.memory_space<vmem>>) dst(%dma_wait3A_125 : memref<10240xf32, #tpu.memory_space<vmem_shared>>)
      %dma_wait3A_126 = arith.constant 0 : i32
      %dma_wait3A_127 = tpu.memref_slice %arg15[%dma_wait3A_126] : memref<10240xf32, #tpu.memory_space<vmem_shared>> -> memref<10240xf32, #tpu.memory_space<vmem_shared>>
      tpu.wait_indirect_dma semaphore(%arg20 : memref<!tpu.dma_semaphore, #tpu.memory_space<semaphore_mem>>) src(%arg13 : memref<80xf32, #tpu.memory_space<vmem>>) dst(%dma_wait3A_127 : memref<10240xf32, #tpu.memory_space<vmem_shared>>)
      %dma_wait3A_128 = arith.constant 0 : i32
      %dma_wait3A_129 = tpu.memref_slice %arg15[%dma_wait3A_128] : memref<10240xf32, #tpu.memory_space<vmem_shared>> -> memref<10240xf32, #tpu.memory_space<vmem_shared>>
      tpu.wait_indirect_dma semaphore(%arg20 : memref<!tpu.dma_semaphore, #tpu.memory_space<semaphore_mem>>) src(%arg13 : memref<80xf32, #tpu.memory_space<vmem>>) dst(%dma_wait3A_129 : memref<10240xf32, #tpu.memory_space<vmem_shared>>)
      %dma_wait3A_130 = arith.constant 0 : i32
      %dma_wait3A_131 = tpu.memref_slice %arg15[%dma_wait3A_130] : memref<10240xf32, #tpu.memory_space<vmem_shared>> -> memref<10240xf32, #tpu.memory_space<vmem_shared>>
      tpu.wait_indirect_dma semaphore(%arg20 : memref<!tpu.dma_semaphore, #tpu.memory_space<semaphore_mem>>) src(%arg13 : memref<80xf32, #tpu.memory_space<vmem>>) dst(%dma_wait3A_131 : memref<10240xf32, #tpu.memory_space<vmem_shared>>)
      %scan3A_132 = arith.constant 0 : i32
      scf.yield %scan3A_132 : i32
    }
    %scan3A_22 = arith.constant 31 : i32
    %mul3A_23 = arith.constant 10000 : i32
    %mul3A_24 = arith.muli %add3A, %mul3A_23 : i32
    %add3A_25 = arith.constant 9920 : i32
    %add3A_26 = arith.addi %mul3A_24, %add3A_25 : i32
    "tpu.region"() ({
      %run_scoped3A = tpu.sem_alloc : memref<!tpu.dma_semaphore, #tpu.memory_space<semaphore_mem>>
      %dma_start3A = tpu.memref_slice %arg2[%add3A_26] : memref<320000xi32, #tpu.memory_space<hbm>> -> memref<80xi32, #tpu.memory_space<hbm>>
      %dma_start3A_32 = tpu.memref_slice %arg2[%add3A_26] : memref<320000xi32, #tpu.memory_space<hbm>> -> memref<80xi32, #tpu.memory_space<hbm>>
      tpu.enqueue_dma source(%dma_start3A_32 : memref<80xi32, #tpu.memory_space<hbm>>) target(%arg5 : memref<80xi32, #tpu.memory_space<vmem>>) target_semaphore(%run_scoped3A : memref<!tpu.dma_semaphore, #tpu.memory_space<semaphore_mem>>)
      %dma_wait3A = tpu.memref_slice %arg2[%add3A_26] : memref<320000xi32, #tpu.memory_space<hbm>> -> memref<80xi32, #tpu.memory_space<hbm>>
      %dma_wait3A_33 = tpu.memref_slice %arg2[%add3A_26] : memref<320000xi32, #tpu.memory_space<hbm>> -> memref<80xi32, #tpu.memory_space<hbm>>
      tpu.wait_dma2 semaphore(%run_scoped3A : memref<!tpu.dma_semaphore, #tpu.memory_space<semaphore_mem>>) src(%dma_wait3A_33 : memref<80xi32, #tpu.memory_space<hbm>>) dst(%arg5 : memref<80xi32, #tpu.memory_space<vmem>>)
      tpu.yield
    }) : () -> ()
    "tpu.region"() ({
      %run_scoped3A = tpu.sem_alloc : memref<!tpu.dma_semaphore, #tpu.memory_space<semaphore_mem>>
      %dma_start3A = tpu.memref_slice %arg3[%add3A_26] : memref<320000xi32, #tpu.memory_space<hbm>> -> memref<80xi32, #tpu.memory_space<hbm>>
      %dma_start3A_32 = tpu.memref_slice %arg3[%add3A_26] : memref<320000xi32, #tpu.memory_space<hbm>> -> memref<80xi32, #tpu.memory_space<hbm>>
      tpu.enqueue_dma source(%dma_start3A_32 : memref<80xi32, #tpu.memory_space<hbm>>) target(%arg9 : memref<80xi32, #tpu.memory_space<vmem>>) target_semaphore(%run_scoped3A : memref<!tpu.dma_semaphore, #tpu.memory_space<semaphore_mem>>)
      %dma_wait3A = tpu.memref_slice %arg3[%add3A_26] : memref<320000xi32, #tpu.memory_space<hbm>> -> memref<80xi32, #tpu.memory_space<hbm>>
      %dma_wait3A_33 = tpu.memref_slice %arg3[%add3A_26] : memref<320000xi32, #tpu.memory_space<hbm>> -> memref<80xi32, #tpu.memory_space<hbm>>
      tpu.wait_dma2 semaphore(%run_scoped3A : memref<!tpu.dma_semaphore, #tpu.memory_space<semaphore_mem>>) src(%dma_wait3A_33 : memref<80xi32, #tpu.memory_space<hbm>>) dst(%arg9 : memref<80xi32, #tpu.memory_space<vmem>>)
      tpu.yield
    }) : () -> ()
    "tpu.region"() ({
      %run_scoped3A = tpu.sem_alloc : memref<!tpu.dma_semaphore, #tpu.memory_space<semaphore_mem>>
      %dma_start3A = arith.constant 0 : i32
      %dma_start3A_32 = tpu.memref_slice %arg15[%dma_start3A] : memref<10240xf32, #tpu.memory_space<vmem_shared>> -> memref<10240xf32, #tpu.memory_space<vmem_shared>>
      tpu.enqueue_indirect_dma source(%arg13 : memref<80xf32, #tpu.memory_space<vmem>>) target(%dma_start3A_32 : memref<10240xf32, #tpu.memory_space<vmem_shared>>) offsets(%arg5 : memref<80xi32, #tpu.memory_space<vmem>>) semaphore(%run_scoped3A : memref<!tpu.dma_semaphore, #tpu.memory_space<semaphore_mem>>) {add = true}
      %dma_wait3A = arith.constant 0 : i32
      %dma_wait3A_33 = tpu.memref_slice %arg15[%dma_wait3A] : memref<10240xf32, #tpu.memory_space<vmem_shared>> -> memref<10240xf32, #tpu.memory_space<vmem_shared>>
      tpu.wait_indirect_dma semaphore(%run_scoped3A : memref<!tpu.dma_semaphore, #tpu.memory_space<semaphore_mem>>) src(%arg13 : memref<80xf32, #tpu.memory_space<vmem>>) dst(%dma_wait3A_33 : memref<10240xf32, #tpu.memory_space<vmem_shared>>)
      tpu.yield
    }) : () -> ()
    "tpu.region"() ({
      %run_scoped3A = tpu.sem_alloc : memref<!tpu.dma_semaphore, #tpu.memory_space<semaphore_mem>>
      %dma_start3A = arith.constant 0 : i32
      %dma_start3A_32 = tpu.memref_slice %arg15[%dma_start3A] : memref<10240xf32, #tpu.memory_space<vmem_shared>> -> memref<10240xf32, #tpu.memory_space<vmem_shared>>
      tpu.enqueue_indirect_dma source(%arg13 : memref<80xf32, #tpu.memory_space<vmem>>) target(%dma_start3A_32 : memref<10240xf32, #tpu.memory_space<vmem_shared>>) offsets(%arg9 : memref<80xi32, #tpu.memory_space<vmem>>) semaphore(%run_scoped3A : memref<!tpu.dma_semaphore, #tpu.memory_space<semaphore_mem>>) {add = true}
      %dma_wait3A = arith.constant 0 : i32
      %dma_wait3A_33 = tpu.memref_slice %arg15[%dma_wait3A] : memref<10240xf32, #tpu.memory_space<vmem_shared>> -> memref<10240xf32, #tpu.memory_space<vmem_shared>>
      tpu.wait_indirect_dma semaphore(%run_scoped3A : memref<!tpu.dma_semaphore, #tpu.memory_space<semaphore_mem>>) src(%arg13 : memref<80xf32, #tpu.memory_space<vmem>>) dst(%dma_wait3A_33 : memref<10240xf32, #tpu.memory_space<vmem_shared>>)
      tpu.yield
    }) : () -> ()
    %barrier3A_27 = arith.constant 0 : index
    tpu.barrier barrier_id(%barrier3A_27)
    %mul3A_28 = arith.constant 640 : i32
    %mul3A_29 = arith.muli %arg1, %mul3A_28 : i32
    %mul3A_30 = arith.constant 640 : i32
    %mul3A_31 = arith.muli %arg1, %mul3A_30 : i32
    "tpu.region"() ({
      %run_scoped3A = tpu.sem_alloc : memref<!tpu.dma_semaphore, #tpu.memory_space<semaphore_mem>>
      %dma_start3A = tpu.memref_slice %arg4[%arg0, %mul3A_31] : memref<2x10240xf32, #tpu.memory_space<hbm>> -> memref<1x640xf32, #tpu.memory_space<hbm>>
      %dma_start3A_32 = tpu.memref_squeeze %dma_start3A : memref<1x640xf32, #tpu.memory_space<hbm>> -> memref<640xf32, #tpu.memory_space<hbm>>
      %dma_start3A_33 = tpu.memref_slice %arg15[%mul3A_29] : memref<10240xf32, #tpu.memory_space<vmem_shared>> -> memref<640xf32, #tpu.memory_space<vmem_shared>>
      tpu.enqueue_dma source(%dma_start3A_33 : memref<640xf32, #tpu.memory_space<vmem_shared>>) target(%dma_start3A_32 : memref<640xf32, #tpu.memory_space<hbm>>) target_semaphore(%run_scoped3A : memref<!tpu.dma_semaphore, #tpu.memory_space<semaphore_mem>>)
      %dma_wait3A = tpu.memref_slice %arg4[%arg0, %mul3A_31] : memref<2x10240xf32, #tpu.memory_space<hbm>> -> memref<1x640xf32, #tpu.memory_space<hbm>>
      %dma_wait3A_34 = tpu.memref_squeeze %dma_wait3A : memref<1x640xf32, #tpu.memory_space<hbm>> -> memref<640xf32, #tpu.memory_space<hbm>>
      %dma_wait3A_35 = tpu.memref_slice %arg15[%mul3A_29] : memref<10240xf32, #tpu.memory_space<vmem_shared>> -> memref<640xf32, #tpu.memory_space<vmem_shared>>
      tpu.wait_dma2 semaphore(%run_scoped3A : memref<!tpu.dma_semaphore, #tpu.memory_space<semaphore_mem>>) src(%dma_wait3A_35 : memref<640xf32, #tpu.memory_space<vmem_shared>>) dst(%dma_wait3A_34 : memref<640xf32, #tpu.memory_space<hbm>>)
      tpu.yield
    }) : () -> ()
    return
  }
}

module attributes {stable_mosaic.version = 14 : i64} {
  func.func @_mm_body(%arg0: i32, %arg1: memref<2000x128xf32, #tpu.memory_space<vmem>>, %arg2: memref<128x128xf32, #tpu.memory_space<vmem>>, %arg3: memref<1x128xf32, #tpu.memory_space<vmem>>, %arg4: memref<2000x128xf32, #tpu.memory_space<vmem>>) attributes {dimension_semantics = [#tpu.dimension_semantics<arbitrary>], iteration_bounds = array<i64: 5>, scalar_prefetch = 0 : i64, scratch_operands = 0 : i64, tpu.core_type = #tpu.core_type<tc>, window_params = [{transform_indices = @transform_0, window_bounds = array<i64: 2000, 128>}, {pipeline_mode = #tpu.pipeline_mode<synchronous>, transform_indices = @transform_1, window_bounds = array<i64: 128, 128>}, {pipeline_mode = #tpu.pipeline_mode<synchronous>, transform_indices = @transform_2, window_bounds = array<i64: 1, 128>}, {transform_indices = @transform_3, window_bounds = array<i64: 2000, 128>}]} {
    %get3A = arith.constant 0 : index
    %get3A_0 = arith.constant 0 : index
    %get3A_1 = vector.load %arg1[%get3A, %get3A_0] : memref<2000x128xf32, #tpu.memory_space<vmem>>, vector<2000x128xf32>
    %get3A_2 = arith.constant 0 : index
    %get3A_3 = arith.constant 0 : index
    %get3A_4 = vector.load %arg2[%get3A_2, %get3A_3] : memref<128x128xf32, #tpu.memory_space<vmem>>, vector<128x128xf32>
    %dot_general3A = arith.constant dense<0.000000e+00> : vector<2000x128xf32>
    %dot_general3A_5 = tpu.matmul %get3A_1, %get3A_4, %dot_general3A {dimension_numbers = #tpu.dot_dimension_numbers<[1], [0], [0], [1], [0, 0, 1, 1], [], []>, transpose_lhs_hint = false} : vector<2000x128xf32>, vector<128x128xf32>, vector<2000x128xf32> -> vector<2000x128xf32>
    %get3A_6 = arith.constant 0 : index
    %get3A_7 = arith.constant 0 : index
    %get3A_8 = vector.load %arg3[%get3A_6, %get3A_7] : memref<1x128xf32, #tpu.memory_space<vmem>>, vector<1x128xf32>
    %add3A = vector.broadcast %get3A_8 : vector<1x128xf32> to vector<2000x128xf32>
    %add3A_9 = arith.addf %dot_general3A_5, %add3A : vector<2000x128xf32>
    %swap3A = arith.constant 0 : index
    %swap3A_10 = arith.constant 0 : index
    %swap3A_11 = vector.load %arg4[%swap3A, %swap3A_10] : memref<2000x128xf32, #tpu.memory_space<vmem>>, vector<2000x128xf32>
    tpu.vector_store %arg4[%swap3A, %swap3A_10], %add3A_9 {strides = array<i32>} : memref<2000x128xf32, #tpu.memory_space<vmem>>, vector<2000x128xf32>,
    return
  }
  func.func @transform_0(%arg0: i32) -> (i32, i32) {
    %c0_i32 = arith.constant 0 : i32
    %c0_i32_0 = arith.constant 0 : i32
    return %arg0, %c0_i32 : i32, i32
  }
  func.func @transform_1(%arg0: i32) -> (i32, i32) {
    %c0_i32 = arith.constant 0 : i32
    %c0_i32_0 = arith.constant 0 : i32
    %c0_i32_1 = arith.constant 0 : i32
    return %c0_i32, %c0_i32_0 : i32, i32
  }
  func.func @transform_2(%arg0: i32) -> (i32, i32) {
    %c0_i32 = arith.constant 0 : i32
    %c0_i32_0 = arith.constant 0 : i32
    %c0_i32_1 = arith.constant 0 : i32
    return %c0_i32, %c0_i32_0 : i32, i32
  }
  func.func @transform_3(%arg0: i32) -> (i32, i32) {
    %c0_i32 = arith.constant 0 : i32
    %c0_i32_0 = arith.constant 0 : i32
    return %arg0, %c0_i32 : i32, i32
  }
}

module attributes {stable_mosaic.version = 14 : i64} {
  func.func @_scale_body(%arg0: i32, %arg1: memref<2000x128xf32, #tpu.memory_space<vmem>>, %arg2: memref<2x2000x1xf32, #tpu.memory_space<vmem>>, %arg3: memref<2x2000x64xf32, #tpu.memory_space<vmem>>, %arg4: memref<2000x1xf32, #tpu.memory_space<vmem>>) attributes {dimension_semantics = [#tpu.dimension_semantics<arbitrary>], iteration_bounds = array<i64: 5>, scalar_prefetch = 0 : i64, scratch_operands = 0 : i64, tpu.core_type = #tpu.core_type<tc>, window_params = [{transform_indices = @transform_0, window_bounds = array<i64: 2000, 128>}, {transform_indices = @transform_1, window_bounds = array<i64: 2, 2000, 1>}, {transform_indices = @transform_2, window_bounds = array<i64: 2, 2000, 64>}, {transform_indices = @transform_3, window_bounds = array<i64: 2000, 1>}]} {
    %get3A = arith.constant 0 : index
    %get3A_0 = arith.constant 0 : index
    %get3A_1 = arith.constant 0 : index
    %get3A_2 = vector.load %arg2[%get3A, %get3A_0, %get3A_1] : memref<2x2000x1xf32, #tpu.memory_space<vmem>>, vector<1x2000x1xf32>
    %get3A_3 = vector.shape_cast %get3A_2 : vector<1x2000x1xf32> to vector<2000x1xf32>
    %get3A_4 = arith.constant 1 : index
    %get3A_5 = arith.constant 0 : index
    %get3A_6 = arith.constant 0 : index
    %get3A_7 = vector.load %arg2[%get3A_4, %get3A_5, %get3A_6] : memref<2x2000x1xf32, #tpu.memory_space<vmem>>, vector<1x2000x1xf32>
    %get3A_8 = vector.shape_cast %get3A_7 : vector<1x2000x1xf32> to vector<2000x1xf32>
    %add3A = arith.addf %get3A_3, %get3A_8 : vector<2000x1xf32>
    %add3A_9 = arith.constant 1.000000e+00 : f32
    %add3A_10 = vector.broadcast %add3A_9 : f32 to vector<2000x1xf32>
    %add3A_11 = arith.addf %add3A, %add3A_10 : vector<2000x1xf32>
    %rsqrt3A = math.rsqrt %add3A_11 : vector<2000x1xf32>
    %swap3A = arith.constant 0 : index
    %swap3A_12 = arith.constant 0 : index
    %swap3A_13 = vector.load %arg4[%swap3A, %swap3A_12] : memref<2000x1xf32, #tpu.memory_space<vmem>>, vector<2000x1xf32>
    tpu.vector_store %arg4[%swap3A, %swap3A_12], %rsqrt3A {strides = array<i32>} : memref<2000x1xf32, #tpu.memory_space<vmem>>, vector<2000x1xf32>,
    %get3A_14 = arith.constant 0 : index
    %get3A_15 = arith.constant 0 : index
    %get3A_16 = vector.load %arg1[%get3A_14, %get3A_15] : memref<2000x128xf32, #tpu.memory_space<vmem>>, vector<2000x128xf32>
    %mul3A = vector.broadcast %rsqrt3A : vector<2000x1xf32> to vector<2000x128xf32>
    %mul3A_17 = arith.mulf %get3A_16, %mul3A : vector<2000x128xf32>
    %slice3A = vector.extract_strided_slice %mul3A_17 {offsets = [0, 0], sizes = [2000, 64], strides = [1, 1]} : vector<2000x128xf32> to vector<2000x64xf32>
    %swap3A_18 = arith.constant 0 : index
    %swap3A_19 = arith.constant 0 : index
    %swap3A_20 = arith.constant 0 : index
    %swap3A_21 = vector.load %arg3[%swap3A_18, %swap3A_19, %swap3A_20] : memref<2x2000x64xf32, #tpu.memory_space<vmem>>, vector<1x2000x64xf32>
    %swap3A_22 = vector.shape_cast %swap3A_21 : vector<1x2000x64xf32> to vector<2000x64xf32>
    %swap3A_23 = vector.shape_cast %slice3A : vector<2000x64xf32> to vector<1x2000x64xf32>
    tpu.vector_store %arg3[%swap3A_18, %swap3A_19, %swap3A_20], %swap3A_23 {strides = array<i32>} : memref<2x2000x64xf32, #tpu.memory_space<vmem>>, vector<1x2000x64xf32>,
    %slice3A_24 = vector.extract_strided_slice %mul3A_17 {offsets = [0, 64], sizes = [2000, 64], strides = [1, 1]} : vector<2000x128xf32> to vector<2000x64xf32>
    %swap3A_25 = arith.constant 1 : index
    %swap3A_26 = arith.constant 0 : index
    %swap3A_27 = arith.constant 0 : index
    %swap3A_28 = vector.load %arg3[%swap3A_25, %swap3A_26, %swap3A_27] : memref<2x2000x64xf32, #tpu.memory_space<vmem>>, vector<1x2000x64xf32>
    %swap3A_29 = vector.shape_cast %swap3A_28 : vector<1x2000x64xf32> to vector<2000x64xf32>
    %swap3A_30 = vector.shape_cast %slice3A_24 : vector<2000x64xf32> to vector<1x2000x64xf32>
    tpu.vector_store %arg3[%swap3A_25, %swap3A_26, %swap3A_27], %swap3A_30 {strides = array<i32>} : memref<2x2000x64xf32, #tpu.memory_space<vmem>>, vector<1x2000x64xf32>,
    return
  }
  func.func @transform_0(%arg0: i32) -> (i32, i32) {
    %c0_i32 = arith.constant 0 : i32
    %c0_i32_0 = arith.constant 0 : i32
    return %arg0, %c0_i32 : i32, i32
  }
  func.func @transform_1(%arg0: i32) -> (i32, i32, i32) {
    %c0_i32 = arith.constant 0 : i32
    %c0_i32_0 = arith.constant 0 : i32
    %c0_i32_1 = arith.constant 0 : i32
    return %c0_i32, %arg0, %c0_i32_0 : i32, i32, i32
  }
  func.func @transform_2(%arg0: i32) -> (i32, i32, i32) {
    %c0_i32 = arith.constant 0 : i32
    %c0_i32_0 = arith.constant 0 : i32
    %c0_i32_1 = arith.constant 0 : i32
    return %c0_i32, %arg0, %c0_i32_0 : i32, i32, i32
  }
  func.func @transform_3(%arg0: i32) -> (i32, i32) {
    %c0_i32 = arith.constant 0 : i32
    %c0_i32_0 = arith.constant 0 : i32
    return %arg0, %c0_i32 : i32, i32
  }
}

module attributes {stable_mosaic.version = 14 : i64} {
  func.func @_final_body(%arg0: i32, %arg1: memref<2000x128xf32, #tpu.memory_space<vmem>>, %arg2: memref<2x2000x64xf32, #tpu.memory_space<vmem>>, %arg3: memref<2000x1xf32, #tpu.memory_space<vmem>>, %arg4: memref<2000x128xf32, #tpu.memory_space<vmem>>) attributes {dimension_semantics = [#tpu.dimension_semantics<arbitrary>], iteration_bounds = array<i64: 5>, scalar_prefetch = 0 : i64, scratch_operands = 0 : i64, tpu.core_type = #tpu.core_type<tc>, window_params = [{transform_indices = @transform_0, window_bounds = array<i64: 2000, 128>}, {transform_indices = @transform_1, window_bounds = array<i64: 2, 2000, 64>}, {transform_indices = @transform_2, window_bounds = array<i64: 2000, 1>}, {transform_indices = @transform_3, window_bounds = array<i64: 2000, 128>}]} {
    %get3A = arith.constant 0 : index
    %get3A_0 = arith.constant 0 : index
    %get3A_1 = arith.constant 0 : index
    %get3A_2 = vector.load %arg2[%get3A, %get3A_0, %get3A_1] : memref<2x2000x64xf32, #tpu.memory_space<vmem>>, vector<1x2000x64xf32>
    %get3A_3 = vector.shape_cast %get3A_2 : vector<1x2000x64xf32> to vector<2000x64xf32>
    %get3A_4 = arith.constant 1 : index
    %get3A_5 = arith.constant 0 : index
    %get3A_6 = arith.constant 0 : index
    %get3A_7 = vector.load %arg2[%get3A_4, %get3A_5, %get3A_6] : memref<2x2000x64xf32, #tpu.memory_space<vmem>>, vector<1x2000x64xf32>
    %get3A_8 = vector.shape_cast %get3A_7 : vector<1x2000x64xf32> to vector<2000x64xf32>
    %concatenate3A = tpu.concatenate %get3A_3, %get3A_8 in 1 : vector<2000x64xf32>, vector<2000x64xf32> -> vector<2000x128xf32>
    %get3A_9 = arith.constant 0 : index
    %get3A_10 = arith.constant 0 : index
    %get3A_11 = vector.load %arg1[%get3A_9, %get3A_10] : memref<2000x128xf32, #tpu.memory_space<vmem>>, vector<2000x128xf32>
    %add3A = arith.addf %get3A_11, %concatenate3A : vector<2000x128xf32>
    %get3A_12 = arith.constant 0 : index
    %get3A_13 = arith.constant 0 : index
    %get3A_14 = vector.load %arg3[%get3A_12, %get3A_13] : memref<2000x1xf32, #tpu.memory_space<vmem>>, vector<2000x1xf32>
    %mul3A = vector.broadcast %get3A_14 : vector<2000x1xf32> to vector<2000x128xf32>
    %mul3A_15 = arith.mulf %add3A, %mul3A : vector<2000x128xf32>
    %max3A = arith.constant 0.000000e+00 : f32
    %max3A_16 = vector.broadcast %max3A : f32 to vector<2000x128xf32>
    %max3A_17 = arith.maximumf %mul3A_15, %max3A_16 : vector<2000x128xf32>
    %swap3A = arith.constant 0 : index
    %swap3A_18 = arith.constant 0 : index
    %swap3A_19 = vector.load %arg4[%swap3A, %swap3A_18] : memref<2000x128xf32, #tpu.memory_space<vmem>>, vector<2000x128xf32>
    tpu.vector_store %arg4[%swap3A, %swap3A_18], %max3A_17 {strides = array<i32>} : memref<2000x128xf32, #tpu.memory_space<vmem>>, vector<2000x128xf32>,
    return
  }
  func.func @transform_0(%arg0: i32) -> (i32, i32) {
    %c0_i32 = arith.constant 0 : i32
    %c0_i32_0 = arith.constant 0 : i32
    return %arg0, %c0_i32 : i32, i32
  }
  func.func @transform_1(%arg0: i32) -> (i32, i32, i32) {
    %c0_i32 = arith.constant 0 : i32
    %c0_i32_0 = arith.constant 0 : i32
    %c0_i32_1 = arith.constant 0 : i32
    return %c0_i32, %arg0, %c0_i32_0 : i32, i32, i32
  }
  func.func @transform_2(%arg0: i32) -> (i32, i32) {
    %c0_i32 = arith.constant 0 : i32
    %c0_i32_0 = arith.constant 0 : i32
    return %arg0, %c0_i32 : i32, i32
  }
  func.func @transform_3(%arg0: i32) -> (i32, i32) {
    %c0_i32 = arith.constant 0 : i32
    %c0_i32_0 = arith.constant 0 : i32
    return %arg0, %c0_i32 : i32, i32
  }
}

</mosaic_0001>

<sc_bundles>
// kernel: kernel.10.cloned.1.call-start
scs
__scs_entry_jumppad:
0x0: {  	(pc) =	sbr.rel $0x88, $3  }
0x1: {  	(tag) =	ssettag $0x0;
	lr =	simm.s32 $0x1  }
0x2: {  	[smem:$0x3F9D] =	sst lr;
	_ =	strace $0xD0000000  }
0x3: {  	_ = 	snop  }
0x4: {  	_ = 	snop  }
0x5: {  	_ = 	snop  }
0x6: {  	_ = 	snop  }
0x7: {  	_ = 	snop  }
__scs_overlays_trampoline_lowered:
0x8: {  	[smem:$0x3FAC] =	sst s0  }
0x9: {  	[smem:$0x3FAD] =	sst s1  }
0xa: {  	[smem:$0x3FAE] =	sst s2  }
0xb: {  	[smem:$0x3FAF] =	sst s3  }
0xc: {  	[smem:$0x3FB0] =	sst s4  }
0xd: {  	[smem:$0x3FB1] =	sst s5  }
0xe: {  	[smem:$0x3FB2] =	sst s6  }
0xf: {  	[smem:$0x3FB3] =	sst s7  }
0x10: {  	[smem:$0x3FB4] =	sst s8  }
0x11: {  	[smem:$0x3FB5] =	sst s9;
	s0 =	simm.s32 @!p0 $0x0  }
0x12: {  	s1 =	sld [smem:$0x3F9B];
	s0 =	simm.s32 @p0 $0x1  }
0x13: {  	[smem:$0x3FB6] =	sst s0;
	s0 =	simm.s32 @!p1 $0x0  }
0x14: {  	s2 =	sld [smem:$0x3F9A];
	s0 =	simm.s32 @p1 $0x1  }
0x15: {  	[smem:$0x3FB7] =	sst s0;
	s0 =	simm.s32 @!p2 $0x0  }
0x16: {  	s3 =	sld [smem:$0x3FDB];
	s0 =	simm.s32 @p2 $0x1  }
0x17: {  	s4 =	simm.s32 $0x1BF5;
	[smem:$0x3FB9] =	sst s0  }
0x18: {  	s0 =	sld [smem:$0x3F9C];
	_ =	swait.ge [sflag:s4], $0x0  }
0x19: {  	s7 =	sld [smem:$0x3F9D]  }
0x1a: {  	s8 =	sadd.s32 $0xFFFFE003, lr  }
0x1b: {  	s9 =	sadd.s32 $0xFFFFFEF7, lr;
	s5 =	simm.s32 $0xFFFFFFFF;
	p2 =	slt.u32 s8, $0xFFFFF086  }
0x1c: {  	p1 =	slt.u32 s9, $0xF7A;
	s5 =	simm.s32 @!p2 $0x0  }
0x1d: {  	s5 =	simm.s32 @p1 $0x1;
	p0 =	seq.s32 s7, s2  }
0x1e: {  	s7 =	smul.u32 @!p0 $0xF7A, s2;
	p2 =	seq.s32 @!p0 s5, $0x0  }
0x1f: {  	s9 =	smul.u32 $0xF7A, s1;
	s8 =	simm.s32 @!p0 $0x1BF5;
	p2 =	por !p2, p0  }
0x20: {  	[sflag:s8] =	ssyncset.s32 @!p0 $0xFFFFF086;
	s6 =	sadd.s32 @!p0 s3, s7;
	s7 =	simm.s32 @!p0 $0x108  }
0x21: {  	s3 =	sadd.s32 s3, s9;
	s6 =	sadd.s32 @!p0 $0x88, s6;
	s7 =	simm.s32 @p2 $0x1082  }
0x22: {  	[simem:s7], [sflag:s8] =	dma.local @!p0 [hbm:s6], $0xF7A  }
0x23: {  	s9 =	sor.u32 $0xD0000000, s2;
	s6 =	simm.s32 $0x108;
	_ =	swait.ge @!p0 [sflag:s8], $0x0  }
0x24: {  	s3 =	sadd.s32 $0x88, s3;
	s6 =	simm.s32 @!p1 $0x1082;
	[sflag:s4] =	ssyncset.s32 $0xFFFFF086  }
0x25: {  	[simem:s6], [sflag:s4] =	dma.local [hbm:s3], $0xF7A  }
0x26: {  	[smem:$0x3F9D] =	sst s1;
	(tag) =	ssettag s2;
	_ =	strace s9  }
0x27: {  	s1 =	sld [smem:$0x3FAD]  }
0x28: {  	s2 =	sld [smem:$0x3FAE]  }
0x29: {  	s4 =	sld [smem:$0x3FB0]  }
0x2a: {  	p0 =	seq.s32 s5, $0x0;
	s5 =	sld [smem:$0x3FB1]  }
0x2b: {  	s6 =	sld [smem:$0x3FB2]  }
0x2c: {  	s7 =	sld [smem:$0x3FB3]  }
0x2d: {  	s3 =	simm.s32 $0x108;
	s8 =	sld [smem:$0x3FB4]  }
0x2e: {  	s3 =	simm.s32 @!p0 $0x1082;
	s9 =	sld [smem:$0x3FB5]  }
0x2f: {  	lr =	sadd.s32 s0, s3;
	s0 =	sld [smem:$0x3FAC]  }
0x30: {  	s3 =	sld [smem:$0x3FAF]  }
0x31: {  	[smem:$0x3FB8] =	sst s10  }
0x32: {  	s10 =	sld [smem:$0x3FB6];
	_ =	sdelay $0x3  }
0x33: {  	p0 =	seq.s32 s10, $0x1;
	s10 =	sld [smem:$0x3FB8];
	_ =	sdelay $0x3  }
0x34: {  	[smem:$0x3FB8] =	sst s10  }
0x35: {  	s10 =	sld [smem:$0x3FB7];
	_ =	sdelay $0x3  }
0x36: {  	p1 =	seq.s32 s10, $0x1;
	s10 =	sld [smem:$0x3FB8];
	_ =	sdelay $0x3  }
0x37: {  	[smem:$0x3FB8] =	sst s10  }
0x38: {  	s10 =	sld [smem:$0x3FB9]  }
0x39: {  	_ = 	snop;
	(pc) =	sbr.ind lr, $3  }
0x3a: {  	_ = 	snop  }
0x3b: {  	_ = 	snop  }
0x3c: {  	p2 =	seq.s32 s10, $0x1;
	s10 =	sld [smem:$0x3FB8]  }
0x3d: {  	_ =	shalt  }
0x3e: {  	_ =	shalt  }
0x3f: {  	_ =	shalt  }
0x40: {  	_ =	shalt  }
0x41: {  	_ =	shalt  }
0x42: {  	_ =	shalt  }
0x43: {  	_ =	shalt  }
0x44: {  	_ =	shalt  }
0x45: {  	_ =	shalt  }
0x46: {  	_ =	shalt  }
0x47: {  	_ =	shalt  }
0x48: {  	_ =	shalt  }
0x49: {  	_ =	shalt  }
0x4a: {  	_ =	shalt  }
0x4b: {  	_ =	shalt  }
0x4c: {  	_ =	shalt  }
0x4d: {  	_ =	shalt  }
0x4e: {  	_ =	shalt  }
0x4f: {  	_ =	shalt  }
0x50: {  	_ =	shalt  }
0x51: {  	_ =	shalt  }
0x52: {  	_ =	shalt  }
0x53: {  	_ =	shalt  }
0x54: {  	_ =	shalt  }
0x55: {  	_ =	shalt  }
0x56: {  	_ =	shalt  }
0x57: {  	_ =	shalt  }
0x58: {  	_ =	shalt  }
0x59: {  	_ =	shalt  }
0x5a: {  	_ =	shalt  }
0x5b: {  	_ =	shalt  }
0x5c: {  	_ =	shalt  }
0x5d: {  	_ =	shalt  }
0x5e: {  	_ =	shalt  }
0x5f: {  	_ =	shalt  }
0x60: {  	_ =	shalt  }
0x61: {  	_ =	shalt  }
0x62: {  	_ =	shalt  }
0x63: {  	_ =	shalt  }
0x64: {  	_ =	shalt  }
0x65: {  	_ =	shalt  }
0x66: {  	_ =	shalt  }
0x67: {  	_ =	shalt  }
0x68: {  	_ =	shalt  }
0x69: {  	_ =	shalt  }
0x6a: {  	_ =	shalt  }
0x6b: {  	_ =	shalt  }
0x6c: {  	_ =	shalt  }
0x6d: {  	_ =	shalt  }
0x6e: {  	_ =	shalt  }
0x6f: {  	_ =	shalt  }
0x70: {  	_ =	shalt  }
0x71: {  	_ =	shalt  }
0x72: {  	_ =	shalt  }
0x73: {  	_ =	shalt  }
0x74: {  	_ =	shalt  }
0x75: {  	_ =	shalt  }
0x76: {  	_ =	shalt  }
0x77: {  	_ =	shalt  }
0x78: {  	_ =	shalt  }
0x79: {  	_ =	shalt  }
0x7a: {  	_ =	shalt  }
0x7b: {  	_ =	shalt  }
0x7c: {  	_ =	shalt  }
0x7d: {  	_ =	shalt  }
0x7e: {  	_ =	shalt  }
0x7f: {  	_ =	shalt  }
0x80: {  	_ =	shalt  }
0x81: {  	_ =	shalt  }
0x82: {  	_ =	shalt  }
0x83: {  	_ =	shalt  }
0x84: {  	_ =	shalt  }
0x85: {  	_ =	shalt  }
0x86: {  	_ =	shalt  }
0x87: {  	_ =	shalt  }
.Lfunc_end0:
.L_simem_size_0:
called_computation.1_lowered:
.L_overlay_start_0:
0x88: {  	s2 =	sld [smem:$0x3FD9]  }
0x89: {  	s3 =	sld [smem:$0x3FFE];
	_ =	sdelay $0x1  }
0x8a: {  	s1 =	srdreg.scid  }
0x8b: {  	s0 =	sand.u32 $0x1, s1  }
0x8c: {  	s17 =	sshll.u32 s0, $0xA;
	s2 =	sadd.s32 s3, s2  }
0x8d: {  	s2 =	sadd.s32 s2, s17  }
0x8e: {  	[smem:$0x3FC4] =	sst s2  }
0x8f: {  	_ = 	snop  }
0x90: {  	s2 =	sld [smem:$0x3FD0];
	(tm) =	ssettm $0x1  }
0x91: {  	s18 =	sld [smem:$0x3FFB];
	_ =	sdelay $0x3  }
0x92: {  	_ =	strace s18  }
0x93: {  	s3 =	sld [smem:$0x3FFC];
	_ =	sdelay $0x3  }
0x94: {  	_ =	strace s3  }
0x95: {  	s3 =	sld [smem:$0x3FFD];
	_ =	sdelay $0x3  }
0x96: {  	_ =	strace s3  }
0x97: {  	_ =	strace $0x8FFFFFFF  }
0x98: {  	s19 =	sld [smem:$0x3FDB];
	_ =	sdelay $0x1  }
0x99: {  	s4 =	simm.s32 $_scs_section_size  }
0x9a: {  	s5 =	simm.s32 $_size__tile_overlayer_lowered;
	s6 =	simm.s32 $_tile_overlayer_lowered  }
0x9b: {  	s22 =	simm.s32 $0x1BFF;
	s21 =	sshll.u32 s6, $0x1;
	s3 =	sadd.s32 s4, s19  }
0x9c: {  	s7 =	simm.s32 $0x0;
	s20 =	sshll.u32 s5, $0x1;
	s5 =	sadd.s32 s21, s3  }
0x9d: {  	[timem:s7], [sflag:s22] =	dma.local [hbm:s5], s20  }
0x9e: {  	_ =	swait.ge [sflag:s22], s20  }
0x9f: {  	s4 =	ssub.s32 $0x0, s20;
	[sflag:s22] =	ssyncset.done $0x0  }
0xa0: {  	[sflag:s22] =	ssyncadd.s32 s4;
	_ =	sdelay $0x1  }
0xa1: {  	s23 =	simm.s32 $0x1B8B  }
0xa2: {  	_ =	swait.ge [sflag:s23], $0x1  }
0xa3: {  	[sflag:s23] =	ssyncset.done $0x0  }
0xa4: {  	s25 =	simm.s32 $0x1B8E;
	s24 =	sld [smem:$0x3FFE];
	[sflag:s23] =	ssyncadd.s32 $0xFFFFFFFF  }
0xa5: {  	s26 =	simm.s32 $execute0_lowered;
	[smem:$0x3FD2] =	sst s25  }
0xa6: {  	s5 =	sshll.u32 s26, $0x1;
	_ =	strace $0x80000049;
	[dreg:$0x1] =	wrdreg $0xFFFFFFFF  }
0xa7: {  	s28 =	simm.s32 $_size_execute0_lowered;
	s3 =	sadd.s32 s3, s5;
	[dreg:$0x0] =	wrdreg $0x0  }
0xa8: {  	s5 =	sshll.u32 s28, $0x1;
	[dreg:$0x2] =	wrdreg s3  }
0xa9: {  	[dreg:$0x3] =	wrdreg s5  }
0xaa: {  	[dreg:$0x4] =	wrdreg $0xC0  }
0xab: {  	_ =	task [dreg:s7], $0x5FFFF  }
0xac: {  	[dreg:$0x1] =	wrdreg $0xFFFFFFFF  }
0xad: {  	[dreg:$0x0] =	wrdreg $0x60  }
0xae: {  	[dreg:$0x2] =	wrdreg s24  }
0xaf: {  	[dreg:$0x3] =	wrdreg s2  }
0xb0: {  	[dreg:$0x4] =	wrdreg $0x12C800  }
0xb1: {  	[dreg:$0x5] =	wrdreg $0x9  }
0xb2: {  	_ =	task.clear_ibuf [dreg:s7], $0x6FFFF;
	_ =	strace $0x90000049  }
0xb3: {  	s29 =	simm.s32 $0x9;
	_ =	strace $0x8000004B  }
0xb4: {  	_ =	swait.ge [sflag:s29], $0x1  }
0xb5: {  	[sflag:s29] =	ssyncadd.s32 $0xFFFFFFFF  }
0xb6: {  	_ =	strace $0x9000004B  }
0xb7: {  	_ =	sfence  }
0xb8: {  	s30 =	sld [smem:$0x0];
	_ =	sdelay $0x2  }
0xb9: {  	s31 =	sshll.u32 s1, $0xD;
	s1 =	sshrl.u32 s1, $0x2  }
0xba: {  	s3 =	sand.u32 $0x4000, s31;
	s1 =	sadd.s32 s1, s30  }
0xbb: {  	s0 =	sor.u32 s3, s0;
	s1 =	sshll.u32 s1, $0x11  }
0xbc: {  	s0 =	sor.u32 s1, s0  }
0xbd: {  	s0 =	sadd.s32 $0x8F2B, s0  }
0xbe: {  	[sflag:s0] =	ssyncadd.remote.s32 $0x1  }
0xbf: {  	_ =	sfence.sel $0xFFFF  }
0xc0: {  	[dreg:$0x0] =	wrdreg $0xFFFFFFFF;
	(pc) =	sbr.abs _section_cstart, $3  }
0xc1: {  	[dreg:$0x1] =	wrdreg $0xFFFFFFFF  }
0xc2: {  	_ =	task.clear_ibuf [dreg:s7], $0x2FFFF;
	_ =	strace $0x9FFFFFFF  }
0xc3: {  	(tm) =	ssettm $0x7FFFFFFF  }
tec
execute0_lowered:
.L_overlay_start_1:
0x0: {  	(tag) =	ssettag $0x1  }
0x1: {  	s0 =	rddreg [dreg:$0x0]  }
0x2: {  	s2 =	rddreg [dreg:$0x1]  }
0x3: {  	s3 =	rddreg [dreg:$0x2];
	s1 =	srdreg.scid;
	s4 =	simm.s32 $0x0  }
0x4: {  	s11 =	stileid.u32;
	s12 =	simm.s32 $0x200;
	[smem:$0x7FF] =	sst s4  }
0x5: {  	s14 =	simm.s32 $0x280;
	_ =	strace $0x8000004A;
	[dreg:$0x6] =	wrdreg s12  }
0x6: {  	s15 =	simm.s32 $0x100;
	s18 =	simm.s32 $0x300;
	[dreg:$0x7] =	wrdreg s14  }
0x7: {  	s19 =	simm.s32 $0x180;
	s20 =	simm.s32 $0x380;
	[dreg:$0x8] =	wrdreg s15  }
0x8: {  	s21 =	simm.s32 $0x400;
	s22 =	simm.s32 $0x600;
	[dreg:$0x9] =	wrdreg s18  }
0x9: {  	s28 =	simm.s32 $0xAC00;
	s5 =	smul.u32 $0x14000, s11;
	[dreg:$0xa] =	wrdreg s19  }
0xa: {  	s29 =	simm.s32 $0x3;
	s8 =	smul.u32 $0x9C4, s11;
	[dreg:$0xb] =	wrdreg s20  }
0xb: {  	s1 =	sand.u32 $0x1, s1;
	s26 =	smul.u32 $0x28000, s11;
	[dreg:$0xc] =	wrdreg s21  }
0xc: {  	s13 =	smul.u32 $0x4E20, s11;
	s11 =	simm.s32 $0x580;
	[dreg:$0xd] =	wrdreg s22  }
0xd: {  	s7 =	sadd.s32 $0xAE00, s0;
	[dreg:$0x12] =	wrdreg s11;
	s15 =	simm.s32 $0xA00  }
0xe: {  	s9 =	sadd.s32 $0x1000, s0;
	s18 =	simm.s32 $0x800;
	[dreg:$0x14] =	wrdreg s15  }
0xf: {  	s6 =	sshll.u32 s1, $0x6;
	s20 =	simm.s32 $0xA80;
	[dreg:$0x15] =	wrdreg s18  }
0x10: {  	s24 =	ssub.s32 $0x2, s1;
	s22 =	simm.s32 $0x880;
	[dreg:$0x16] =	wrdreg s20  }
0x11: {  	s5 =	sor.u32 s6, s5;
	s10 =	sadd.s32 s8, s9;
	[dreg:$0x17] =	wrdreg s22  }
0x12: {  	s6 =	sshrl.u32 s26, $0x2;
	s26 =	simm.s32 $0x680;
	[dreg:$0x4] =	wrdreg s10  }
0x13: {  	s17 =	sshrl.u32 s13, $0x3;
	s13 =	simm.s32 $0x780;
	[dreg:$0xf] =	wrdreg s26  }
0x14: {  	s25 =	sshrl.u32 s24, $0x1;
	s10 =	sadd.s32 s8, s7;
	[dreg:$0x13] =	wrdreg s13  }
0x15: {  	s5 =	sshrl.u32 s5, $0x3;
	s8 =	simm.s32 $0x700;
	[dreg:$0x5] =	wrdreg s10  }
0x16: {  	s26 =	simm.s32 $0x980;
	s0 =	sadd.s32 s5, s0;
	[dreg:$0x11] =	wrdreg s8  }
0x17: {  	s5 =	ssub.s32 s24, s25;
	s24 =	simm.s32 $0x480;
	[dreg:$0x1b] =	wrdreg s26  }
0x18: {  	s10 =	sadd.s32 s6, s3;
	s6 =	sadd.s32 $0x9C0, s17;
	[dreg:$0xe] =	wrdreg s24  }
0x19: {  	s30 =	simm.s32 $0x4C00;
	s7 =	sadd.s32 s7, s6;
	[dreg:$0x1c] =	wrdreg s10  }
0x1a: {  	s31 =	simm.s32 $0xCC00;
	s6 =	sadd.s32 s9, s6;
	[dreg:$0x1d] =	wrdreg s7  }
0x1b: {  	s16 =	smul.u32 $0x2710, s1;
	s0 =	sadd.s32 $0x14C00, s0;
	[dreg:$0x1e] =	wrdreg s6  }
0x1c: {  	s1 =	simm.s32 $0x6C00;
	s23 =	smax.u32 s5, $0x1;
	[dreg:$0x1f] =	wrdreg s0  }
0x1d: {  	s11 =	simm.s32 $0x7;
	s25 =	sadd.s32 $0x1000, s10;
	[smem:$0x7F4] =	sst s23  }
0x1e: {  	s20 =	simm.s32 $0xE;
	s5 =	sadd.s32 $0x2000, s10;
	[smem:$0x7F5] =	sst s25  }
0x1f: {  	s22 =	simm.s32 $0x1;
	s9 =	sadd.s32 $0x4000, s10;
	[smem:$0x7F6] =	sst s5  }
0x20: {  	s15 =	simm.s32 $0x0;
	s12 =	sadd.s32 $0x5000, s10;
	[smem:$0x7F8] =	sst s9  }
0x21: {  	s13 =	simm.s32 $0x8;
	s14 =	sadd.s32 $0x6000, s10;
	[smem:$0x7F9] =	sst s12  }
0x22: {  	s26 =	simm.s32 $0x2C00;
	s17 =	sadd.s32 $0x7000, s10;
	[smem:$0x7FA] =	sst s14  }
0x23: {  	s8 =	simm.s32 $0x9;
	s19 =	sadd.s32 $0x8000, s10;
	[smem:$0x7FB] =	sst s17  }
0x24: {  	s21 =	sadd.s32 $0x9000, s10;
	s24 =	simm.s32 $0x900;
	[smem:$0x7FC] =	sst s19  }
0x25: {  	s6 =	simm.s32 $0x500;
	s7 =	sadd.s32 $0x3000, s10;
	[smem:$0x7FD] =	sst s21  }
0x26: {  	s23 =	simm.s32 $0xB00;
	s21 =	simm.s32 $0x80;
	[dreg:$0x19] =	wrdreg s24  }
0x27: {  	s25 =	simm.s32 $0xB80;
	s24 =	simm.s32 $0x8C00;
	[smem:$0x7F7] =	sst s7  }
0x28: {  	s0 =	simm.s32 $0x4;
	s9 =	simm.s32 $0x6;
	[dreg:$0x10] =	wrdreg s6  }
0x29: {  	s10 =	simm.s32 $0xA;
	s12 =	simm.s32 $0xB;
	[dreg:$0x18] =	wrdreg s23  }
0x2a: {  	s14 =	simm.s32 $0xC;
	[dreg:$0x1a] =	wrdreg s25;
	s23 =	simm.s32 $0xC00  }
0x2b: {  	v1 =	vimm.f32 $0.0e+00;
	v0 =	vmov s16;
	s25 =	simm.s32 $0x2;
	s6 =	simm.s32 $0xEC00;
	s7 =	simm.s32 $0x5  }
.LBB2_1:
0x2c: {  	s5 =	sand.u32 $0x3F00, s4  }
0x2d: {  	[smem:$0x7F3] =	sst s15;
	s18 =	sand.u32 $0x30, s4;
	s5 =	sshrl.u32 s5, $0x2  }
0x2e: {  	s17 =	simm.s32 $0x40;
	s5 =	sor.u32 s18, s5;
	s18 =	simm.s32 $0x0  }
.LBB2_2:
0x2f: {  	p0 =	sne.s32 s17, $0x3FC0  }
0x30: {  	[tilespmem:s5+$0x11C80] =	vst v1;
	s18 =	sadd.s32 $0x10, s18;
	s5 =	smov.u32 s17;
	s17 =	sadd.s32 $0x40, s17  }
.Ltmp0:
0x31: {  	(pc) =	sbr.rel @p0 .LBB2_2-.Ltmp0, $4  }
0x32: {  	_ = 	snop  }
0x33: {  	s5 =	sand.u32 $0x3F00, s5  }
0x34: {  	s19 =	sand.u32 $0x30, s18;
	s5 =	sshrl.u32 s5, $0x2  }
0x35: {  	s5 =	sor.u32 s19, s5  }
0x36: {  	[tilespmem:s5+$0x11C80] =	vst v1;
	s18 =	rddreg [dreg:$0x1c];
	s15 =	simm.s32 $0x11C80  }
0x37: {  	[spmem:s18] =	stream.linear.scatter [tilespmem:s15], [sflag:$0xE], $0x1000, $0x38;
	[tilespmem:$0x1CC80] =	vst v63  }
0x38: {  	_ =	swait.ge [sflag:s20], $0x1000  }
0x39: {  	s19 =	sld [smem:$0x7F5]  }
0x3a: {  	[sflag:s20] =	ssyncset.done $0x0  }
0x3b: {  	[sflag:s20] =	ssyncadd.s32 $0xFFFFF000  }
0x3c: {  	[spmem:s19] =	stream.linear.scatter [tilespmem:s15], [sflag:$0xE], $0x1000, $0x38;
	[tilespmem:$0x1CC80] =	vst v63  }
0x3d: {  	_ =	swait.ge [sflag:s20], $0x1000  }
0x3e: {  	s16 =	sld [smem:$0x7F6]  }
0x3f: {  	[sflag:s20] =	ssyncset.done $0x0  }
0x40: {  	[sflag:s20] =	ssyncadd.s32 $0xFFFFF000  }
0x41: {  	[spmem:s16] =	stream.linear.scatter [tilespmem:s15], [sflag:$0xE], $0x1000, $0x38;
	[tilespmem:$0x1CC80] =	vst v63  }
0x42: {  	_ =	swait.ge [sflag:s20], $0x1000  }
0x43: {  	s17 =	sld [smem:$0x7F7]  }
0x44: {  	[sflag:s20] =	ssyncset.done $0x0  }
0x45: {  	[sflag:s20] =	ssyncadd.s32 $0xFFFFF000  }
0x46: {  	[spmem:s17] =	stream.linear.scatter [tilespmem:s15], [sflag:$0xE], $0x1000, $0x38;
	[tilespmem:$0x1CC80] =	vst v63  }
0x47: {  	_ =	swait.ge [sflag:s20], $0x1000  }
0x48: {  	s18 =	sld [smem:$0x7F8]  }
0x49: {  	[sflag:s20] =	ssyncset.done $0x0  }
0x4a: {  	[sflag:s20] =	ssyncadd.s32 $0xFFFFF000  }
0x4b: {  	[spmem:s18] =	stream.linear.scatter [tilespmem:s15], [sflag:$0xE], $0x1000, $0x38;
	[tilespmem:$0x1CC80] =	vst v63  }
0x4c: {  	_ =	swait.ge [sflag:s20], $0x1000  }
0x4d: {  	s19 =	sld [smem:$0x7F9]  }
0x4e: {  	[sflag:s20] =	ssyncset.done $0x0  }
0x4f: {  	[sflag:s20] =	ssyncadd.s32 $0xFFFFF000  }
0x50: {  	[spmem:s19] =	stream.linear.scatter [tilespmem:s15], [sflag:$0xE], $0x1000, $0x38;
	[tilespmem:$0x1CC80] =	vst v63  }
0x51: {  	_ =	swait.ge [sflag:s20], $0x1000  }
0x52: {  	s16 =	sld [smem:$0x7FA]  }
0x53: {  	[sflag:s20] =	ssyncset.done $0x0  }
0x54: {  	[sflag:s20] =	ssyncadd.s32 $0xFFFFF000  }
0x55: {  	[spmem:s16] =	stream.linear.scatter [tilespmem:s15], [sflag:$0xE], $0x1000, $0x38;
	[tilespmem:$0x1CC80] =	vst v63  }
0x56: {  	_ =	swait.ge [sflag:s20], $0x1000  }
0x57: {  	s17 =	sld [smem:$0x7FB]  }
0x58: {  	[sflag:s20] =	ssyncset.done $0x0  }
0x59: {  	[sflag:s20] =	ssyncadd.s32 $0xFFFFF000  }
0x5a: {  	[spmem:s17] =	stream.linear.scatter [tilespmem:s15], [sflag:$0xE], $0x1000, $0x38;
	[tilespmem:$0x1CC80] =	vst v63  }
0x5b: {  	_ =	swait.ge [sflag:s20], $0x1000  }
0x5c: {  	s18 =	sld [smem:$0x7FC]  }
0x5d: {  	[sflag:s20] =	ssyncset.done $0x0  }
0x5e: {  	[sflag:s20] =	ssyncadd.s32 $0xFFFFF000  }
0x5f: {  	[spmem:s18] =	stream.linear.scatter [tilespmem:s15], [sflag:$0xE], $0x1000, $0x38;
	[tilespmem:$0x1CC80] =	vst v63  }
0x60: {  	_ =	swait.ge [sflag:s20], $0x1000  }
0x61: {  	s19 =	sld [smem:$0x7FD]  }
0x62: {  	[sflag:s20] =	ssyncset.done $0x0  }
0x63: {  	[sflag:s20] =	ssyncadd.s32 $0xFFFFF000  }
0x64: {  	[spmem:s19] =	stream.linear.scatter [tilespmem:s15], [sflag:$0xE], $0x1000, $0x38;
	[tilespmem:$0x1CC80] =	vst v63  }
0x65: {  	_ =	swait.ge [sflag:s20], $0x1000  }
0x66: {  	[sflag:s20] =	ssyncset.done $0x0  }
0x67: {  	[sflag:s20] =	ssyncadd.s32 $0xFFFFF000  }
0x68: {  	s17 =	simm.s32 $0x0;
	[bflag:$0x0] =	sbarrier.arrive $0xFFFF  }
.LBB2_4:
0x69: {  	s5 =	rddreg [dreg:$0x5]  }
0x6a: {  	s18 =	rddreg [dreg:$0x4];
	s5 =	sadd.s32 s17, s5  }
0x6b: {  	[tilespmem:s4], [sflag:$0x1] =	stream.linear.gather [hbm4b:s5+s4], $0x80, $0x38;
	[tilespmem:$0x1CC80] =	vst v63  }
0x6c: {  	s19 =	rddreg [dreg:$0x6];
	s18 =	sadd.s32 s17, s18  }
0x6d: {  	[tilespmem:s19], [sflag:$0x1] =	stream.linear.gather [hbm4b:s18+s4], $0x80, $0x38;
	[tilespmem:$0x1CC80] =	vst v63  }
0x6e: {  	s15 =	sadd.s32 $0x10, s5  }
0x6f: {  	[tilespmem:s21], [sflag:$0x2] =	stream.linear.gather [hbm4b:s15+s4], $0x80, $0x38;
	[tilespmem:$0x1CC80] =	vst v63  }
0x70: {  	s16 =	rddreg [dreg:$0x7];
	s19 =	sadd.s32 $0x10, s18  }
0x71: {  	[tilespmem:s16], [sflag:$0x2] =	stream.linear.gather [hbm4b:s19+s4], $0x80, $0x38;
	[tilespmem:$0x1CC80] =	vst v63  }
0x72: {  	s15 =	rddreg [dreg:$0x8];
	s16 =	sadd.s32 $0x20, s5  }
0x73: {  	[tilespmem:s15], [sflag:$0x3] =	stream.linear.gather [hbm4b:s16+s4], $0x80, $0x38;
	[tilespmem:$0x1CC80] =	vst v63  }
0x74: {  	s19 =	rddreg [dreg:$0x9];
	s15 =	sadd.s32 $0x20, s18  }
0x75: {  	[tilespmem:s19], [sflag:$0x3] =	stream.linear.gather [hbm4b:s15+s4], $0x80, $0x38;
	[tilespmem:$0x1CC80] =	vst v63  }
0x76: {  	s5 =	sadd.s32 $0x30, s5;
	s16 =	rddreg [dreg:$0xa]  }
0x77: {  	[tilespmem:s16], [sflag:$0x4] =	stream.linear.gather [hbm4b:s5+s4], $0x80, $0x38;
	[tilespmem:$0x1CC80] =	vst v63  }
0x78: {  	s15 =	rddreg [dreg:$0xb];
	s19 =	sadd.s32 $0x30, s18  }
0x79: {  	[tilespmem:s15], [sflag:$0x4] =	stream.linear.gather [hbm4b:s19+s4], $0x80, $0x38;
	[tilespmem:$0x1CC80] =	vst v63  }
0x7a: {  	_ =	swait.ge [sflag:s22], $0x80  }
0x7b: {  	[sflag:s22] =	ssyncset.done $0x0  }
0x7c: {  	[sflag:s22] =	ssyncadd.s32 $0xFFFFFF80  }
0x7d: {  	_ =	swait.ge [sflag:s22], $0x80  }
0x7e: {  	[sflag:s22] =	ssyncset.done $0x0  }
0x7f: {  	[sflag:s22] =	ssyncadd.s32 $0xFFFFFF80  }
0x80: {  	v2 =	vld [tilespmem:$0x0]  }
0x81: {  	v3 =	vld [tilespmem:$0x200]  }
0x82: {  	v4 =	vld [tilespmem:$0x10]  }
0x83: {  	v5 =	vld [tilespmem:$0x210]  }
0x84: {  	v6 =	vld [tilespmem:$0x20]  }
0x85: {  	v7 =	vld [tilespmem:$0x220];
	v2 =	vadd.s32 v0, v2  }
0x86: {  	[tilespmem:$0x400] =	vst v2;
	v2 =	vadd.s32 v0, v3;
	v3 =	vld [tilespmem:$0x30]  }
0x87: {  	v39 =	vld [tilespmem:$0x230];
	[tilespmem:$0x600] =	vst v2;
	v2 =	vadd.s32 v0, v4  }
0x88: {  	v40 =	vld [tilespmem:$0x40];
	[tilespmem:$0x410] =	vst v2;
	v2 =	vadd.s32 v0, v5  }
0x89: {  	v41 =	vld [tilespmem:$0x240];
	[tilespmem:$0x610] =	vst v2;
	v2 =	vadd.s32 v0, v6  }
0x8a: {  	v42 =	vld [tilespmem:$0x50];
	[tilespmem:$0x420] =	vst v2;
	v2 =	vadd.s32 v0, v7  }
0x8b: {  	[tilespmem:$0x620] =	vst v2;
	v2 =	vadd.s32 v0, v3;
	v3 =	vld [tilespmem:$0x250]  }
0x8c: {  	v43 =	vld [tilespmem:$0x60];
	[tilespmem:$0x430] =	vst v2;
	v2 =	vadd.s32 v0, v39  }
0x8d: {  	v44 =	vld [tilespmem:$0x260];
	[tilespmem:$0x630] =	vst v2;
	v2 =	vadd.s32 v0, v40  }
0x8e: {  	v45 =	vld [tilespmem:$0x70];
	[tilespmem:$0x440] =	vst v2;
	v2 =	vadd.s32 v0, v41  }
0x8f: {  	v46 =	vld [tilespmem:$0x270];
	[tilespmem:$0x640] =	vst v2;
	v2 =	vadd.s32 v0, v42  }
0x90: {  	[tilespmem:$0x450] =	vst v2;
	v2 =	vadd.s32 v0, v3  }
0x91: {  	[tilespmem:$0x650] =	vst v2;
	v2 =	vadd.s32 v0, v43  }
0x92: {  	[tilespmem:$0x460] =	vst v2;
	v2 =	vadd.s32 v0, v44  }
0x93: {  	[tilespmem:$0x660] =	vst v2;
	v2 =	vadd.s32 v0, v45  }
0x94: {  	p0 =	seq.s32 s17, $0x0;
	[tilespmem:$0x470] =	vst v2;
	v2 =	vadd.s32 v0, v46  }
0x95: {  	s18 =	simm.s32 @!p0 $0xD;
	[tilespmem:$0x670] =	vst v2  }
0x96: {  	_ =	swait.ge @!p0 [sflag:s18], $0x2000  }
0x97: {  	[sflag:s18] =	ssyncset.done @!p0 $0x0  }
0x98: {  	[sflag:s18] =	ssyncadd.s32 @!p0 $0xFFFFE000  }
0x99: {  	_ =	swait.ge @!p0 [sflag:s18], $0x2000  }
0x9a: {  	[sflag:s18] =	ssyncset.done @!p0 $0x0  }
0x9b: {  	s16 =	rddreg [dreg:$0xc];
	[sflag:s18] =	ssyncadd.s32 @!p0 $0xFFFFE000  }
0x9c: {  	[tilespmem:s23], [sflag:$0x5] =	stream.indirect.gather [hbm4b:s2+s21], $0x40, s16, s21, $0xb8;
	[tilespmem:$0x1CC80] =	vst v63  }
0x9d: {  	s19 =	rddreg [dreg:$0xd]  }
0x9e: {  	[tilespmem:s24], [sflag:$0x9] =	stream.indirect.gather [hbm4b:s2+s21], $0x40, s19, s21, $0xb8;
	[tilespmem:$0x1CC80] =	vst v63  }
0x9f: {  	_ =	swait.ge [sflag:s25], $0x80  }
0xa0: {  	[sflag:s25] =	ssyncset.done $0x0  }
0xa1: {  	[sflag:s25] =	ssyncadd.s32 $0xFFFFFF80  }
0xa2: {  	_ =	swait.ge [sflag:s25], $0x80  }
0xa3: {  	[sflag:s25] =	ssyncset.done $0x0  }
0xa4: {  	[sflag:s25] =	ssyncadd.s32 $0xFFFFFF80  }
0xa5: {  	v2 =	vld [tilespmem:$0x80]  }
0xa6: {  	v3 =	vld [tilespmem:$0x280]  }
0xa7: {  	v47 =	vld [tilespmem:$0x90]  }
0xa8: {  	v48 =	vld [tilespmem:$0x290]  }
0xa9: {  	v49 =	vld [tilespmem:$0xA0]  }
0xaa: {  	v50 =	vld [tilespmem:$0x2A0];
	v2 =	vadd.s32 v0, v2  }
0xab: {  	[tilespmem:$0x480] =	vst v2;
	v2 =	vadd.s32 v0, v3;
	v3 =	vld [tilespmem:$0xB0]  }
0xac: {  	v51 =	vld [tilespmem:$0x2B0];
	[tilespmem:$0x680] =	vst v2;
	v2 =	vadd.s32 v0, v47  }
0xad: {  	v52 =	vld [tilespmem:$0xC0];
	[tilespmem:$0x490] =	vst v2;
	v2 =	vadd.s32 v0, v48  }
0xae: {  	v53 =	vld [tilespmem:$0x2C0];
	[tilespmem:$0x690] =	vst v2;
	v2 =	vadd.s32 v0, v49  }
0xaf: {  	v54 =	vld [tilespmem:$0xD0];
	[tilespmem:$0x4A0] =	vst v2;
	v2 =	vadd.s32 v0, v50  }
0xb0: {  	[tilespmem:$0x6A0] =	vst v2;
	v2 =	vadd.s32 v0, v3;
	v3 =	vld [tilespmem:$0x2D0]  }
0xb1: {  	v55 =	vld [tilespmem:$0xE0];
	[tilespmem:$0x4B0] =	vst v2;
	v2 =	vadd.s32 v0, v51  }
0xb2: {  	v56 =	vld [tilespmem:$0x2E0];
	[tilespmem:$0x6B0] =	vst v2;
	v2 =	vadd.s32 v0, v52  }
0xb3: {  	v57 =	vld [tilespmem:$0xF0];
	[tilespmem:$0x4C0] =	vst v2;
	v2 =	vadd.s32 v0, v53  }
0xb4: {  	v58 =	vld [tilespmem:$0x2F0];
	[tilespmem:$0x6C0] =	vst v2;
	v2 =	vadd.s32 v0, v54  }
0xb5: {  	[tilespmem:$0x4D0] =	vst v2;
	v2 =	vadd.s32 v0, v3  }
0xb6: {  	[tilespmem:$0x6D0] =	vst v2;
	v2 =	vadd.s32 v0, v55  }
0xb7: {  	[tilespmem:$0x4E0] =	vst v2;
	v2 =	vadd.s32 v0, v56  }
0xb8: {  	[tilespmem:$0x6E0] =	vst v2;
	v2 =	vadd.s32 v0, v57  }
0xb9: {  	[tilespmem:$0x4F0] =	vst v2;
	v2 =	vadd.s32 v0, v58  }
0xba: {  	[tilespmem:$0x6F0] =	vst v2  }
0xbb: {  	_ =	swait.ge @!p0 [sflag:s18], $0x2000  }
0xbc: {  	[sflag:s18] =	ssyncset.done @!p0 $0x0  }
0xbd: {  	[sflag:s18] =	ssyncadd.s32 @!p0 $0xFFFFE000  }
0xbe: {  	_ =	swait.ge @!p0 [sflag:s18], $0x2000  }
0xbf: {  	[sflag:s18] =	ssyncset.done @!p0 $0x0  }
0xc0: {  	s16 =	rddreg [dreg:$0xe];
	[sflag:s18] =	ssyncadd.s32 @!p0 $0xFFFFE000  }
0xc1: {  	[tilespmem:s26], [sflag:$0x6] =	stream.indirect.gather [hbm4b:s2+s21], $0x40, s16, s21, $0xb8;
	[tilespmem:$0x1CC80] =	vst v63  }
0xc2: {  	s19 =	rddreg [dreg:$0xf]  }
0xc3: {  	[tilespmem:s28], [sflag:$0xA] =	stream.indirect.gather [hbm4b:s2+s21], $0x40, s19, s21, $0xb8;
	[tilespmem:$0x1CC80] =	vst v63  }
0xc4: {  	_ =	swait.ge [sflag:s29], $0x80  }
0xc5: {  	[sflag:s29] =	ssyncset.done $0x0  }
0xc6: {  	[sflag:s29] =	ssyncadd.s32 $0xFFFFFF80  }
0xc7: {  	_ =	swait.ge [sflag:s29], $0x80  }
0xc8: {  	[sflag:s29] =	ssyncset.done $0x0  }
0xc9: {  	[sflag:s29] =	ssyncadd.s32 $0xFFFFFF80  }
0xca: {  	v2 =	vld [tilespmem:$0x100]  }
0xcb: {  	v3 =	vld [tilespmem:$0x300]  }
0xcc: {  	v59 =	vld [tilespmem:$0x110]  }
0xcd: {  	v60 =	vld [tilespmem:$0x310]  }
0xce: {  	v61 =	vld [tilespmem:$0x120]  }
0xcf: {  	v62 =	vld [tilespmem:$0x320];
	v2 =	vadd.s32 v0, v2  }
0xd0: {  	[tilespmem:$0x500] =	vst v2;
	v2 =	vadd.s32 v0, v3;
	v3 =	vld [tilespmem:$0x130]  }
0xd1: {  	v63 =	vld [tilespmem:$0x330];
	[tilespmem:$0x700] =	vst v2;
	v2 =	vadd.s32 v0, v59  }
0xd2: {  	v9 =	vld [tilespmem:$0x140];
	[tilespmem:$0x510] =	vst v2;
	v2 =	vadd.s32 v0, v60  }
0xd3: {  	v10 =	vld [tilespmem:$0x340];
	[tilespmem:$0x710] =	vst v2;
	v2 =	vadd.s32 v0, v61  }
0xd4: {  	v11 =	vld [tilespmem:$0x150];
	[tilespmem:$0x520] =	vst v2;
	v2 =	vadd.s32 v0, v62  }
0xd5: {  	[tilespmem:$0x720] =	vst v2;
	v2 =	vadd.s32 v0, v3;
	v3 =	vld [tilespmem:$0x350]  }
0xd6: {  	v12 =	vld [tilespmem:$0x160];
	[tilespmem:$0x530] =	vst v2;
	v2 =	vadd.s32 v0, v63  }
0xd7: {  	v13 =	vld [tilespmem:$0x360];
	[tilespmem:$0x730] =	vst v2;
	v2 =	vadd.s32 v0, v9  }
0xd8: {  	v14 =	vld [tilespmem:$0x170];
	[tilespmem:$0x540] =	vst v2;
	v2 =	vadd.s32 v0, v10  }
0xd9: {  	v15 =	vld [tilespmem:$0x370];
	[tilespmem:$0x740] =	vst v2;
	v2 =	vadd.s32 v0, v11  }
0xda: {  	[tilespmem:$0x550] =	vst v2;
	v2 =	vadd.s32 v0, v3  }
0xdb: {  	[tilespmem:$0x750] =	vst v2;
	v2 =	vadd.s32 v0, v12  }
0xdc: {  	[tilespmem:$0x560] =	vst v2;
	v2 =	vadd.s32 v0, v13  }
0xdd: {  	[tilespmem:$0x760] =	vst v2;
	v2 =	vadd.s32 v0, v14  }
0xde: {  	[tilespmem:$0x570] =	vst v2;
	v2 =	vadd.s32 v0, v15  }
0xdf: {  	[tilespmem:$0x770] =	vst v2  }
0xe0: {  	_ =	swait.ge @!p0 [sflag:s18], $0x2000  }
0xe1: {  	[sflag:s18] =	ssyncset.done @!p0 $0x0  }
0xe2: {  	[sflag:s18] =	ssyncadd.s32 @!p0 $0xFFFFE000  }
0xe3: {  	_ =	swait.ge @!p0 [sflag:s18], $0x2000  }
0xe4: {  	[sflag:s18] =	ssyncset.done @!p0 $0x0  }
0xe5: {  	s16 =	rddreg [dreg:$0x10];
	[sflag:s18] =	ssyncadd.s32 @!p0 $0xFFFFE000  }
0xe6: {  	[tilespmem:s30], [sflag:$0x7] =	stream.indirect.gather [hbm4b:s2+s21], $0x40, s16, s21, $0xb8;
	[tilespmem:$0x1CC80] =	vst v63  }
0xe7: {  	s19 =	rddreg [dreg:$0x11]  }
0xe8: {  	[tilespmem:s31], [sflag:$0xB] =	stream.indirect.gather [hbm4b:s2+s21], $0x40, s19, s21, $0xb8;
	[tilespmem:$0x1CC80] =	vst v63  }
0xe9: {  	_ =	swait.ge [sflag:s0], $0x80  }
0xea: {  	[sflag:s0] =	ssyncset.done $0x0  }
0xeb: {  	[sflag:s0] =	ssyncadd.s32 $0xFFFFFF80  }
0xec: {  	_ =	swait.ge [sflag:s0], $0x80  }
0xed: {  	[sflag:s0] =	ssyncset.done $0x0  }
0xee: {  	[sflag:s0] =	ssyncadd.s32 $0xFFFFFF80  }
0xef: {  	v2 =	vld [tilespmem:$0x180]  }
0xf0: {  	v3 =	vld [tilespmem:$0x380]  }
0xf1: {  	v16 =	vld [tilespmem:$0x190]  }
0xf2: {  	v17 =	vld [tilespmem:$0x390]  }
0xf3: {  	v18 =	vld [tilespmem:$0x1A0]  }
0xf4: {  	v19 =	vld [tilespmem:$0x3A0];
	v2 =	vadd.s32 v0, v2  }
0xf5: {  	[tilespmem:$0x580] =	vst v2;
	v2 =	vadd.s32 v0, v3;
	v3 =	vld [tilespmem:$0x1B0]  }
0xf6: {  	v20 =	vld [tilespmem:$0x3B0];
	[tilespmem:$0x780] =	vst v2;
	v2 =	vadd.s32 v0, v16  }
0xf7: {  	v21 =	vld [tilespmem:$0x1C0];
	[tilespmem:$0x590] =	vst v2;
	v2 =	vadd.s32 v0, v17  }
0xf8: {  	v22 =	vld [tilespmem:$0x3C0];
	[tilespmem:$0x790] =	vst v2;
	v2 =	vadd.s32 v0, v18  }
0xf9: {  	v23 =	vld [tilespmem:$0x1D0];
	[tilespmem:$0x5A0] =	vst v2;
	v2 =	vadd.s32 v0, v19  }
0xfa: {  	[tilespmem:$0x7A0] =	vst v2;
	v2 =	vadd.s32 v0, v3;
	v3 =	vld [tilespmem:$0x3D0]  }
0xfb: {  	v24 =	vld [tilespmem:$0x1E0];
	[tilespmem:$0x5B0] =	vst v2;
	v2 =	vadd.s32 v0, v20  }
0xfc: {  	v25 =	vld [tilespmem:$0x3E0];
	[tilespmem:$0x7B0] =	vst v2;
	v2 =	vadd.s32 v0, v21  }
0xfd: {  	v26 =	vld [tilespmem:$0x1F0];
	[tilespmem:$0x5C0] =	vst v2;
	v2 =	vadd.s32 v0, v22  }
0xfe: {  	v27 =	vld [tilespmem:$0x3F0];
	[tilespmem:$0x7C0] =	vst v2;
	v2 =	vadd.s32 v0, v23  }
0xff: {  	[tilespmem:$0x5D0] =	vst v2;
	v2 =	vadd.s32 v0, v3  }
0x100: {  	[tilespmem:$0x7D0] =	vst v2;
	v2 =	vadd.s32 v0, v24  }
0x101: {  	[tilespmem:$0x5E0] =	vst v2;
	v2 =	vadd.s32 v0, v25  }
0x102: {  	[tilespmem:$0x7E0] =	vst v2;
	v2 =	vadd.s32 v0, v26  }
0x103: {  	[tilespmem:$0x5F0] =	vst v2;
	v2 =	vadd.s32 v0, v27  }
0x104: {  	[tilespmem:$0x7F0] =	vst v2  }
0x105: {  	_ =	swait.ge @!p0 [sflag:s18], $0x2000  }
0x106: {  	[sflag:s18] =	ssyncset.done @!p0 $0x0  }
0x107: {  	[sflag:s18] =	ssyncadd.s32 @!p0 $0xFFFFE000  }
0x108: {  	_ =	swait.ge @!p0 [sflag:s18], $0x2000  }
0x109: {  	[sflag:s18] =	ssyncset.done @!p0 $0x0  }
0x10a: {  	s16 =	rddreg [dreg:$0x12];
	[sflag:s18] =	ssyncadd.s32 @!p0 $0xFFFFE000  }
0x10b: {  	[tilespmem:s1], [sflag:$0x8] =	stream.indirect.gather [hbm4b:s2+s21], $0x40, s16, s21, $0xb8;
	[tilespmem:$0x1CC80] =	vst v63  }
0x10c: {  	s19 =	rddreg [dreg:$0x13]  }
0x10d: {  	[tilespmem:s6], [sflag:$0xC] =	stream.indirect.gather [hbm4b:s2+s21], $0x40, s19, s21, $0xb8;
	[tilespmem:$0x1CC80] =	vst v63  }
0x10e: {  	v2 =	vld [tilespmem:$0x0]  }
0x10f: {  	v3 =	vld [tilespmem:$0x200]  }
0x110: {  	v28 =	vld [tilespmem:$0x10]  }
0x111: {  	v29 =	vld [tilespmem:$0x210]  }
0x112: {  	v30 =	vld [tilespmem:$0x20]  }
0x113: {  	[tilespmem:$0x800] =	vst v2;
	v2 =	vld [tilespmem:$0x220]  }
0x114: {  	v31 =	vld [tilespmem:$0x230];
	[tilespmem:$0xA00] =	vst v3  }
0x115: {  	v32 =	vld [tilespmem:$0x40];
	[tilespmem:$0x810] =	vst v28  }
0x116: {  	v33 =	vld [tilespmem:$0x240];
	[tilespmem:$0xA10] =	vst v29  }
0x117: {  	v3 =	vld [tilespmem:$0x30];
	[tilespmem:$0x820] =	vst v30  }
0x118: {  	[tilespmem:$0xA20] =	vst v2;
	v2 =	vld [tilespmem:$0x50]  }
0x119: {  	v34 =	vld [tilespmem:$0x60];
	[tilespmem:$0xA30] =	vst v31  }
0x11a: {  	v35 =	vld [tilespmem:$0x260];
	[tilespmem:$0x840] =	vst v32  }
0x11b: {  	v36 =	vld [tilespmem:$0x70];
	[tilespmem:$0xA40] =	vst v33  }
0x11c: {  	[tilespmem:$0x830] =	vst v3;
	v3 =	vld [tilespmem:$0x250]  }
0x11d: {  	[tilespmem:$0x850] =	vst v2;
	v2 =	vld [tilespmem:$0x270]  }
0x11e: {  	[tilespmem:$0x860] =	vst v34  }
0x11f: {  	[tilespmem:$0xA60] =	vst v35  }
0x120: {  	[tilespmem:$0x870] =	vst v36  }
0x121: {  	[tilespmem:$0xA50] =	vst v3  }
0x122: {  	[tilespmem:$0xA70] =	vst v2  }
0x123: {  	_ =	swait.ge [sflag:s7], $0x2000  }
0x124: {  	[sflag:s7] =	ssyncset.done $0x0  }
0x125: {  	s15 =	rddreg [dreg:$0x14];
	[sflag:s7] =	ssyncadd.s32 $0xFFFFE000  }
0x126: {  	[spmem:s3] =	stream.indirect.scatter.add.f32 [tilespmem:s23], [sflag:$0xD], $0x40, s15, s21, $0xb8;
	[tilespmem:$0x1CC80] =	vst v63  }
0x127: {  	_ =	swait.ge [sflag:s8], $0x2000  }
0x128: {  	[sflag:s8] =	ssyncset.done $0x0  }
0x129: {  	s16 =	rddreg [dreg:$0x15];
	[sflag:s8] =	ssyncadd.s32 $0xFFFFE000  }
0x12a: {  	[spmem:s3] =	stream.indirect.scatter.add.f32 [tilespmem:s24], [sflag:$0xD], $0x40, s16, s21, $0xb8;
	[tilespmem:$0x1CC80] =	vst v63  }
0x12b: {  	v2 =	vld [tilespmem:$0x80]  }
0x12c: {  	v3 =	vld [tilespmem:$0x280]  }
0x12d: {  	v37 =	vld [tilespmem:$0x90]  }
0x12e: {  	v38 =	vld [tilespmem:$0x290]  }
0x12f: {  	v39 =	vld [tilespmem:$0xA0]  }
0x130: {  	[tilespmem:$0x880] =	vst v2;
	v2 =	vld [tilespmem:$0x2A0]  }
0x131: {  	v40 =	vld [tilespmem:$0x2B0];
	[tilespmem:$0xA80] =	vst v3  }
0x132: {  	v41 =	vld [tilespmem:$0xC0];
	[tilespmem:$0x890] =	vst v37  }
0x133: {  	v42 =	vld [tilespmem:$0x2C0];
	[tilespmem:$0xA90] =	vst v38  }
0x134: {  	v3 =	vld [tilespmem:$0xB0];
	[tilespmem:$0x8A0] =	vst v39  }
0x135: {  	[tilespmem:$0xAA0] =	vst v2;
	v2 =	vld [tilespmem:$0xD0]  }
0x136: {  	v43 =	vld [tilespmem:$0xE0];
	[tilespmem:$0xAB0] =	vst v40  }
0x137: {  	v44 =	vld [tilespmem:$0x2E0];
	[tilespmem:$0x8C0] =	vst v41  }
0x138: {  	v45 =	vld [tilespmem:$0xF0];
	[tilespmem:$0xAC0] =	vst v42  }
0x139: {  	[tilespmem:$0x8B0] =	vst v3;
	v3 =	vld [tilespmem:$0x2D0]  }
0x13a: {  	[tilespmem:$0x8D0] =	vst v2;
	v2 =	vld [tilespmem:$0x2F0]  }
0x13b: {  	[tilespmem:$0x8E0] =	vst v43  }
0x13c: {  	[tilespmem:$0xAE0] =	vst v44  }
0x13d: {  	[tilespmem:$0x8F0] =	vst v45  }
0x13e: {  	[tilespmem:$0xAD0] =	vst v3  }
0x13f: {  	[tilespmem:$0xAF0] =	vst v2  }
0x140: {  	_ =	swait.ge [sflag:s9], $0x2000  }
0x141: {  	[sflag:s9] =	ssyncset.done $0x0  }
0x142: {  	s18 =	rddreg [dreg:$0x16];
	[sflag:s9] =	ssyncadd.s32 $0xFFFFE000  }
0x143: {  	[spmem:s3] =	stream.indirect.scatter.add.f32 [tilespmem:s26], [sflag:$0xD], $0x40, s18, s21, $0xb8;
	[tilespmem:$0x1CC80] =	vst v63  }
0x144: {  	_ =	swait.ge [sflag:s10], $0x2000  }
0x145: {  	[sflag:s10] =	ssyncset.done $0x0  }
0x146: {  	s19 =	rddreg [dreg:$0x17];
	[sflag:s10] =	ssyncadd.s32 $0xFFFFE000  }
0x147: {  	[spmem:s3] =	stream.indirect.scatter.add.f32 [tilespmem:s28], [sflag:$0xD], $0x40, s19, s21, $0xb8;
	[tilespmem:$0x1CC80] =	vst v63  }
0x148: {  	v2 =	vld [tilespmem:$0x100]  }
0x149: {  	v3 =	vld [tilespmem:$0x300]  }
0x14a: {  	v46 =	vld [tilespmem:$0x110]  }
0x14b: {  	v47 =	vld [tilespmem:$0x310]  }
0x14c: {  	v48 =	vld [tilespmem:$0x120]  }
0x14d: {  	[tilespmem:$0x900] =	vst v2;
	v2 =	vld [tilespmem:$0x320]  }
0x14e: {  	v49 =	vld [tilespmem:$0x330];
	[tilespmem:$0xB00] =	vst v3  }
0x14f: {  	v50 =	vld [tilespmem:$0x140];
	[tilespmem:$0x910] =	vst v46  }
0x150: {  	v51 =	vld [tilespmem:$0x340];
	[tilespmem:$0xB10] =	vst v47  }
0x151: {  	v3 =	vld [tilespmem:$0x130];
	[tilespmem:$0x920] =	vst v48  }
0x152: {  	[tilespmem:$0xB20] =	vst v2;
	v2 =	vld [tilespmem:$0x150]  }
0x153: {  	v52 =	vld [tilespmem:$0x160];
	[tilespmem:$0xB30] =	vst v49  }
0x154: {  	v53 =	vld [tilespmem:$0x360];
	[tilespmem:$0x940] =	vst v50  }
0x155: {  	v54 =	vld [tilespmem:$0x170];
	[tilespmem:$0xB40] =	vst v51  }
0x156: {  	[tilespmem:$0x930] =	vst v3;
	v3 =	vld [tilespmem:$0x350]  }
0x157: {  	[tilespmem:$0x950] =	vst v2;
	v2 =	vld [tilespmem:$0x370]  }
0x158: {  	[tilespmem:$0x960] =	vst v52  }
0x159: {  	[tilespmem:$0xB60] =	vst v53  }
0x15a: {  	[tilespmem:$0x970] =	vst v54  }
0x15b: {  	[tilespmem:$0xB50] =	vst v3  }
0x15c: {  	[tilespmem:$0xB70] =	vst v2  }
0x15d: {  	_ =	swait.ge [sflag:s11], $0x2000  }
0x15e: {  	[sflag:s11] =	ssyncset.done $0x0  }
0x15f: {  	s15 =	rddreg [dreg:$0x18];
	[sflag:s11] =	ssyncadd.s32 $0xFFFFE000  }
0x160: {  	[spmem:s3] =	stream.indirect.scatter.add.f32 [tilespmem:s30], [sflag:$0xD], $0x40, s15, s21, $0xb8;
	[tilespmem:$0x1CC80] =	vst v63  }
0x161: {  	_ =	swait.ge [sflag:s12], $0x2000  }
0x162: {  	[sflag:s12] =	ssyncset.done $0x0  }
0x163: {  	s16 =	rddreg [dreg:$0x19];
	[sflag:s12] =	ssyncadd.s32 $0xFFFFE000  }
0x164: {  	[spmem:s3] =	stream.indirect.scatter.add.f32 [tilespmem:s31], [sflag:$0xD], $0x40, s16, s21, $0xb8;
	[tilespmem:$0x1CC80] =	vst v63  }
0x165: {  	v2 =	vld [tilespmem:$0x180]  }
0x166: {  	v3 =	vld [tilespmem:$0x380]  }
0x167: {  	v55 =	vld [tilespmem:$0x190]  }
0x168: {  	v56 =	vld [tilespmem:$0x390]  }
0x169: {  	v57 =	vld [tilespmem:$0x1A0]  }
0x16a: {  	[tilespmem:$0x980] =	vst v2;
	v2 =	vld [tilespmem:$0x3A0]  }
0x16b: {  	v58 =	vld [tilespmem:$0x3B0];
	[tilespmem:$0xB80] =	vst v3  }
0x16c: {  	v59 =	vld [tilespmem:$0x1C0];
	[tilespmem:$0x990] =	vst v55  }
0x16d: {  	v60 =	vld [tilespmem:$0x3C0];
	[tilespmem:$0xB90] =	vst v56  }
0x16e: {  	v3 =	vld [tilespmem:$0x1B0];
	[tilespmem:$0x9A0] =	vst v57  }
0x16f: {  	[tilespmem:$0xBA0] =	vst v2;
	v2 =	vld [tilespmem:$0x1D0]  }
0x170: {  	v61 =	vld [tilespmem:$0x1E0];
	[tilespmem:$0xBB0] =	vst v58  }
0x171: {  	v62 =	vld [tilespmem:$0x3E0];
	[tilespmem:$0x9C0] =	vst v59  }
0x172: {  	v63 =	vld [tilespmem:$0x1F0];
	[tilespmem:$0xBC0] =	vst v60  }
0x173: {  	[tilespmem:$0x9B0] =	vst v3;
	v3 =	vld [tilespmem:$0x3D0]  }
0x174: {  	[tilespmem:$0x9D0] =	vst v2;
	v2 =	vld [tilespmem:$0x3F0]  }
0x175: {  	[tilespmem:$0x9E0] =	vst v61  }
0x176: {  	[tilespmem:$0xBE0] =	vst v62  }
0x177: {  	[tilespmem:$0x9F0] =	vst v63  }
0x178: {  	[tilespmem:$0xBD0] =	vst v3  }
0x179: {  	[tilespmem:$0xBF0] =	vst v2  }
0x17a: {  	_ =	swait.ge [sflag:s13], $0x2000  }
0x17b: {  	s17 =	sadd.s32 $0x40, s17;
	[sflag:s13] =	ssyncset.done $0x0  }
0x17c: {  	p0 =	sne.s32 s17, $0x9C0;
	s18 =	rddreg [dreg:$0x1a];
	[sflag:s13] =	ssyncadd.s32 $0xFFFFE000  }
0x17d: {  	[spmem:s3] =	stream.indirect.scatter.add.f32 [tilespmem:s1], [sflag:$0xD], $0x40, s18, s21, $0xb8;
	[tilespmem:$0x1CC80] =	vst v63  }
.Ltmp1:
0x17e: {  	_ = 	snop;
	(pc) =	sbr.rel @p0 .LBB2_4-.Ltmp1, $4  }
0x17f: {  	_ =	swait.ge [sflag:s14], $0x2000  }
0x180: {  	[sflag:s14] =	ssyncset.done $0x0  }
0x181: {  	s19 =	rddreg [dreg:$0x1b];
	[sflag:s14] =	ssyncadd.s32 $0xFFFFE000  }
0x182: {  	[spmem:s3] =	stream.indirect.scatter.add.f32 [tilespmem:s6], [sflag:$0xD], $0x40, s19, s21, $0xb8;
	[tilespmem:$0x1CC80] =	vst v63  }
0x183: {  	s5 =	simm.s32 $0xD  }
0x184: {  	_ =	swait.ge [sflag:s5], $0x2000  }
0x185: {  	[sflag:s5] =	ssyncset.done $0x0  }
0x186: {  	[sflag:s5] =	ssyncadd.s32 $0xFFFFE000  }
0x187: {  	_ =	swait.ge [sflag:s5], $0x2000  }
0x188: {  	[sflag:s5] =	ssyncset.done $0x0  }
0x189: {  	[sflag:s5] =	ssyncadd.s32 $0xFFFFE000  }
0x18a: {  	_ =	swait.ge [sflag:s5], $0x2000  }
0x18b: {  	[sflag:s5] =	ssyncset.done $0x0  }
0x18c: {  	[sflag:s5] =	ssyncadd.s32 $0xFFFFE000  }
0x18d: {  	_ =	swait.ge [sflag:s5], $0x2000  }
0x18e: {  	[sflag:s5] =	ssyncset.done $0x0  }
0x18f: {  	[sflag:s5] =	ssyncadd.s32 $0xFFFFE000  }
0x190: {  	_ =	swait.ge [sflag:s5], $0x2000  }
0x191: {  	[sflag:s5] =	ssyncset.done $0x0  }
0x192: {  	[sflag:s5] =	ssyncadd.s32 $0xFFFFE000  }
0x193: {  	_ =	swait.ge [sflag:s5], $0x2000  }
0x194: {  	[sflag:s5] =	ssyncset.done $0x0  }
0x195: {  	[sflag:s5] =	ssyncadd.s32 $0xFFFFE000  }
0x196: {  	_ =	swait.ge [sflag:s5], $0x2000  }
0x197: {  	[sflag:s5] =	ssyncset.done $0x0  }
0x198: {  	[sflag:s5] =	ssyncadd.s32 $0xFFFFE000  }
0x199: {  	_ =	swait.ge [sflag:s5], $0x2000  }
0x19a: {  	[sflag:s5] =	ssyncset.done $0x0  }
0x19b: {  	s15 =	simm.s32 $0x10C00;
	s18 =	rddreg [dreg:$0x1d];
	[sflag:s5] =	ssyncadd.s32 $0xFFFFE000  }
0x19c: {  	[tilespmem:s15], [sflag:$0xE] =	stream.linear.gather [hbm4b:s18+s4], $0x20, $0x38;
	[tilespmem:$0x1CC80] =	vst v63  }
0x19d: {  	_ =	swait.ge [sflag:s20], $0x20  }
0x19e: {  	[sflag:s20] =	ssyncset.done $0x0  }
0x19f: {  	s16 =	simm.s32 $0x10C20;
	s19 =	rddreg [dreg:$0x1e];
	[sflag:s20] =	ssyncadd.s32 $0xFFFFFFE0  }
0x1a0: {  	[tilespmem:s16], [sflag:$0xE] =	stream.linear.gather [hbm4b:s19+s4], $0x20, $0x38;
	[tilespmem:$0x1CC80] =	vst v63  }
0x1a1: {  	_ =	swait.ge [sflag:s20], $0x20  }
0x1a2: {  	[sflag:s20] =	ssyncset.done $0x0  }
0x1a3: {  	[sflag:s20] =	ssyncadd.s32 $0xFFFFFFE0  }
0x1a4: {  	v2 =	vld [tilespmem:$0x10C00]  }
0x1a5: {  	v3 =	vld [tilespmem:$0x10C20]  }
0x1a6: {  	v4 =	vld [tilespmem:$0x10C10]  }
0x1a7: {  	v5 =	vld [tilespmem:$0x10C30];
	_ =	sdelay $0x1  }
0x1a8: {  	v2 =	vadd.s32 v0, v2  }
0x1a9: {  	[tilespmem:$0x10C40] =	vst v2;
	v2 =	vadd.s32 v0, v3  }
0x1aa: {  	[tilespmem:$0x10C60] =	vst v2;
	v2 =	vadd.s32 v0, v4  }
0x1ab: {  	[tilespmem:$0x10C50] =	vst v2;
	v2 =	vadd.s32 v0, v5  }
0x1ac: {  	s17 =	simm.s32 $0x10C40;
	s5 =	simm.s32 $0x20;
	s18 =	simm.s32 $0x10C80;
	[tilespmem:$0x10C70] =	vst v2  }
0x1ad: {  	[tilespmem:s18], [sflag:$0x5] =	stream.indirect.gather [hbm4b:s2+s5], $0x40, s17, s5, $0xb8;
	[tilespmem:$0x1CC80] =	vst v63  }
0x1ae: {  	s19 =	simm.s32 $0x11480;
	s17 =	simm.s32 $0x10C60  }
0x1af: {  	[tilespmem:s19], [sflag:$0x6] =	stream.indirect.gather [hbm4b:s2+s5], $0x40, s17, s5, $0xb8;
	[tilespmem:$0x1CC80] =	vst v63  }
0x1b0: {  	_ =	swait.ge [sflag:s7], $0x800  }
0x1b1: {  	[sflag:s7] =	ssyncset.done $0x0  }
0x1b2: {  	[sflag:s7] =	ssyncadd.s32 $0xFFFFF800  }
0x1b3: {  	_ =	swait.ge [sflag:s9], $0x800  }
0x1b4: {  	[sflag:s9] =	ssyncset.done $0x0  }
0x1b5: {  	[sflag:s9] =	ssyncadd.s32 $0xFFFFF800  }
0x1b6: {  	[spmem:s3] =	stream.indirect.scatter.add.f32 [tilespmem:s18], [sflag:$0xE], $0x40, s16, s5, $0xb8;
	[tilespmem:$0x1CC80] =	vst v63  }
0x1b7: {  	_ =	swait.ge [sflag:s20], $0x800  }
0x1b8: {  	[sflag:s20] =	ssyncset.done $0x0  }
0x1b9: {  	[sflag:s20] =	ssyncadd.s32 $0xFFFFF800  }
0x1ba: {  	[spmem:s3] =	stream.indirect.scatter.add.f32 [tilespmem:s19], [sflag:$0xE], $0x40, s15, s5, $0xb8;
	[tilespmem:$0x1CC80] =	vst v63  }
0x1bb: {  	_ =	swait.ge [sflag:s20], $0x800  }
0x1bc: {  	[sflag:s20] =	ssyncset.done $0x0  }
0x1bd: {  	[sflag:s20] =	ssyncadd.s32 $0xFFFFF800  }
0x1be: {  	s16 =	stileid.u32;
	[bflag:$0x0] =	sbarrier.arrive $0xFFFF  }
0x1bf: {  	s5 =	sshll.u32 s16, $0x6;
	s19 =	simm.s32 $0x10;
	s17 =	rddreg [dreg:$0x1c]  }
0x1c0: {  	s5 =	sor.u32 $0x1C0E, s5;
	s18 =	rddreg [dreg:$0x1f];
	s15 =	sshrl.u32 s17, $0x3  }
0x1c1: {  	[hbm:s18@s19], [sflag:s5] =	dma.strided [spmem:s15@s13], $0x1400, s22, $0x8   }
0x1c2: {  	_ =	swait.ge [sflag:s20], $0x1400  }
0x1c3: {  	s18 =	sld [smem:$0x7F3]  }
0x1c4: {  	s19 =	sld [smem:$0x7F4];
	_ =	sdelay $0x1  }
0x1c5: {  	s15 =	sadd.s32 $0x1, s18  }
0x1c6: {  	p0 =	sne.s32 s15, s19  }
.Ltmp2:
0x1c7: {  	_ = 	snop;
	(pc) =	sbr.rel @p0 .LBB2_1-.Ltmp2, $3  }
0x1c8: {  	_ =	sdelay $0x1  }
0x1c9: {  	[sflag:s20] =	ssyncset.done $0x0  }
0x1ca: {  	[sflag:s20] =	ssyncadd.s32 $0xFFFFEC00  }
0x1cb: {  	_ =	sfence.sel $0x180000  }
0x1cc: {  	[bflag:$0x0] =	sbarrier.arrive $0xFFFF  }
0x1cd: {  	_ =	strace $0x9000004A  }
0x1ce: {  	s0 =	stileid.u32;
	[bflag:$0x2] =	sbarrier.arrive $0xFFFF  }
0x1cf: {  	p0 =	sne.s32 s0, $0x0;
	s0 =	rddreg [dreg:$0x3]  }
0x1d0: {  	s0 =	sadd.s32 @!p0 $0x100000, s0  }
0x1d1: {  	[sflag:s0] =	ssyncadd.tile.s32 @!p0 $0x1;
	_ =	shalt  }
.Lfunc_end2:
_tile_overlayer_lowered:
.L_overlay_start_2:
0x1d2: {  	(tag) =	ssettag $0x2  }
0x1d3: {  	s0 =	rddreg [dreg:$0x0];
	s2 =	stileid.u32  }
0x1d4: {  	s1 =	rddreg [dreg:$0x1];
	p0 =	sne.s32 s2, $0x0  }
0x1d5: {  	s3 =	rddreg [dreg:$0x2];
	[bflag:$0x3] =	sbarrier.arrive $0xFFFF;
	s2 =	simm.s32 @!p0 $0x1C0E  }
0x1d6: {  	[timem:s3], [sflag:s2] =	dma.local @!p0 [hbm:s0], s1  }
0x1d7: {  	s0 =	simm.s32 @!p0 $0xE  }
0x1d8: {  	_ =	swait.ge @!p0 [sflag:s0], s1  }
0x1d9: {  	s1 =	ssub.s32 @!p0 $0x0, s1;
	[sflag:s0] =	ssyncset.done @!p0 $0x0  }
0x1da: {  	[sflag:s0] =	ssyncadd.s32 @!p0 s1  }
0x1db: {  	[bflag:$0x3] =	sbarrier.arrive $0xFFFF  }
0x1dc: {  	_ =	shalt  }

// kernel: kernel.7.cloned.1.call-start
scs
__scs_entry_jumppad:
0x0: {  	(pc) =	sbr.rel $0x88, $3  }
0x1: {  	(tag) =	ssettag $0x0;
	lr =	simm.s32 $0x1  }
0x2: {  	[smem:$0x3F9D] =	sst lr;
	_ =	strace $0xD0000000  }
0x3: {  	_ = 	snop  }
0x4: {  	_ = 	snop  }
0x5: {  	_ = 	snop  }
0x6: {  	_ = 	snop  }
0x7: {  	_ = 	snop  }
__scs_overlays_trampoline_lowered:
0x8: {  	[smem:$0x3FAC] =	sst s0  }
0x9: {  	[smem:$0x3FAD] =	sst s1  }
0xa: {  	[smem:$0x3FAE] =	sst s2  }
0xb: {  	[smem:$0x3FAF] =	sst s3  }
0xc: {  	[smem:$0x3FB0] =	sst s4  }
0xd: {  	[smem:$0x3FB1] =	sst s5  }
0xe: {  	[smem:$0x3FB2] =	sst s6  }
0xf: {  	[smem:$0x3FB3] =	sst s7  }
0x10: {  	[smem:$0x3FB4] =	sst s8  }
0x11: {  	[smem:$0x3FB5] =	sst s9;
	s0 =	simm.s32 @!p0 $0x0  }
0x12: {  	s1 =	sld [smem:$0x3F9B];
	s0 =	simm.s32 @p0 $0x1  }
0x13: {  	[smem:$0x3FB6] =	sst s0;
	s0 =	simm.s32 @!p1 $0x0  }
0x14: {  	s2 =	sld [smem:$0x3F9A];
	s0 =	simm.s32 @p1 $0x1  }
0x15: {  	[smem:$0x3FB7] =	sst s0;
	s0 =	simm.s32 @!p2 $0x0  }
0x16: {  	s3 =	sld [smem:$0x3FDB];
	s0 =	simm.s32 @p2 $0x1  }
0x17: {  	s4 =	simm.s32 $0x1BF5;
	[smem:$0x3FB9] =	sst s0  }
0x18: {  	s0 =	sld [smem:$0x3F9C];
	_ =	swait.ge [sflag:s4], $0x0  }
0x19: {  	s7 =	sld [smem:$0x3F9D]  }
0x1a: {  	s8 =	sadd.s32 $0xFFFFE003, lr  }
0x1b: {  	s9 =	sadd.s32 $0xFFFFFEF7, lr;
	s5 =	simm.s32 $0xFFFFFFFF;
	p2 =	slt.u32 s8, $0xFFFFF086  }
0x1c: {  	p1 =	slt.u32 s9, $0xF7A;
	s5 =	simm.s32 @!p2 $0x0  }
0x1d: {  	s5 =	simm.s32 @p1 $0x1;
	p0 =	seq.s32 s7, s2  }
0x1e: {  	s7 =	smul.u32 @!p0 $0xF7A, s2;
	p2 =	seq.s32 @!p0 s5, $0x0  }
0x1f: {  	s9 =	smul.u32 $0xF7A, s1;
	s8 =	simm.s32 @!p0 $0x1BF5;
	p2 =	por !p2, p0  }
0x20: {  	[sflag:s8] =	ssyncset.s32 @!p0 $0xFFFFF086;
	s6 =	sadd.s32 @!p0 s3, s7;
	s7 =	simm.s32 @!p0 $0x108  }
0x21: {  	s3 =	sadd.s32 s3, s9;
	s6 =	sadd.s32 @!p0 $0x88, s6;
	s7 =	simm.s32 @p2 $0x1082  }
0x22: {  	[simem:s7], [sflag:s8] =	dma.local @!p0 [hbm:s6], $0xF7A  }
0x23: {  	s9 =	sor.u32 $0xD0000000, s2;
	s6 =	simm.s32 $0x108;
	_ =	swait.ge @!p0 [sflag:s8], $0x0  }
0x24: {  	s3 =	sadd.s32 $0x88, s3;
	s6 =	simm.s32 @!p1 $0x1082;
	[sflag:s4] =	ssyncset.s32 $0xFFFFF086  }
0x25: {  	[simem:s6], [sflag:s4] =	dma.local [hbm:s3], $0xF7A  }
0x26: {  	[smem:$0x3F9D] =	sst s1;
	(tag) =	ssettag s2;
	_ =	strace s9  }
0x27: {  	s1 =	sld [smem:$0x3FAD]  }
0x28: {  	s2 =	sld [smem:$0x3FAE]  }
0x29: {  	s4 =	sld [smem:$0x3FB0]  }
0x2a: {  	p0 =	seq.s32 s5, $0x0;
	s5 =	sld [smem:$0x3FB1]  }
0x2b: {  	s6 =	sld [smem:$0x3FB2]  }
0x2c: {  	s7 =	sld [smem:$0x3FB3]  }
0x2d: {  	s3 =	simm.s32 $0x108;
	s8 =	sld [smem:$0x3FB4]  }
0x2e: {  	s3 =	simm.s32 @!p0 $0x1082;
	s9 =	sld [smem:$0x3FB5]  }
0x2f: {  	lr =	sadd.s32 s0, s3;
	s0 =	sld [smem:$0x3FAC]  }
0x30: {  	s3 =	sld [smem:$0x3FAF]  }
0x31: {  	[smem:$0x3FB8] =	sst s10  }
0x32: {  	s10 =	sld [smem:$0x3FB6];
	_ =	sdelay $0x3  }
0x33: {  	p0 =	seq.s32 s10, $0x1;
	s10 =	sld [smem:$0x3FB8];
	_ =	sdelay $0x3  }
0x34: {  	[smem:$0x3FB8] =	sst s10  }
0x35: {  	s10 =	sld [smem:$0x3FB7];
	_ =	sdelay $0x3  }
0x36: {  	p1 =	seq.s32 s10, $0x1;
	s10 =	sld [smem:$0x3FB8];
	_ =	sdelay $0x3  }
0x37: {  	[smem:$0x3FB8] =	sst s10  }
0x38: {  	s10 =	sld [smem:$0x3FB9]  }
0x39: {  	_ = 	snop;
	(pc) =	sbr.ind lr, $3  }
0x3a: {  	_ = 	snop  }
0x3b: {  	_ = 	snop  }
0x3c: {  	p2 =	seq.s32 s10, $0x1;
	s10 =	sld [smem:$0x3FB8]  }
0x3d: {  	_ =	shalt  }
0x3e: {  	_ =	shalt  }
0x3f: {  	_ =	shalt  }
0x40: {  	_ =	shalt  }
0x41: {  	_ =	shalt  }
0x42: {  	_ =	shalt  }
0x43: {  	_ =	shalt  }
0x44: {  	_ =	shalt  }
0x45: {  	_ =	shalt  }
0x46: {  	_ =	shalt  }
0x47: {  	_ =	shalt  }
0x48: {  	_ =	shalt  }
0x49: {  	_ =	shalt  }
0x4a: {  	_ =	shalt  }
0x4b: {  	_ =	shalt  }
0x4c: {  	_ =	shalt  }
0x4d: {  	_ =	shalt  }
0x4e: {  	_ =	shalt  }
0x4f: {  	_ =	shalt  }
0x50: {  	_ =	shalt  }
0x51: {  	_ =	shalt  }
0x52: {  	_ =	shalt  }
0x53: {  	_ =	shalt  }
0x54: {  	_ =	shalt  }
0x55: {  	_ =	shalt  }
0x56: {  	_ =	shalt  }
0x57: {  	_ =	shalt  }
0x58: {  	_ =	shalt  }
0x59: {  	_ =	shalt  }
0x5a: {  	_ =	shalt  }
0x5b: {  	_ =	shalt  }
0x5c: {  	_ =	shalt  }
0x5d: {  	_ =	shalt  }
0x5e: {  	_ =	shalt  }
0x5f: {  	_ =	shalt  }
0x60: {  	_ =	shalt  }
0x61: {  	_ =	shalt  }
0x62: {  	_ =	shalt  }
0x63: {  	_ =	shalt  }
0x64: {  	_ =	shalt  }
0x65: {  	_ =	shalt  }
0x66: {  	_ =	shalt  }
0x67: {  	_ =	shalt  }
0x68: {  	_ =	shalt  }
0x69: {  	_ =	shalt  }
0x6a: {  	_ =	shalt  }
0x6b: {  	_ =	shalt  }
0x6c: {  	_ =	shalt  }
0x6d: {  	_ =	shalt  }
0x6e: {  	_ =	shalt  }
0x6f: {  	_ =	shalt  }
0x70: {  	_ =	shalt  }
0x71: {  	_ =	shalt  }
0x72: {  	_ =	shalt  }
0x73: {  	_ =	shalt  }
0x74: {  	_ =	shalt  }
0x75: {  	_ =	shalt  }
0x76: {  	_ =	shalt  }
0x77: {  	_ =	shalt  }
0x78: {  	_ =	shalt  }
0x79: {  	_ =	shalt  }
0x7a: {  	_ =	shalt  }
0x7b: {  	_ =	shalt  }
0x7c: {  	_ =	shalt  }
0x7d: {  	_ =	shalt  }
0x7e: {  	_ =	shalt  }
0x7f: {  	_ =	shalt  }
0x80: {  	_ =	shalt  }
0x81: {  	_ =	shalt  }
0x82: {  	_ =	shalt  }
0x83: {  	_ =	shalt  }
0x84: {  	_ =	shalt  }
0x85: {  	_ =	shalt  }
0x86: {  	_ =	shalt  }
0x87: {  	_ =	shalt  }
.Lfunc_end0:
.L_simem_size_0:
called_computation_lowered:
.L_overlay_start_0:
0x88: {  	s2 =	sld [smem:$0x3FD9]  }
0x89: {  	s3 =	sld [smem:$0x3FFE];
	_ =	sdelay $0x1  }
0x8a: {  	s1 =	srdreg.scid  }
0x8b: {  	s0 =	sand.u32 $0x1, s1  }
0x8c: {  	s17 =	sshll.u32 s0, $0xA;
	s2 =	sadd.s32 s3, s2  }
0x8d: {  	s2 =	sadd.s32 s2, s17  }
0x8e: {  	[smem:$0x3FC4] =	sst s2  }
0x8f: {  	_ = 	snop  }
0x90: {  	s2 =	sld [smem:$0x3FD0];
	(tm) =	ssettm $0x1  }
0x91: {  	s18 =	sld [smem:$0x3FFB];
	_ =	sdelay $0x3  }
0x92: {  	_ =	strace s18  }
0x93: {  	s3 =	sld [smem:$0x3FFC];
	_ =	sdelay $0x3  }
0x94: {  	_ =	strace s3  }
0x95: {  	s3 =	sld [smem:$0x3FFD];
	_ =	sdelay $0x3  }
0x96: {  	_ =	strace s3  }
0x97: {  	_ =	strace $0x8FFFFFFF  }
0x98: {  	s19 =	sld [smem:$0x3FDB];
	_ =	sdelay $0x1  }
0x99: {  	s4 =	simm.s32 $_scs_section_size  }
0x9a: {  	s5 =	simm.s32 $_size__tile_overlayer_lowered;
	s6 =	simm.s32 $_tile_overlayer_lowered  }
0x9b: {  	s22 =	simm.s32 $0x1BFF;
	s21 =	sshll.u32 s6, $0x1;
	s3 =	sadd.s32 s4, s19  }
0x9c: {  	s7 =	simm.s32 $0x0;
	s20 =	sshll.u32 s5, $0x1;
	s5 =	sadd.s32 s21, s3  }
0x9d: {  	[timem:s7], [sflag:s22] =	dma.local [hbm:s5], s20  }
0x9e: {  	_ =	swait.ge [sflag:s22], s20  }
0x9f: {  	s4 =	ssub.s32 $0x0, s20;
	[sflag:s22] =	ssyncset.done $0x0  }
0xa0: {  	[sflag:s22] =	ssyncadd.s32 s4;
	_ =	sdelay $0x1  }
0xa1: {  	s23 =	simm.s32 $0x1B8B  }
0xa2: {  	_ =	swait.ge [sflag:s23], $0x1  }
0xa3: {  	[sflag:s23] =	ssyncset.done $0x0  }
0xa4: {  	s25 =	simm.s32 $0x1B8E;
	s24 =	sld [smem:$0x3FFE];
	[sflag:s23] =	ssyncadd.s32 $0xFFFFFFFF  }
0xa5: {  	s26 =	simm.s32 $execute0_lowered;
	[smem:$0x3FD2] =	sst s25  }
0xa6: {  	s5 =	sshll.u32 s26, $0x1;
	_ =	strace $0x80000046;
	[dreg:$0x1] =	wrdreg $0xFFFFFFFF  }
0xa7: {  	s28 =	simm.s32 $_size_execute0_lowered;
	s3 =	sadd.s32 s3, s5;
	[dreg:$0x0] =	wrdreg $0x0  }
0xa8: {  	s5 =	sshll.u32 s28, $0x1;
	[dreg:$0x2] =	wrdreg s3  }
0xa9: {  	[dreg:$0x3] =	wrdreg s5  }
0xaa: {  	[dreg:$0x4] =	wrdreg $0xC0  }
0xab: {  	_ =	task [dreg:s7], $0x5FFFF  }
0xac: {  	[dreg:$0x1] =	wrdreg $0xFFFFFFFF  }
0xad: {  	[dreg:$0x0] =	wrdreg $0x60  }
0xae: {  	[dreg:$0x2] =	wrdreg s24  }
0xaf: {  	[dreg:$0x3] =	wrdreg s2  }
0xb0: {  	[dreg:$0x4] =	wrdreg $0x7000  }
0xb1: {  	[dreg:$0x5] =	wrdreg $0x9  }
0xb2: {  	_ =	task.clear_ibuf [dreg:s7], $0x6FFFF;
	_ =	strace $0x90000046  }
0xb3: {  	s29 =	simm.s32 $0x9;
	_ =	strace $0x80000048  }
0xb4: {  	_ =	swait.ge [sflag:s29], $0x1  }
0xb5: {  	[sflag:s29] =	ssyncadd.s32 $0xFFFFFFFF  }
0xb6: {  	_ =	strace $0x90000048  }
0xb7: {  	_ =	sfence  }
0xb8: {  	s30 =	sld [smem:$0x0];
	_ =	sdelay $0x2  }
0xb9: {  	s31 =	sshll.u32 s1, $0xD;
	s1 =	sshrl.u32 s1, $0x2  }
0xba: {  	s3 =	sand.u32 $0x4000, s31;
	s1 =	sadd.s32 s1, s30  }
0xbb: {  	s0 =	sor.u32 s3, s0;
	s1 =	sshll.u32 s1, $0x11  }
0xbc: {  	s0 =	sor.u32 s1, s0  }
0xbd: {  	s0 =	sadd.s32 $0x8F2B, s0  }
0xbe: {  	[sflag:s0] =	ssyncadd.remote.s32 $0x1  }
0xbf: {  	_ =	sfence.sel $0xFFFF  }
0xc0: {  	[dreg:$0x0] =	wrdreg $0xFFFFFFFF;
	(pc) =	sbr.abs _section_cstart, $3  }
0xc1: {  	[dreg:$0x1] =	wrdreg $0xFFFFFFFF  }
0xc2: {  	_ =	task.clear_ibuf [dreg:s7], $0x2FFFF;
	_ =	strace $0x9FFFFFFF  }
0xc3: {  	(tm) =	ssettm $0x7FFFFFFF  }
tec
execute0_lowered:
.L_overlay_start_1:
0x0: {  	(tag) =	ssettag $0x1  }
0x1: {  	s0 =	rddreg [dreg:$0x0]  }
0x2: {  	s1 =	rddreg [dreg:$0x1]  }
0x3: {  	s2 =	rddreg [dreg:$0x2];
	s3 =	simm.s32 $0x0  }
0x4: {  	s4 =	srdreg.scid;
	s11 =	stileid.u32;
	s28 =	simm.s32 $0x2  }
0x5: {  	s29 =	simm.s32 $0x3;
	s30 =	simm.s32 $0x4;
	s31 =	simm.s32 $0x5  }
0x6: {  	[smem:$0x7FF] =	sst s3;
	s5 =	sand.u32 $0x1, s4;
	s6 =	smul.u32 $0xA00, s11  }
0x7: {  	s23 =	sshll.u32 s11, $0x1;
	s14 =	sadd.s32 $0xAE00, s0;
	s9 =	smul.u32 $0x4E20, s11  }
0x8: {  	s0 =	sadd.s32 $0x1000, s0;
	s12 =	smul.u32 $0x500, s11;
	_ =	strace $0x80000047  }
0x9: {  	s4 =	sor.u32 s5, s23;
	s7 =	ssub.s32 $0x2, s5;
	s26 =	smul.u32 $0x2710, s5  }
0xa: {  	s5 =	sshll.u32 s5, $0x7;
	s8 =	smul.u32 $0x2710, s4;
	s24 =	sshrl.u32 s7, $0x1  }
0xb: {  	s25 =	sshrl.u32 s6, $0x2;
	s5 =	sor.u32 s5, s12;
	s10 =	ssub.s32 s7, s24  }
0xc: {  	s4 =	sadd.s32 s25, s2;
	s13 =	sadd.s32 s26, s9;
	s5 =	sshrl.u32 s5, $0x3  }
0xd: {  	s8 =	sshrl.u32 s8, $0x3;
	s16 =	sadd.s32 $0xF0, s13;
	s1 =	sadd.s32 s1, s5  }
0xe: {  	s19 =	smax.u32 s10, $0x1;
	s22 =	sadd.s32 $0xA0, s13;
	s24 =	sadd.s32 $0x50, s13  }
0xf: {  	s26 =	sshrl.u32 s13, $0x3;
	s7 =	sadd.s32 $0x4D8, s8;
	[dreg:$0x8] =	wrdreg s1  }
0x10: {  	s18 =	sshrl.u32 s16, $0x3;
	[dreg:$0x9] =	wrdreg s19;
	s23 =	sshrl.u32 s22, $0x3  }
0x11: {  	s25 =	sshrl.u32 s24, $0x3;
	s13 =	sadd.s32 s26, s0;
	s16 =	simm.s32 $0x6  }
0x12: {  	s19 =	simm.s32 $0x280;
	s22 =	simm.s32 $0x180;
	s24 =	simm.s32 $0x1  }
0x13: {  	s1 =	simm.s32 $0x0;
	s15 =	sadd.s32 s14, s7;
	s17 =	sadd.s32 s0, s7  }
0x14: {  	s20 =	sadd.s32 s18, s0;
	s21 =	sadd.s32 s18, s14;
	s9 =	sadd.s32 s23, s0  }
0x15: {  	s10 =	sadd.s32 s23, s14;
	s11 =	sadd.s32 s25, s0;
	[dreg:$0x6] =	wrdreg s15  }
0x16: {  	s12 =	sadd.s32 s25, s14;
	s14 =	sadd.s32 s26, s14;
	[dreg:$0x7] =	wrdreg s17  }
0x17: {  	s18 =	simm.s32 $0x80;
	s23 =	simm.s32 $0x380;
	[dreg:$0x4] =	wrdreg s20  }
0x18: {  	s25 =	simm.s32 $0x50;
	s26 =	simm.s32 $0x400;
	[dreg:$0x5] =	wrdreg s21  }
0x19: {  	v0 =	vimm.f32 $1.000000000e+00;
	v1 =	vimm.f32 $0.0e+00;
	s17 =	simm.s32 $0x200;
	s20 =	simm.s32 $0x100;
	s21 =	simm.s32 $0x300  }
.LBB2_1:
0x1a: {  	[tilespmem:$0x400] =	vst v0  }
0x1b: {  	[tilespmem:$0x410] =	vst v0  }
0x1c: {  	[tilespmem:$0x420] =	vst v0  }
0x1d: {  	[tilespmem:$0x430] =	vst v0  }
0x1e: {  	[tilespmem:$0x440] =	vst v0  }
0x1f: {  	[tilespmem:$0x480] =	vst v1  }
0x20: {  	[tilespmem:$0x490] =	vst v1  }
0x21: {  	[tilespmem:$0x4A0] =	vst v1  }
0x22: {  	[tilespmem:$0x4B0] =	vst v1  }
0x23: {  	[tilespmem:$0x4C0] =	vst v1  }
0x24: {  	[tilespmem:$0x4D0] =	vst v1  }
0x25: {  	[tilespmem:$0x4E0] =	vst v1  }
0x26: {  	[tilespmem:$0x4F0] =	vst v1  }
0x27: {  	[tilespmem:$0x500] =	vst v1  }
0x28: {  	[tilespmem:$0x510] =	vst v1  }
0x29: {  	[tilespmem:$0x520] =	vst v1  }
0x2a: {  	[tilespmem:$0x530] =	vst v1  }
0x2b: {  	[tilespmem:$0x540] =	vst v1  }
0x2c: {  	[tilespmem:$0x550] =	vst v1  }
0x2d: {  	[tilespmem:$0x560] =	vst v1  }
0x2e: {  	[tilespmem:$0x570] =	vst v1  }
0x2f: {  	[tilespmem:$0x580] =	vst v1  }
0x30: {  	[tilespmem:$0x590] =	vst v1  }
0x31: {  	[tilespmem:$0x5A0] =	vst v1  }
0x32: {  	[tilespmem:$0x5B0] =	vst v1  }
0x33: {  	[tilespmem:$0x5C0] =	vst v1  }
0x34: {  	[tilespmem:$0x5D0] =	vst v1  }
0x35: {  	[tilespmem:$0x5E0] =	vst v1  }
0x36: {  	[tilespmem:$0x5F0] =	vst v1  }
0x37: {  	[tilespmem:$0x600] =	vst v1  }
0x38: {  	[tilespmem:$0x610] =	vst v1  }
0x39: {  	[tilespmem:$0x620] =	vst v1  }
0x3a: {  	[tilespmem:$0x630] =	vst v1  }
0x3b: {  	[tilespmem:$0x640] =	vst v1  }
0x3c: {  	[tilespmem:$0x650] =	vst v1  }
0x3d: {  	[tilespmem:$0x660] =	vst v1  }
0x3e: {  	[tilespmem:$0x670] =	vst v1  }
0x3f: {  	[tilespmem:$0x680] =	vst v1  }
0x40: {  	[tilespmem:$0x690] =	vst v1  }
0x41: {  	[tilespmem:$0x6A0] =	vst v1  }
0x42: {  	[tilespmem:$0x6B0] =	vst v1  }
0x43: {  	[tilespmem:$0x6C0] =	vst v1  }
0x44: {  	[tilespmem:$0x6D0] =	vst v1  }
0x45: {  	[tilespmem:$0x6E0] =	vst v1  }
0x46: {  	[tilespmem:$0x6F0] =	vst v1;
	s0 =	simm.s32 $0x480  }
0x47: {  	[spmem:s4] =	stream.linear.scatter [tilespmem:s0], [sflag:$0x6], $0x280, $0x38;
	[tilespmem:$0x980] =	vst v63  }
0x48: {  	_ =	swait.ge [sflag:s16], $0x280  }
0x49: {  	[sflag:s16] =	ssyncset.done $0x0  }
0x4a: {  	[sflag:s16] =	ssyncadd.s32 $0xFFFFFD80  }
0x4b: {  	s7 =	sadd.s32 $0x0, s14;
	[bflag:$0x0] =	sbarrier.arrive $0xFFFF  }
0x4c: {  	[tilespmem:s3], [sflag:$0x1] =	stream.linear.gather [hbm4b:s7+s3], $0x50, $0x38;
	[tilespmem:$0x980] =	vst v63  }
0x4d: {  	s8 =	sadd.s32 $0x0, s13  }
0x4e: {  	[tilespmem:s17], [sflag:$0x1] =	stream.linear.gather [hbm4b:s8+s3], $0x50, $0x38;
	[tilespmem:$0x980] =	vst v63  }
0x4f: {  	s15 =	sadd.s32 $0x0, s12  }
0x50: {  	[tilespmem:s18], [sflag:$0x2] =	stream.linear.gather [hbm4b:s15+s3], $0x50, $0x38;
	[tilespmem:$0x980] =	vst v63  }
0x51: {  	s5 =	sadd.s32 $0x0, s11  }
0x52: {  	[tilespmem:s19], [sflag:$0x2] =	stream.linear.gather [hbm4b:s5+s3], $0x50, $0x38;
	[tilespmem:$0x980] =	vst v63  }
0x53: {  	s6 =	sadd.s32 $0x0, s10  }
0x54: {  	[tilespmem:s20], [sflag:$0x3] =	stream.linear.gather [hbm4b:s6+s3], $0x50, $0x38;
	[tilespmem:$0x980] =	vst v63  }
0x55: {  	s7 =	rddreg [dreg:$0x5];
	s5 =	sadd.s32 $0x0, s9  }
0x56: {  	[tilespmem:s21], [sflag:$0x3] =	stream.linear.gather [hbm4b:s5+s3], $0x50, $0x38;
	[tilespmem:$0x980] =	vst v63  }
0x57: {  	s0 =	sadd.s32 $0x0, s7;
	s8 =	rddreg [dreg:$0x4]  }
0x58: {  	[tilespmem:s22], [sflag:$0x4] =	stream.linear.gather [hbm4b:s0+s3], $0x50, $0x38;
	[tilespmem:$0x980] =	vst v63  }
0x59: {  	s15 =	sadd.s32 $0x0, s8  }
0x5a: {  	[tilespmem:s23], [sflag:$0x4] =	stream.linear.gather [hbm4b:s15+s3], $0x50, $0x38;
	[tilespmem:$0x980] =	vst v63  }
0x5b: {  	_ =	swait.ge [sflag:s24], $0x50  }
0x5c: {  	[sflag:s24] =	ssyncset.done $0x0  }
0x5d: {  	[sflag:s24] =	ssyncadd.s32 $0xFFFFFFB0  }
0x5e: {  	_ =	swait.ge [sflag:s24], $0x50  }
0x5f: {  	[sflag:s24] =	ssyncset.done $0x0  }
0x60: {  	[sflag:s24] =	ssyncadd.s32 $0xFFFFFFB0  }
0x61: {  	[spmem:s2] =	stream.indirect.scatter.add.f32 [tilespmem:s26], [sflag:$0x5], $0x1, s3, s25, $0xb8;
	[tilespmem:$0x980] =	vst v63  }
0x62: {  	_ = 	snop  }
0x63: {  	[spmem:s2] =	stream.indirect.scatter.add.f32 [tilespmem:s26], [sflag:$0x5], $0x1, s17, s25, $0xb8;
	[tilespmem:$0x980] =	vst v63  }
0x64: {  	_ =	swait.ge [sflag:s28], $0x50  }
0x65: {  	[sflag:s28] =	ssyncset.done $0x0  }
0x66: {  	[sflag:s28] =	ssyncadd.s32 $0xFFFFFFB0  }
0x67: {  	_ =	swait.ge [sflag:s28], $0x50  }
0x68: {  	[sflag:s28] =	ssyncset.done $0x0  }
0x69: {  	[sflag:s28] =	ssyncadd.s32 $0xFFFFFFB0  }
0x6a: {  	[spmem:s2] =	stream.indirect.scatter.add.f32 [tilespmem:s26], [sflag:$0x5], $0x1, s18, s25, $0xb8;
	[tilespmem:$0x980] =	vst v63  }
0x6b: {  	_ = 	snop  }
0x6c: {  	[spmem:s2] =	stream.indirect.scatter.add.f32 [tilespmem:s26], [sflag:$0x5], $0x1, s19, s25, $0xb8;
	[tilespmem:$0x980] =	vst v63  }
0x6d: {  	_ =	swait.ge [sflag:s29], $0x50  }
0x6e: {  	[sflag:s29] =	ssyncset.done $0x0  }
0x6f: {  	[sflag:s29] =	ssyncadd.s32 $0xFFFFFFB0  }
0x70: {  	_ =	swait.ge [sflag:s29], $0x50  }
0x71: {  	[sflag:s29] =	ssyncset.done $0x0  }
0x72: {  	[sflag:s29] =	ssyncadd.s32 $0xFFFFFFB0  }
0x73: {  	[spmem:s2] =	stream.indirect.scatter.add.f32 [tilespmem:s26], [sflag:$0x5], $0x1, s20, s25, $0xb8;
	[tilespmem:$0x980] =	vst v63  }
0x74: {  	_ = 	snop  }
0x75: {  	[spmem:s2] =	stream.indirect.scatter.add.f32 [tilespmem:s26], [sflag:$0x5], $0x1, s21, s25, $0xb8;
	[tilespmem:$0x980] =	vst v63  }
0x76: {  	_ =	swait.ge [sflag:s30], $0x50  }
0x77: {  	[sflag:s30] =	ssyncset.done $0x0  }
0x78: {  	[sflag:s30] =	ssyncadd.s32 $0xFFFFFFB0  }
0x79: {  	_ =	swait.ge [sflag:s30], $0x50  }
0x7a: {  	[sflag:s30] =	ssyncset.done $0x0  }
0x7b: {  	[sflag:s30] =	ssyncadd.s32 $0xFFFFFFB0  }
0x7c: {  	[spmem:s2] =	stream.indirect.scatter.add.f32 [tilespmem:s26], [sflag:$0x5], $0x1, s22, s25, $0xb8;
	[tilespmem:$0x980] =	vst v63  }
0x7d: {  	_ = 	snop  }
0x7e: {  	[spmem:s2] =	stream.indirect.scatter.add.f32 [tilespmem:s26], [sflag:$0x5], $0x1, s23, s25, $0xb8;
	[tilespmem:$0x980] =	vst v63  }
0x7f: {  	_ =	swait.ge [sflag:s31], $0x50  }
0x80: {  	[sflag:s31] =	ssyncset.done $0x0  }
0x81: {  	[sflag:s31] =	ssyncadd.s32 $0xFFFFFFB0  }
0x82: {  	_ =	swait.ge [sflag:s31], $0x50  }
0x83: {  	[sflag:s31] =	ssyncset.done $0x0  }
0x84: {  	[sflag:s31] =	ssyncadd.s32 $0xFFFFFFB0  }
0x85: {  	_ =	swait.ge [sflag:s31], $0x50  }
0x86: {  	[sflag:s31] =	ssyncset.done $0x0  }
0x87: {  	[sflag:s31] =	ssyncadd.s32 $0xFFFFFFB0  }
0x88: {  	_ =	swait.ge [sflag:s31], $0x50  }
0x89: {  	[sflag:s31] =	ssyncset.done $0x0  }
0x8a: {  	[sflag:s31] =	ssyncadd.s32 $0xFFFFFFB0  }
0x8b: {  	_ =	swait.ge [sflag:s31], $0x50  }
0x8c: {  	[sflag:s31] =	ssyncset.done $0x0  }
0x8d: {  	[sflag:s31] =	ssyncadd.s32 $0xFFFFFFB0  }
0x8e: {  	_ =	swait.ge [sflag:s31], $0x50  }
0x8f: {  	[sflag:s31] =	ssyncset.done $0x0  }
0x90: {  	[sflag:s31] =	ssyncadd.s32 $0xFFFFFFB0  }
0x91: {  	_ =	swait.ge [sflag:s31], $0x50  }
0x92: {  	[sflag:s31] =	ssyncset.done $0x0  }
0x93: {  	[sflag:s31] =	ssyncadd.s32 $0xFFFFFFB0  }
0x94: {  	_ =	swait.ge [sflag:s31], $0x50  }
0x95: {  	s0 =	simm.s32 $0x28;
	s15 =	simm.s32 $0x50;
	[sflag:s31] =	ssyncset.done $0x0  }
.LBB2_2:
0x96: {  	s6 =	sadd.s32 s0, s14;
	[sflag:s31] =	ssyncadd.s32 $0xFFFFFFB0;
	s7 =	smov.u32 s15  }
0x97: {  	[tilespmem:s3], [sflag:$0x1] =	stream.linear.gather [hbm4b:s6+s3], $0x50, $0x38;
	[tilespmem:$0x980] =	vst v63  }
0x98: {  	s5 =	sadd.s32 $0x28, s15;
	p0 =	sne.s32 s15, $0x4B0;
	s15 =	sadd.s32 s0, s13  }
0x99: {  	[tilespmem:s17], [sflag:$0x1] =	stream.linear.gather [hbm4b:s15+s3], $0x50, $0x38;
	[tilespmem:$0x980] =	vst v63  }
0x9a: {  	s8 =	sadd.s32 s0, s12  }
0x9b: {  	[tilespmem:s18], [sflag:$0x2] =	stream.linear.gather [hbm4b:s8+s3], $0x50, $0x38;
	[tilespmem:$0x980] =	vst v63  }
0x9c: {  	s15 =	sadd.s32 s0, s11  }
0x9d: {  	[tilespmem:s19], [sflag:$0x2] =	stream.linear.gather [hbm4b:s15+s3], $0x50, $0x38;
	[tilespmem:$0x980] =	vst v63  }
0x9e: {  	s8 =	sadd.s32 s0, s10  }
0x9f: {  	[tilespmem:s20], [sflag:$0x3] =	stream.linear.gather [hbm4b:s8+s3], $0x50, $0x38;
	[tilespmem:$0x980] =	vst v63  }
0xa0: {  	s6 =	sadd.s32 s0, s9;
	s15 =	rddreg [dreg:$0x5]  }
0xa1: {  	[tilespmem:s21], [sflag:$0x3] =	stream.linear.gather [hbm4b:s6+s3], $0x50, $0x38;
	[tilespmem:$0x980] =	vst v63  }
0xa2: {  	s15 =	sadd.s32 s0, s15;
	s8 =	rddreg [dreg:$0x4]  }
0xa3: {  	[tilespmem:s22], [sflag:$0x4] =	stream.linear.gather [hbm4b:s15+s3], $0x50, $0x38;
	[tilespmem:$0x980] =	vst v63  }
0xa4: {  	s15 =	sadd.s32 s0, s8  }
0xa5: {  	[tilespmem:s23], [sflag:$0x4] =	stream.linear.gather [hbm4b:s15+s3], $0x50, $0x38;
	[tilespmem:$0x980] =	vst v63  }
0xa6: {  	_ =	swait.ge [sflag:s24], $0x50  }
0xa7: {  	[sflag:s24] =	ssyncset.done $0x0  }
0xa8: {  	[sflag:s24] =	ssyncadd.s32 $0xFFFFFFB0  }
0xa9: {  	_ =	swait.ge [sflag:s24], $0x50  }
0xaa: {  	[sflag:s24] =	ssyncset.done $0x0  }
0xab: {  	[sflag:s24] =	ssyncadd.s32 $0xFFFFFFB0  }
0xac: {  	[spmem:s2] =	stream.indirect.scatter.add.f32 [tilespmem:s26], [sflag:$0x5], $0x1, s3, s25, $0xb8;
	[tilespmem:$0x980] =	vst v63  }
0xad: {  	_ = 	snop  }
0xae: {  	[spmem:s2] =	stream.indirect.scatter.add.f32 [tilespmem:s26], [sflag:$0x5], $0x1, s17, s25, $0xb8;
	[tilespmem:$0x980] =	vst v63  }
0xaf: {  	_ =	swait.ge [sflag:s28], $0x50  }
0xb0: {  	[sflag:s28] =	ssyncset.done $0x0  }
0xb1: {  	[sflag:s28] =	ssyncadd.s32 $0xFFFFFFB0  }
0xb2: {  	_ =	swait.ge [sflag:s28], $0x50  }
0xb3: {  	[sflag:s28] =	ssyncset.done $0x0  }
0xb4: {  	[sflag:s28] =	ssyncadd.s32 $0xFFFFFFB0  }
0xb5: {  	[spmem:s2] =	stream.indirect.scatter.add.f32 [tilespmem:s26], [sflag:$0x5], $0x1, s18, s25, $0xb8;
	[tilespmem:$0x980] =	vst v63  }
0xb6: {  	_ = 	snop  }
0xb7: {  	[spmem:s2] =	stream.indirect.scatter.add.f32 [tilespmem:s26], [sflag:$0x5], $0x1, s19, s25, $0xb8;
	[tilespmem:$0x980] =	vst v63  }
0xb8: {  	_ =	swait.ge [sflag:s29], $0x50  }
0xb9: {  	[sflag:s29] =	ssyncset.done $0x0  }
0xba: {  	[sflag:s29] =	ssyncadd.s32 $0xFFFFFFB0  }
0xbb: {  	_ =	swait.ge [sflag:s29], $0x50  }
0xbc: {  	[sflag:s29] =	ssyncset.done $0x0  }
0xbd: {  	[sflag:s29] =	ssyncadd.s32 $0xFFFFFFB0  }
0xbe: {  	[spmem:s2] =	stream.indirect.scatter.add.f32 [tilespmem:s26], [sflag:$0x5], $0x1, s20, s25, $0xb8;
	[tilespmem:$0x980] =	vst v63  }
0xbf: {  	_ = 	snop  }
0xc0: {  	[spmem:s2] =	stream.indirect.scatter.add.f32 [tilespmem:s26], [sflag:$0x5], $0x1, s21, s25, $0xb8;
	[tilespmem:$0x980] =	vst v63  }
0xc1: {  	_ =	swait.ge [sflag:s30], $0x50  }
0xc2: {  	[sflag:s30] =	ssyncset.done $0x0  }
0xc3: {  	[sflag:s30] =	ssyncadd.s32 $0xFFFFFFB0  }
0xc4: {  	_ =	swait.ge [sflag:s30], $0x50  }
0xc5: {  	[sflag:s30] =	ssyncset.done $0x0  }
0xc6: {  	[sflag:s30] =	ssyncadd.s32 $0xFFFFFFB0  }
0xc7: {  	[spmem:s2] =	stream.indirect.scatter.add.f32 [tilespmem:s26], [sflag:$0x5], $0x1, s22, s25, $0xb8;
	[tilespmem:$0x980] =	vst v63  }
0xc8: {  	_ = 	snop  }
0xc9: {  	[spmem:s2] =	stream.indirect.scatter.add.f32 [tilespmem:s26], [sflag:$0x5], $0x1, s23, s25, $0xb8;
	[tilespmem:$0x980] =	vst v63  }
0xca: {  	_ =	swait.ge [sflag:s31], $0x50  }
0xcb: {  	[sflag:s31] =	ssyncset.done $0x0  }
0xcc: {  	[sflag:s31] =	ssyncadd.s32 $0xFFFFFFB0  }
0xcd: {  	_ =	swait.ge [sflag:s31], $0x50  }
0xce: {  	[sflag:s31] =	ssyncset.done $0x0  }
0xcf: {  	[sflag:s31] =	ssyncadd.s32 $0xFFFFFFB0  }
0xd0: {  	_ =	swait.ge [sflag:s31], $0x50  }
0xd1: {  	[sflag:s31] =	ssyncset.done $0x0  }
0xd2: {  	[sflag:s31] =	ssyncadd.s32 $0xFFFFFFB0  }
0xd3: {  	_ =	swait.ge [sflag:s31], $0x50  }
0xd4: {  	[sflag:s31] =	ssyncset.done $0x0  }
0xd5: {  	[sflag:s31] =	ssyncadd.s32 $0xFFFFFFB0  }
0xd6: {  	_ =	swait.ge [sflag:s31], $0x50  }
0xd7: {  	[sflag:s31] =	ssyncset.done $0x0  }
0xd8: {  	[sflag:s31] =	ssyncadd.s32 $0xFFFFFFB0  }
0xd9: {  	_ =	swait.ge [sflag:s31], $0x50  }
0xda: {  	[sflag:s31] =	ssyncset.done $0x0  }
0xdb: {  	[sflag:s31] =	ssyncadd.s32 $0xFFFFFFB0  }
.Ltmp0:
0xdc: {  	_ =	swait.ge [sflag:s31], $0x50;
	(pc) =	sbr.rel @p0 .LBB2_2-.Ltmp0, $4  }
0xdd: {  	[sflag:s31] =	ssyncset.done $0x0  }
0xde: {  	[sflag:s31] =	ssyncadd.s32 $0xFFFFFFB0  }
0xdf: {  	_ =	swait.ge [sflag:s31], $0x50  }
0xe0: {  	s0 =	smov.u32 s7;
	s15 =	smov.u32 s5;
	[sflag:s31] =	ssyncset.done $0x0  }
0xe1: {  	s5 =	sadd.s32 s0, s14;
	[sflag:s31] =	ssyncadd.s32 $0xFFFFFFB0  }
0xe2: {  	[tilespmem:s3], [sflag:$0x1] =	stream.linear.gather [hbm4b:s5+s3], $0x50, $0x38;
	[tilespmem:$0x980] =	vst v63  }
0xe3: {  	s8 =	sadd.s32 s0, s13  }
0xe4: {  	[tilespmem:s17], [sflag:$0x1] =	stream.linear.gather [hbm4b:s8+s3], $0x50, $0x38;
	[tilespmem:$0x980] =	vst v63  }
0xe5: {  	s15 =	sadd.s32 s0, s12  }
0xe6: {  	[tilespmem:s18], [sflag:$0x2] =	stream.linear.gather [hbm4b:s15+s3], $0x50, $0x38;
	[tilespmem:$0x980] =	vst v63  }
0xe7: {  	s6 =	sadd.s32 s0, s11  }
0xe8: {  	[tilespmem:s19], [sflag:$0x2] =	stream.linear.gather [hbm4b:s6+s3], $0x50, $0x38;
	[tilespmem:$0x980] =	vst v63  }
0xe9: {  	s7 =	sadd.s32 s0, s10  }
0xea: {  	[tilespmem:s20], [sflag:$0x3] =	stream.linear.gather [hbm4b:s7+s3], $0x50, $0x38;
	[tilespmem:$0x980] =	vst v63  }
0xeb: {  	s8 =	rddreg [dreg:$0x5];
	s6 =	sadd.s32 s0, s9  }
0xec: {  	[tilespmem:s21], [sflag:$0x3] =	stream.linear.gather [hbm4b:s6+s3], $0x50, $0x38;
	[tilespmem:$0x980] =	vst v63  }
0xed: {  	s5 =	sadd.s32 s0, s8;
	s15 =	rddreg [dreg:$0x4]  }
0xee: {  	[tilespmem:s22], [sflag:$0x4] =	stream.linear.gather [hbm4b:s5+s3], $0x50, $0x38;
	[tilespmem:$0x980] =	vst v63  }
0xef: {  	s7 =	sadd.s32 s0, s15  }
0xf0: {  	[tilespmem:s23], [sflag:$0x4] =	stream.linear.gather [hbm4b:s7+s3], $0x50, $0x38;
	[tilespmem:$0x980] =	vst v63  }
0xf1: {  	_ =	swait.ge [sflag:s24], $0x50  }
0xf2: {  	[sflag:s24] =	ssyncset.done $0x0  }
0xf3: {  	[sflag:s24] =	ssyncadd.s32 $0xFFFFFFB0  }
0xf4: {  	_ =	swait.ge [sflag:s24], $0x50  }
0xf5: {  	[sflag:s24] =	ssyncset.done $0x0  }
0xf6: {  	[sflag:s24] =	ssyncadd.s32 $0xFFFFFFB0  }
0xf7: {  	[spmem:s2] =	stream.indirect.scatter.add.f32 [tilespmem:s26], [sflag:$0x5], $0x1, s3, s25, $0xb8;
	[tilespmem:$0x980] =	vst v63  }
0xf8: {  	_ = 	snop  }
0xf9: {  	[spmem:s2] =	stream.indirect.scatter.add.f32 [tilespmem:s26], [sflag:$0x5], $0x1, s17, s25, $0xb8;
	[tilespmem:$0x980] =	vst v63  }
0xfa: {  	_ =	swait.ge [sflag:s28], $0x50  }
0xfb: {  	[sflag:s28] =	ssyncset.done $0x0  }
0xfc: {  	[sflag:s28] =	ssyncadd.s32 $0xFFFFFFB0  }
0xfd: {  	_ =	swait.ge [sflag:s28], $0x50  }
0xfe: {  	[sflag:s28] =	ssyncset.done $0x0  }
0xff: {  	[sflag:s28] =	ssyncadd.s32 $0xFFFFFFB0  }
0x100: {  	[spmem:s2] =	stream.indirect.scatter.add.f32 [tilespmem:s26], [sflag:$0x5], $0x1, s18, s25, $0xb8;
	[tilespmem:$0x980] =	vst v63  }
0x101: {  	_ = 	snop  }
0x102: {  	[spmem:s2] =	stream.indirect.scatter.add.f32 [tilespmem:s26], [sflag:$0x5], $0x1, s19, s25, $0xb8;
	[tilespmem:$0x980] =	vst v63  }
0x103: {  	_ =	swait.ge [sflag:s29], $0x50  }
0x104: {  	[sflag:s29] =	ssyncset.done $0x0  }
0x105: {  	[sflag:s29] =	ssyncadd.s32 $0xFFFFFFB0  }
0x106: {  	_ =	swait.ge [sflag:s29], $0x50  }
0x107: {  	[sflag:s29] =	ssyncset.done $0x0  }
0x108: {  	[sflag:s29] =	ssyncadd.s32 $0xFFFFFFB0  }
0x109: {  	[spmem:s2] =	stream.indirect.scatter.add.f32 [tilespmem:s26], [sflag:$0x5], $0x1, s20, s25, $0xb8;
	[tilespmem:$0x980] =	vst v63  }
0x10a: {  	_ = 	snop  }
0x10b: {  	[spmem:s2] =	stream.indirect.scatter.add.f32 [tilespmem:s26], [sflag:$0x5], $0x1, s21, s25, $0xb8;
	[tilespmem:$0x980] =	vst v63  }
0x10c: {  	_ =	swait.ge [sflag:s30], $0x50  }
0x10d: {  	[sflag:s30] =	ssyncset.done $0x0  }
0x10e: {  	[sflag:s30] =	ssyncadd.s32 $0xFFFFFFB0  }
0x10f: {  	_ =	swait.ge [sflag:s30], $0x50  }
0x110: {  	[sflag:s30] =	ssyncset.done $0x0  }
0x111: {  	[sflag:s30] =	ssyncadd.s32 $0xFFFFFFB0  }
0x112: {  	[spmem:s2] =	stream.indirect.scatter.add.f32 [tilespmem:s26], [sflag:$0x5], $0x1, s22, s25, $0xb8;
	[tilespmem:$0x980] =	vst v63  }
0x113: {  	_ = 	snop  }
0x114: {  	[spmem:s2] =	stream.indirect.scatter.add.f32 [tilespmem:s26], [sflag:$0x5], $0x1, s23, s25, $0xb8;
	[tilespmem:$0x980] =	vst v63  }
0x115: {  	_ =	swait.ge [sflag:s31], $0x50  }
0x116: {  	[sflag:s31] =	ssyncset.done $0x0  }
0x117: {  	[sflag:s31] =	ssyncadd.s32 $0xFFFFFFB0  }
0x118: {  	_ =	swait.ge [sflag:s31], $0x50  }
0x119: {  	[sflag:s31] =	ssyncset.done $0x0  }
0x11a: {  	[sflag:s31] =	ssyncadd.s32 $0xFFFFFFB0  }
0x11b: {  	_ =	swait.ge [sflag:s31], $0x50  }
0x11c: {  	[sflag:s31] =	ssyncset.done $0x0  }
0x11d: {  	[sflag:s31] =	ssyncadd.s32 $0xFFFFFFB0  }
0x11e: {  	_ =	swait.ge [sflag:s31], $0x50  }
0x11f: {  	[sflag:s31] =	ssyncset.done $0x0  }
0x120: {  	[sflag:s31] =	ssyncadd.s32 $0xFFFFFFB0  }
0x121: {  	_ =	swait.ge [sflag:s31], $0x50  }
0x122: {  	[sflag:s31] =	ssyncset.done $0x0  }
0x123: {  	[sflag:s31] =	ssyncadd.s32 $0xFFFFFFB0  }
0x124: {  	_ =	swait.ge [sflag:s31], $0x50  }
0x125: {  	[sflag:s31] =	ssyncset.done $0x0  }
0x126: {  	[sflag:s31] =	ssyncadd.s32 $0xFFFFFFB0  }
0x127: {  	_ =	swait.ge [sflag:s31], $0x50  }
0x128: {  	[sflag:s31] =	ssyncset.done $0x0  }
0x129: {  	[sflag:s31] =	ssyncadd.s32 $0xFFFFFFB0  }
0x12a: {  	_ =	swait.ge [sflag:s31], $0x50  }
0x12b: {  	[sflag:s31] =	ssyncset.done $0x0  }
0x12c: {  	s8 =	rddreg [dreg:$0x6];
	[sflag:s31] =	ssyncadd.s32 $0xFFFFFFB0  }
0x12d: {  	[tilespmem:s3], [sflag:$0x6] =	stream.linear.gather [hbm4b:s8+s3], $0x50, $0x38;
	[tilespmem:$0x980] =	vst v63  }
0x12e: {  	_ =	swait.ge [sflag:s16], $0x50  }
0x12f: {  	[sflag:s16] =	ssyncset.done $0x0  }
0x130: {  	s15 =	rddreg [dreg:$0x7];
	[sflag:s16] =	ssyncadd.s32 $0xFFFFFFB0  }
0x131: {  	[tilespmem:s17], [sflag:$0x6] =	stream.linear.gather [hbm4b:s15+s3], $0x50, $0x38;
	[tilespmem:$0x980] =	vst v63  }
0x132: {  	_ =	swait.ge [sflag:s16], $0x50  }
0x133: {  	[sflag:s16] =	ssyncset.done $0x0  }
0x134: {  	[sflag:s16] =	ssyncadd.s32 $0xFFFFFFB0  }
0x135: {  	[spmem:s2] =	stream.indirect.scatter.add.f32 [tilespmem:s26], [sflag:$0x6], $0x1, s3, s25, $0xb8;
	[tilespmem:$0x980] =	vst v63  }
0x136: {  	_ =	swait.ge [sflag:s16], $0x50  }
0x137: {  	[sflag:s16] =	ssyncset.done $0x0  }
0x138: {  	[sflag:s16] =	ssyncadd.s32 $0xFFFFFFB0  }
0x139: {  	[spmem:s2] =	stream.indirect.scatter.add.f32 [tilespmem:s26], [sflag:$0x6], $0x1, s17, s25, $0xb8;
	[tilespmem:$0x980] =	vst v63  }
0x13a: {  	_ =	swait.ge [sflag:s16], $0x50  }
0x13b: {  	s5 =	stileid.u32;
	[sflag:s16] =	ssyncset.done $0x0  }
0x13c: {  	s0 =	sshll.u32 s5, $0x6;
	[sflag:s16] =	ssyncadd.s32 $0xFFFFFFB0  }
0x13d: {  	s6 =	sshrl.u32 s4, $0x3;
	s0 =	sor.u32 $0x1C06, s0;
	[bflag:$0x0] =	sbarrier.arrive $0xFFFF  }
0x13e: {  	s7 =	simm.s32 $0x20;
	s8 =	simm.s32 $0x10;
	s15 =	rddreg [dreg:$0x8]  }
0x13f: {  	[hbm:s15@s7], [sflag:s0] =	dma.strided [spmem:s6@s8], $0x50, s24, $0x10   }
0x140: {  	_ =	swait.ge [sflag:s16], $0x50  }
0x141: {  	s1 =	sadd.s32 $0x1, s1;
	s15 =	rddreg [dreg:$0x9]  }
0x142: {  	p0 =	sne.s32 s1, s15  }
.Ltmp1:
0x143: {  	_ = 	snop;
	(pc) =	sbr.rel @p0 .LBB2_1-.Ltmp1, $3  }
0x144: {  	_ =	sdelay $0x1  }
0x145: {  	[sflag:s16] =	ssyncset.done $0x0  }
0x146: {  	[sflag:s16] =	ssyncadd.s32 $0xFFFFFFB0  }
0x147: {  	_ =	sfence.sel $0x180000  }
0x148: {  	[bflag:$0x0] =	sbarrier.arrive $0xFFFF  }
0x149: {  	_ =	strace $0x90000047  }
0x14a: {  	s0 =	stileid.u32;
	[bflag:$0x2] =	sbarrier.arrive $0xFFFF  }
0x14b: {  	p0 =	sne.s32 s0, $0x0;
	s0 =	rddreg [dreg:$0x3]  }
0x14c: {  	s0 =	sadd.s32 @!p0 $0x100000, s0  }
0x14d: {  	[sflag:s0] =	ssyncadd.tile.s32 @!p0 $0x1;
	_ =	shalt  }
.Lfunc_end2:
_tile_overlayer_lowered:
.L_overlay_start_2:
0x14e: {  	(tag) =	ssettag $0x2  }
0x14f: {  	s0 =	rddreg [dreg:$0x0];
	s2 =	stileid.u32  }
0x150: {  	s1 =	rddreg [dreg:$0x1];
	p0 =	sne.s32 s2, $0x0  }
0x151: {  	s3 =	rddreg [dreg:$0x2];
	[bflag:$0x3] =	sbarrier.arrive $0xFFFF;
	s2 =	simm.s32 @!p0 $0x1C06  }
0x152: {  	[timem:s3], [sflag:s2] =	dma.local @!p0 [hbm:s0], s1  }
0x153: {  	s0 =	simm.s32 @!p0 $0x6  }
0x154: {  	_ =	swait.ge @!p0 [sflag:s0], s1  }
0x155: {  	s1 =	ssub.s32 @!p0 $0x0, s1;
	[sflag:s0] =	ssyncset.done @!p0 $0x0  }
0x156: {  	[sflag:s0] =	ssyncadd.s32 @!p0 s1  }
0x157: {  	[bflag:$0x3] =	sbarrier.arrive $0xFFFF  }
0x158: {  	_ =	shalt  }

</sc_bundles>
